<compile_context>
chip_gen: v7x
topology: tpu7x:2x2x1
jax: 0.10.2.dev20260603
libtpu: 0.0.44.dev20260713+nightly
codegen_flags: <defaults>
</compile_context>

<pallas_src>
import functools

import jax
import jax.numpy as jnp
from jax import lax
from jax.experimental import pallas as pl
from jax.experimental.pallas import tpu as pltpu
from jax.experimental.pallas import tpu_sc as plsc

N = 10000
D = 128
E = 320000
EPS = 1e-5

NC, NS = 2, 16
NW = NC * NS
K = 80
CHUNKS = E // K
CPW = CHUNKS // NW
NBUF = 5
MLAG = 2
RPS = N // NS
NPAD1 = 10240
SEG = NPAD1 // NS

BN = 1000
GRID = N // BN


def _mesh():
    return plsc.VectorSubcoreMesh(
        core_axis_name="c", subcore_axis_name="s", num_cores=NC, num_subcores=NS
    )


_sc_params = pltpu.CompilerParams(use_tc_tiling_on_sc=False)


@functools.partial(
    pl.kernel,
    out_type=jax.ShapeDtypeStruct((NC, NPAD1), jnp.float32),
    mesh=_mesh(),
    compiler_params=_sc_params,
    scratch_types=[
        pltpu.VMEM((CPW, K), jnp.int32),
        pltpu.VMEM((K,), jnp.float32),
        pltpu.VMEM((SEG,), jnp.float32),
        pltpu.VMEM_SHARED((NPAD1,), jnp.float32),
        pltpu.SemaphoreType.DMA,
    ],
)
def _deg_kernel(col_hbm, out_hbm, idx_v, ones_v, zb_v, deg_sh, sem):
    c = lax.axis_index("c")
    s = lax.axis_index("s")
    wid = s * NC + c

    def fill_z(i, carry):
        zb_v[pl.ds(i * 16, 16)] = jnp.zeros((16,), jnp.float32)
        return carry

    lax.fori_loop(0, SEG // 16, fill_z, 0)

    def fill_o(i, carry):
        ones_v[pl.ds(i * 16, 16)] = jnp.full((16,), 1.0, jnp.float32)
        return carry

    lax.fori_loop(0, K // 16, fill_o, 0)

    pltpu.sync_copy(zb_v, deg_sh.at[pl.ds(s * SEG, SEG)])
    pltpu.sync_copy(col_hbm.at[pl.ds(wid * CPW, CPW)], idx_v)
    plsc.subcore_barrier()

    def body(j, carry):
        pltpu.async_copy(ones_v, deg_sh.at[idx_v.at[j]], sem, add=True)
        return carry

    lax.fori_loop(0, CPW, body, 0)

    def drain(j, carry):
        pltpu.make_async_copy(ones_v, deg_sh.at[idx_v.at[j]], sem).wait()
        return carry

    lax.fori_loop(0, CPW, drain, 0)
    plsc.subcore_barrier()
    pltpu.sync_copy(deg_sh.at[pl.ds(s * SEG, SEG)], out_hbm.at[c, pl.ds(s * SEG, SEG)])


DH = D // 2
CPC = CHUNKS // NS


def _make_conv(dtype):
    lanes = 32 if dtype == jnp.bfloat16 else 16

    def body(h2_hbm, row_hbm, col_hbm, out_hbm, idxr_v, idxc_v, zb_v, bufs,
             sems, sems2, acc_sh):
        c = lax.axis_index("c")
        s = lax.axis_index("s")
        h2c = h2_hbm.at[c]

        def fill_z(i, carry):
            for g in range(DH // lanes):
                zb_v[i, pl.ds(g * lanes, lanes)] = jnp.zeros((lanes,), dtype)
            return carry

        lax.fori_loop(0, 125, fill_z, 0)
        for t in range(RPS // 125):
            pltpu.sync_copy(zb_v, acc_sh.at[pl.ds(s * RPS + t * 125, 125)])

        pltpu.sync_copy(row_hbm.at[pl.ds(s * CPC, CPC)], idxr_v)
        pltpu.sync_copy(col_hbm.at[pl.ds(s * CPC, CPC)], idxc_v)
        plsc.subcore_barrier()

        for b in range(NBUF - MLAG):
            pltpu.async_copy(h2c.at[idxr_v.at[b]], bufs[b], sems[b])

        def outer(i, carry):
            for b in range(NBUF):
                j = i * NBUF + b
                bw = (b + NBUF - MLAG) % NBUF

                @pl.when(j >= MLAG)
                def _drain_scatter():
                    pltpu.make_async_copy(
                        bufs[bw], acc_sh.at[idxc_v.at[j - MLAG]],
                        sems2[bw]).wait()

                @pl.when(j + NBUF - MLAG < CPC)
                def _start_gather():
                    pltpu.async_copy(
                        h2c.at[idxr_v.at[j + NBUF - MLAG]], bufs[bw], sems[bw])

                pltpu.make_async_copy(
                    h2c.at[idxr_v.at[j]], bufs[b], sems[b]).wait()
                pltpu.async_copy(bufs[b], acc_sh.at[idxc_v.at[j]], sems2[b],
                                 add=True)

            return carry

        lax.fori_loop(0, CPC // NBUF, outer, 0)
        for t in range(MLAG):
            jj = CPC - MLAG + t
            bb = jj % NBUF
            pltpu.make_async_copy(bufs[bb], acc_sh.at[idxc_v.at[jj]],
                                  sems2[bb]).wait()

        plsc.subcore_barrier()
        pltpu.sync_copy(acc_sh.at[pl.ds(s * RPS, RPS)],
                        out_hbm.at[c, pl.ds(s * RPS, RPS)])

    return pl.kernel(
        body,
        out_type=jax.ShapeDtypeStruct((NC, N, DH), dtype),
        mesh=_mesh(),
        compiler_params=_sc_params,
        scratch_types=[
            pltpu.VMEM((CPC, K), jnp.int32),
            pltpu.VMEM((CPC, K), jnp.int32),
            pltpu.VMEM((125, DH), dtype),
            [pltpu.VMEM((K, DH), dtype) for _ in range(NBUF)],
            [pltpu.SemaphoreType.DMA for _ in range(NBUF)],
            [pltpu.SemaphoreType.DMA for _ in range(NBUF)],
            pltpu.VMEM_SHARED((N, DH), dtype),
        ],
    )


_conv_f32 = _make_conv(jnp.float32)
_conv_bf16 = _make_conv(jnp.bfloat16)


def _dis_from(degp_ref):
    deg = degp_ref[0, 0, :] + degp_ref[0, 1, :] + 2.0
    return lax.rsqrt(deg)


def _split_write(out_ref, h2):
    h2 = h2.astype(out_ref.dtype)
    out_ref[0, :, :] = h2[:, :DH]
    out_ref[1, :, :] = h2[:, DH:]


def _mm_scale_body(degp_ref, x_ref, w_ref, h2_ref):
    dis = _dis_from(degp_ref)
    h = jnp.dot(x_ref[...], w_ref[...], preferred_element_type=jnp.float32)
    _split_write(h2_ref, h * dis[:, None])


def _block_phase0(degp_ref, acc_ref, h2_ref, b_ref, pre_s, st_s, j):
    dis = _dis_from(degp_ref)[:, None]
    tot = jnp.concatenate(
        [acc_ref[0], acc_ref[1]], axis=1).astype(jnp.float32)
    h2 = jnp.concatenate(
        [h2_ref[0], h2_ref[1]], axis=1).astype(jnp.float32)
    pre = dis * tot + 2.0 * dis * h2 + b_ref[...]
    pre_s[j] = pre
    st = jnp.concatenate(
        [jnp.sum(pre, axis=0, keepdims=True),
         jnp.sum(pre * pre, axis=0, keepdims=True)], axis=0)

    @pl.when(j == 0)
    def _init():
        st_s[...] = st

    @pl.when(j > 0)
    def _acc():
        st_s[...] += st


def _bn_relu_res(pre, st_s, g_ref, be_ref, res_ref):
    m = st_s[0:1, :] * (1.0 / N)
    v = st_s[1:2, :] * (1.0 / N) - m * m
    inv = lax.rsqrt(v + EPS)
    return (
        jnp.maximum((pre - m) * inv * g_ref[...] + be_ref[...], 0.0)
        + res_ref[...]
    )


def _mid_body(degp_ref, acc_ref, h2_ref, b_ref, g_ref, be_ref, res_ref, w_ref,
              y_ref, h2o_ref, pre_s, st_s):
    p = pl.program_id(0)
    j = pl.program_id(1)

    @pl.when(p == 0)
    def _phase0():
        _block_phase0(degp_ref, acc_ref, h2_ref, b_ref, pre_s, st_s, j)

    @pl.when(p == 1)
    def _phase1():
        y = _bn_relu_res(pre_s[j], st_s, g_ref, be_ref, res_ref)
        y_ref[...] = y
        dis = _dis_from(degp_ref)
        mm = jnp.dot(y, w_ref[...], preferred_element_type=jnp.float32)
        _split_write(h2o_ref, mm * dis[:, None])


def _head_body(degp_ref, acc_ref, h2_ref, b_ref, g_ref, be_ref, res_ref,
               w_ref, wb_ref, out_ref, pre_s, st_s):
    p = pl.program_id(0)
    j = pl.program_id(1)

    @pl.when(p == 0)
    def _phase0():
        _block_phase0(degp_ref, acc_ref, h2_ref, b_ref, pre_s, st_s, j)

    @pl.when(p == 1)
    def _phase1():
        z = _bn_relu_res(pre_s[j], st_s, g_ref, be_ref, res_ref)
        out_ref[...] = (
            jnp.dot(z, w_ref[...], preferred_element_type=jnp.float32)
            + wb_ref[...]
        )


_seq = pltpu.CompilerParams(dimension_semantics=("arbitrary",))

_row_spec = pl.BlockSpec((BN, D), lambda i: (i, 0))
_degp_spec = pl.BlockSpec((1, 2, BN), lambda i: (i, 0, 0))
_full_spec = pl.BlockSpec((D, D), lambda i: (0, 0))
_vec_spec = pl.BlockSpec((1, D), lambda i: (0, 0))
_st_spec = pl.BlockSpec((2, D), lambda i: (0, 0))
_split_spec = pl.BlockSpec((2, BN, DH), lambda i: (0, i, 0))
_split_f32 = jax.ShapeDtypeStruct((2, N, DH), jnp.float32)
_split_bf16 = jax.ShapeDtypeStruct((2, N, DH), jnp.bfloat16)

_mm_scale = pl.pallas_call(
    _mm_scale_body,
    grid=(GRID,),
    in_specs=[_degp_spec, _row_spec, _full_spec],
    out_specs=_split_spec,
    out_shape=_split_f32,
    compiler_params=_seq,
)

_seq2 = pltpu.CompilerParams(dimension_semantics=("arbitrary", "arbitrary"))

_degp_spec2 = pl.BlockSpec((1, 2, BN), lambda p, j: (j, 0, 0))
_split_p0 = pl.BlockSpec((2, BN, DH), lambda p, j: (0, jnp.where(p == 0, j, 0), 0))
_acc_p0 = _split_p0
_row_p1 = pl.BlockSpec((BN, D), lambda p, j: (jnp.where(p == 1, j, 0), 0))
_split_out_p1 = pl.BlockSpec((2, BN, DH),
                             lambda p, j: (0, jnp.where(p == 1, j, 0), 0))
_vec_spec2 = pl.BlockSpec((1, D), lambda p, j: (0, 0))
_full_spec2 = pl.BlockSpec((D, D), lambda p, j: (0, 0))

_m_scratch = [pltpu.VMEM((GRID, BN, D), jnp.float32),
              pltpu.VMEM((2, D), jnp.float32)]

_mid = pl.pallas_call(
    _mid_body,
    grid=(2, GRID),
    in_specs=[_degp_spec2, _acc_p0, _split_p0, _vec_spec2, _vec_spec2,
              _vec_spec2, _row_p1, _full_spec2],
    out_specs=[_row_p1, _split_out_p1],
    out_shape=[jax.ShapeDtypeStruct((N, D), jnp.float32), _split_bf16],
    scratch_shapes=_m_scratch,
    compiler_params=_seq2,
)

_head = pl.pallas_call(
    _head_body,
    grid=(2, GRID),
    in_specs=[_degp_spec2, _acc_p0, _split_p0, _vec_spec2, _vec_spec2,
              _vec_spec2, _row_p1, _full_spec2, _vec_spec2],
    out_specs=_row_p1,
    out_shape=jax.ShapeDtypeStruct((N, D), jnp.float32),
    scratch_shapes=_m_scratch,
    compiler_params=_seq2,
)


def kernel(x, edge_index, W1, b1, g1, be1, W2, b2, g2, be2, Wh, bh):
    row2 = edge_index[0].reshape(CHUNKS, K)
    col2 = edge_index[1].reshape(CHUNKS, K)

    degp = _deg_kernel(col2)[:, :N]
    degp = degp.reshape(2, GRID, BN).transpose(1, 0, 2)
    h2bf = _mm_scale(degp, x, W1)
    acc1 = _conv_f32(h2bf, row2, col2)
    y1, h2bbf = _mid(degp, acc1, h2bf, b1.reshape(1, D), g1.reshape(1, D),
                     be1.reshape(1, D), x, W2)
    acc2 = _conv_bf16(h2bbf, row2, col2)
    return _head(degp, acc2, h2bbf, b2.reshape(1, D), g2.reshape(1, D),
                 be2.reshape(1, D), y1, Wh, bh.reshape(1, D))

# --- scband reference (transcript-rebuilt; emitter-appended) ---
"""Pipeline reference for scband-res-gcn-2576980377707 (READ-ONLY COPY).

The authoritative reference and input builder live on the scoring server;
editing this copy changes nothing except your own understanding.
"""

import jax, jax.numpy as jnp
import numpy as np

N = 10000
E = 320000
D = 128
H = 128
O = 128
EPS = 1e-5


def setup_inputs(seed: int = 0) -> dict:
    key = jax.random.key(seed)
    ks = jax.random.split(key, 8)
    x = jax.random.normal(ks[0], (N, D), dtype=jnp.float32)
    edge_index = jax.random.randint(ks[1], (2, E), 0, N, dtype=jnp.int32)
    W1 = jax.random.normal(ks[2], (D, H), dtype=jnp.float32) * 0.05
    b1 = jnp.zeros((H,), jnp.float32)
    g1 = jnp.ones((H,), jnp.float32)
    be1 = jnp.zeros((H,), jnp.float32)
    W2 = jax.random.normal(ks[3], (H, H), dtype=jnp.float32) * 0.05
    b2 = jnp.zeros((H,), jnp.float32)
    g2 = jnp.ones((H,), jnp.float32)
    be2 = jnp.zeros((H,), jnp.float32)
    Wh = jax.random.normal(ks[4], (H, O), dtype=jnp.float32) * 0.05
    bh = jnp.zeros((O,), jnp.float32)
    return {"x": x, "edge_index": edge_index, "W1": W1, "b1": b1, "g1": g1,
            "be1": be1, "W2": W2, "b2": b2, "g2": g2, "be2": be2,
            "Wh": Wh, "bh": bh}


def _gcn_conv(x, edge_index, W, b):
    # GCNConv(improved=True): add self loops with weight 2.0, symmetric norm
    row = edge_index[0]
    col = edge_index[1]
    loop = jnp.arange(N, dtype=edge_index.dtype)
    row2 = jnp.concatenate([row, loop])
    col2 = jnp.concatenate([col, loop])
    ew = jnp.concatenate([jnp.ones((E,), jnp.float32), jnp.full((N,), 2.0, jnp.float32)])
    deg = jnp.zeros((N,), jnp.float32).at[col2].add(ew)
    safe_deg = jnp.where(deg > 0, deg, 1.0)
    dis = jnp.where(deg > 0, 1.0 / jnp.sqrt(safe_deg), 0.0)
    norm = dis[row2] * ew * dis[col2]
    h = x @ W
    out = jnp.zeros((N, W.shape[1]), jnp.float32).at[col2].add(h[row2] * norm[:, None])
    return out + b


def _bn(x, g, b):
    m = jnp.mean(x, axis=0)
    v = jnp.var(x, axis=0)
    return (x - m) / jnp.sqrt(v + EPS) * g + b


def _block(x, edge_index, W, b, g, be):
    out = _gcn_conv(x, edge_index, W, b)
    out = jax.nn.relu(_bn(out, g, be))
    # dim_in == dim_out so res_proj is None; identity residual
    return out + x


def reference(x, edge_index, W1, b1, g1, be1, W2, b2, g2, be2, Wh, bh):
    h = _block(x, edge_index, W1, b1, g1, be1)
    h = _block(h, edge_index, W2, b2, g2, be2)
    return h @ Wh + bh

if __name__ == "__main__":
    import jax
    _d = setup_inputs()
    print(jax.jit(kernel)(*tuple(_d.values())))

</pallas_src>

<mosaic_0001>
#map = affine_map<(d0, d1) -> (0, 0)>
module attributes {stable_mosaic.version = 14 : i64} {
  func.func @_deg_kernel(%arg0: i32, %arg1: i32, %arg2: memref<4000x80xi32, #tpu.memory_space<hbm>>, %arg3: memref<2x10240xf32, #tpu.memory_space<hbm>>, %arg4: memref<125x80xi32, #tpu.memory_space<vmem>>, %arg5: memref<80xf32, #tpu.memory_space<vmem>>, %arg6: memref<640xf32, #tpu.memory_space<vmem>>, %arg7: memref<10240xf32, #tpu.memory_space<vmem_shared>>, %arg8: memref<!tpu.dma_semaphore, #tpu.memory_space<semaphore_mem>>) attributes {dimension_semantics = [#tpu.dimension_semantics<core_parallel>, #tpu.dimension_semantics<subcore_parallel>], iteration_bounds = array<i64: 2, 16>, scalar_prefetch = 0 : i64, scratch_operands = 5 : i64, tpu.core_type = #tpu.core_type<sc_vector_subcore>, window_params = [{transform_indices = #map}, {transform_indices = #map}]} {
    %mul3A = arith.constant 2 : i32
    %mul3A_0 = arith.muli %arg1, %mul3A : i32
    %add3A = arith.addi %mul3A_0, %arg0 : i32
    %scan3A = arith.constant 0 : i32
    %scan3A_1 = arith.constant 0 : i32
    %scan3A_2 = arith.constant 40 : i32
    %scan3A_3 = arith.addi %scan3A_1, %scan3A_2 : i32
    %scan3A_4 = arith.constant 1 : i32
    scf.for %scan3A_33 = %scan3A_1 to %scan3A_3 step %scan3A_4  : i32 {
      %broadcast_in_dim3A = arith.constant 0.000000e+00 : f32
      %broadcast_in_dim3A_34 = vector.broadcast %broadcast_in_dim3A : f32 to vector<16xf32>
      %mul3A_35 = arith.constant 16 : i32
      %mul3A_36 = arith.muli %scan3A_33, %mul3A_35 : i32
      %swap3A = arith.index_cast %mul3A_36 : i32 to index
      %swap3A_37 = tpu.vector_load %arg6[%swap3A] {strides = array<i32>} : memref<640xf32, #tpu.memory_space<vmem>>, vector<16xf32>,
      %swap3A_38 = vector.shape_cast %swap3A_37 : vector<16xf32> to vector<16xf32>
      %swap3A_39 = vector.shape_cast %broadcast_in_dim3A_34 : vector<16xf32> to vector<16xf32>
      tpu.vector_store %arg6[%swap3A], %swap3A_39 {strides = array<i32>} : memref<640xf32, #tpu.memory_space<vmem>>, vector<16xf32>,
    }
    %scan3A_5 = arith.constant 40 : i32
    %scan3A_6 = arith.constant 0 : i32
    %scan3A_7 = arith.constant 0 : i32
    %scan3A_8 = arith.constant 5 : i32
    %scan3A_9 = arith.addi %scan3A_7, %scan3A_8 : i32
    %scan3A_10 = arith.constant 1 : i32
    scf.for %scan3A_33 = %scan3A_7 to %scan3A_9 step %scan3A_10  : i32 {
      %broadcast_in_dim3A = arith.constant 1.000000e+00 : f32
      %broadcast_in_dim3A_34 = vector.broadcast %broadcast_in_dim3A : f32 to vector<16xf32>
      %mul3A_35 = arith.constant 16 : i32
      %mul3A_36 = arith.muli %scan3A_33, %mul3A_35 : i32
      %swap3A = arith.index_cast %mul3A_36 : i32 to index
      %swap3A_37 = tpu.vector_load %arg5[%swap3A] {strides = array<i32>} : memref<80xf32, #tpu.memory_space<vmem>>, vector<16xf32>,
      %swap3A_38 = vector.shape_cast %swap3A_37 : vector<16xf32> to vector<16xf32>
      %swap3A_39 = vector.shape_cast %broadcast_in_dim3A_34 : vector<16xf32> to vector<16xf32>
      tpu.vector_store %arg5[%swap3A], %swap3A_39 {strides = array<i32>} : memref<80xf32, #tpu.memory_space<vmem>>, vector<16xf32>,
    }
    %scan3A_11 = arith.constant 5 : i32
    %mul3A_12 = arith.constant 640 : i32
    %mul3A_13 = arith.muli %arg1, %mul3A_12 : i32
    "tpu.region"() ({
      %run_scoped3A = tpu.sem_alloc : memref<!tpu.dma_semaphore, #tpu.memory_space<semaphore_mem>>
      %dma_start3A = tpu.memref_slice %arg7[%mul3A_13] : memref<10240xf32, #tpu.memory_space<vmem_shared>> -> memref<640xf32, #tpu.memory_space<vmem_shared>>
      %dma_start3A_33 = tpu.memref_slice %arg7[%mul3A_13] : memref<10240xf32, #tpu.memory_space<vmem_shared>> -> memref<640xf32, #tpu.memory_space<vmem_shared>>
      tpu.enqueue_dma source(%arg6 : memref<640xf32, #tpu.memory_space<vmem>>) target(%dma_start3A_33 : memref<640xf32, #tpu.memory_space<vmem_shared>>) target_semaphore(%run_scoped3A : memref<!tpu.dma_semaphore, #tpu.memory_space<semaphore_mem>>)
      %dma_wait3A = tpu.memref_slice %arg7[%mul3A_13] : memref<10240xf32, #tpu.memory_space<vmem_shared>> -> memref<640xf32, #tpu.memory_space<vmem_shared>>
      %dma_wait3A_34 = tpu.memref_slice %arg7[%mul3A_13] : memref<10240xf32, #tpu.memory_space<vmem_shared>> -> memref<640xf32, #tpu.memory_space<vmem_shared>>
      tpu.wait_dma2 semaphore(%run_scoped3A : memref<!tpu.dma_semaphore, #tpu.memory_space<semaphore_mem>>) src(%arg6 : memref<640xf32, #tpu.memory_space<vmem>>) dst(%dma_wait3A_34 : memref<640xf32, #tpu.memory_space<vmem_shared>>)
      tpu.yield
    }) : () -> ()
    %mul3A_14 = arith.constant 125 : i32
    %mul3A_15 = arith.muli %add3A, %mul3A_14 : i32
    "tpu.region"() ({
      %run_scoped3A = tpu.sem_alloc : memref<!tpu.dma_semaphore, #tpu.memory_space<semaphore_mem>>
      %dma_start3A = arith.constant 0 : i32
      %dma_start3A_33 = tpu.memref_slice %arg2[%mul3A_15, %dma_start3A] : memref<4000x80xi32, #tpu.memory_space<hbm>> -> memref<125x80xi32, #tpu.memory_space<hbm>>
      %dma_start3A_34 = arith.constant 0 : i32
      %dma_start3A_35 = tpu.memref_slice %arg2[%mul3A_15, %dma_start3A_34] : memref<4000x80xi32, #tpu.memory_space<hbm>> -> memref<125x80xi32, #tpu.memory_space<hbm>>
      tpu.enqueue_dma source(%dma_start3A_35 : memref<125x80xi32, #tpu.memory_space<hbm>>) target(%arg4 : memref<125x80xi32, #tpu.memory_space<vmem>>) target_semaphore(%run_scoped3A : memref<!tpu.dma_semaphore, #tpu.memory_space<semaphore_mem>>)
      %dma_wait3A = arith.constant 0 : i32
      %dma_wait3A_36 = tpu.memref_slice %arg2[%mul3A_15, %dma_wait3A] : memref<4000x80xi32, #tpu.memory_space<hbm>> -> memref<125x80xi32, #tpu.memory_space<hbm>>
      %dma_wait3A_37 = arith.constant 0 : i32
      %dma_wait3A_38 = tpu.memref_slice %arg2[%mul3A_15, %dma_wait3A_37] : memref<4000x80xi32, #tpu.memory_space<hbm>> -> memref<125x80xi32, #tpu.memory_space<hbm>>
      tpu.wait_dma2 semaphore(%run_scoped3A : memref<!tpu.dma_semaphore, #tpu.memory_space<semaphore_mem>>) src(%dma_wait3A_38 : memref<125x80xi32, #tpu.memory_space<hbm>>) dst(%arg4 : memref<125x80xi32, #tpu.memory_space<vmem>>)
      tpu.yield
    }) : () -> ()
    %barrier3A = arith.constant 0 : index
    tpu.barrier barrier_id(%barrier3A)
    %scan3A_16 = arith.constant 0 : i32
    %scan3A_17 = arith.constant 0 : i32
    %scan3A_18 = arith.constant 125 : i32
    %scan3A_19 = arith.addi %scan3A_17, %scan3A_18 : i32
    %scan3A_20 = arith.constant 1 : i32
    scf.for %scan3A_33 = %scan3A_17 to %scan3A_19 step %scan3A_20  : i32 {
      %dma_start3A = arith.constant 0 : i32
      %dma_start3A_34 = tpu.memref_slice %arg4[%scan3A_33, %dma_start3A] : memref<125x80xi32, #tpu.memory_space<vmem>> -> memref<1x80xi32, #tpu.memory_space<vmem>>
      %dma_start3A_35 = tpu.memref_squeeze %dma_start3A_34 : memref<1x80xi32, #tpu.memory_space<vmem>> -> memref<80xi32, #tpu.memory_space<vmem>>
      %dma_start3A_36 = arith.constant 0 : i32
      %dma_start3A_37 = tpu.memref_slice %arg7[%dma_start3A_36] : memref<10240xf32, #tpu.memory_space<vmem_shared>> -> memref<10240xf32, #tpu.memory_space<vmem_shared>>
      tpu.enqueue_indirect_dma source(%arg5 : memref<80xf32, #tpu.memory_space<vmem>>) target(%dma_start3A_37 : memref<10240xf32, #tpu.memory_space<vmem_shared>>) offsets(%dma_start3A_35 : memref<80xi32, #tpu.memory_space<vmem>>) semaphore(%arg8 : memref<!tpu.dma_semaphore, #tpu.memory_space<semaphore_mem>>) {add = true}
    }
    %scan3A_21 = arith.constant 125 : i32
    %scan3A_22 = arith.constant 0 : i32
    %scan3A_23 = arith.constant 0 : i32
    %scan3A_24 = arith.constant 125 : i32
    %scan3A_25 = arith.addi %scan3A_23, %scan3A_24 : i32
    %scan3A_26 = arith.constant 1 : i32
    scf.for %scan3A_33 = %scan3A_23 to %scan3A_25 step %scan3A_26  : i32 {
      %dma_wait3A = arith.constant 0 : i32
      %dma_wait3A_34 = tpu.memref_slice %arg4[%scan3A_33, %dma_wait3A] : memref<125x80xi32, #tpu.memory_space<vmem>> -> memref<1x80xi32, #tpu.memory_space<vmem>>
      %dma_wait3A_35 = tpu.memref_squeeze %dma_wait3A_34 : memref<1x80xi32, #tpu.memory_space<vmem>> -> memref<80xi32, #tpu.memory_space<vmem>>
      %dma_wait3A_36 = arith.constant 0 : i32
      %dma_wait3A_37 = tpu.memref_slice %arg7[%dma_wait3A_36] : memref<10240xf32, #tpu.memory_space<vmem_shared>> -> memref<10240xf32, #tpu.memory_space<vmem_shared>>
      tpu.wait_indirect_dma semaphore(%arg8 : memref<!tpu.dma_semaphore, #tpu.memory_space<semaphore_mem>>) src(%arg5 : memref<80xf32, #tpu.memory_space<vmem>>) dst(%dma_wait3A_37 : memref<10240xf32, #tpu.memory_space<vmem_shared>>)
    }
    %scan3A_27 = arith.constant 125 : i32
    %barrier3A_28 = arith.constant 0 : index
    tpu.barrier barrier_id(%barrier3A_28)
    %mul3A_29 = arith.constant 640 : i32
    %mul3A_30 = arith.muli %arg1, %mul3A_29 : i32
    %mul3A_31 = arith.constant 640 : i32
    %mul3A_32 = arith.muli %arg1, %mul3A_31 : i32
    "tpu.region"() ({
      %run_scoped3A = tpu.sem_alloc : memref<!tpu.dma_semaphore, #tpu.memory_space<semaphore_mem>>
      %dma_start3A = tpu.memref_slice %arg3[%arg0, %mul3A_32] : memref<2x10240xf32, #tpu.memory_space<hbm>> -> memref<1x640xf32, #tpu.memory_space<hbm>>
      %dma_start3A_33 = tpu.memref_squeeze %dma_start3A : memref<1x640xf32, #tpu.memory_space<hbm>> -> memref<640xf32, #tpu.memory_space<hbm>>
      %dma_start3A_34 = tpu.memref_slice %arg7[%mul3A_30] : memref<10240xf32, #tpu.memory_space<vmem_shared>> -> memref<640xf32, #tpu.memory_space<vmem_shared>>
      tpu.enqueue_dma source(%dma_start3A_34 : memref<640xf32, #tpu.memory_space<vmem_shared>>) target(%dma_start3A_33 : memref<640xf32, #tpu.memory_space<hbm>>) target_semaphore(%run_scoped3A : memref<!tpu.dma_semaphore, #tpu.memory_space<semaphore_mem>>)
      %dma_wait3A = tpu.memref_slice %arg3[%arg0, %mul3A_32] : memref<2x10240xf32, #tpu.memory_space<hbm>> -> memref<1x640xf32, #tpu.memory_space<hbm>>
      %dma_wait3A_35 = tpu.memref_squeeze %dma_wait3A : memref<1x640xf32, #tpu.memory_space<hbm>> -> memref<640xf32, #tpu.memory_space<hbm>>
      %dma_wait3A_36 = tpu.memref_slice %arg7[%mul3A_30] : memref<10240xf32, #tpu.memory_space<vmem_shared>> -> memref<640xf32, #tpu.memory_space<vmem_shared>>
      tpu.wait_dma2 semaphore(%run_scoped3A : memref<!tpu.dma_semaphore, #tpu.memory_space<semaphore_mem>>) src(%dma_wait3A_36 : memref<640xf32, #tpu.memory_space<vmem_shared>>) dst(%dma_wait3A_35 : memref<640xf32, #tpu.memory_space<hbm>>)
      tpu.yield
    }) : () -> ()
    return
  }
}

#map = affine_map<(d0, d1) -> (0, 0, 0)>
#map1 = affine_map<(d0, d1) -> (0, 0)>
module attributes {stable_mosaic.version = 14 : i64} {
  func.func @body(%arg0: i32, %arg1: i32, %arg2: memref<2x10000x64xbf16, #tpu.memory_space<hbm>>, %arg3: memref<4000x80xi32, #tpu.memory_space<hbm>>, %arg4: memref<4000x80xi32, #tpu.memory_space<hbm>>, %arg5: memref<2x10000x64xbf16, #tpu.memory_space<hbm>>, %arg6: memref<250x80xi32, #tpu.memory_space<vmem>>, %arg7: memref<250x80xi32, #tpu.memory_space<vmem>>, %arg8: memref<125x64xbf16, #tpu.memory_space<vmem>>, %arg9: memref<80x64xbf16, #tpu.memory_space<vmem>>, %arg10: memref<80x64xbf16, #tpu.memory_space<vmem>>, %arg11: memref<80x64xbf16, #tpu.memory_space<vmem>>, %arg12: memref<80x64xbf16, #tpu.memory_space<vmem>>, %arg13: memref<80x64xbf16, #tpu.memory_space<vmem>>, %arg14: memref<!tpu.dma_semaphore, #tpu.memory_space<semaphore_mem>>, %arg15: memref<!tpu.dma_semaphore, #tpu.memory_space<semaphore_mem>>, %arg16: memref<!tpu.dma_semaphore, #tpu.memory_space<semaphore_mem>>, %arg17: memref<!tpu.dma_semaphore, #tpu.memory_space<semaphore_mem>>, %arg18: memref<!tpu.dma_semaphore, #tpu.memory_space<semaphore_mem>>, %arg19: memref<!tpu.dma_semaphore, #tpu.memory_space<semaphore_mem>>, %arg20: memref<!tpu.dma_semaphore, #tpu.memory_space<semaphore_mem>>, %arg21: memref<!tpu.dma_semaphore, #tpu.memory_space<semaphore_mem>>, %arg22: memref<!tpu.dma_semaphore, #tpu.memory_space<semaphore_mem>>, %arg23: memref<!tpu.dma_semaphore, #tpu.memory_space<semaphore_mem>>, %arg24: memref<10000x64xbf16, #tpu.memory_space<vmem_shared>>) attributes {dimension_semantics = [#tpu.dimension_semantics<core_parallel>, #tpu.dimension_semantics<subcore_parallel>], iteration_bounds = array<i64: 2, 16>, scalar_prefetch = 0 : i64, scratch_operands = 19 : i64, tpu.core_type = #tpu.core_type<sc_vector_subcore>, window_params = [{transform_indices = #map}, {transform_indices = #map1}, {transform_indices = #map1}, {transform_indices = #map}]} {
    %scan3A = arith.constant 0 : i32
    %scan3A_0 = arith.constant 0 : i32
    %scan3A_1 = arith.constant 125 : i32
    %scan3A_2 = arith.addi %scan3A_0, %scan3A_1 : i32
    %scan3A_3 = arith.constant 1 : i32
    scf.for %scan3A_83 = %scan3A_0 to %scan3A_2 step %scan3A_3  : i32 {
      %broadcast_in_dim3A = arith.constant 0.000000e+00 : bf16
      %broadcast_in_dim3A_84 = vector.broadcast %broadcast_in_dim3A : bf16 to vector<32xbf16>
      %swap3A = arith.index_cast %scan3A_83 : i32 to index
      %swap3A_85 = arith.constant 0 : index
      %swap3A_86 = tpu.vector_load %arg8[%swap3A, %swap3A_85] {strides = array<i32>} : memref<125x64xbf16, #tpu.memory_space<vmem>>, vector<1x32xbf16>,
      %swap3A_87 = vector.shape_cast %swap3A_86 : vector<1x32xbf16> to vector<32xbf16>
      %swap3A_88 = vector.shape_cast %broadcast_in_dim3A_84 : vector<32xbf16> to vector<1x32xbf16>
      tpu.vector_store %arg8[%swap3A, %swap3A_85], %swap3A_88 {strides = array<i32>} : memref<125x64xbf16, #tpu.memory_space<vmem>>, vector<1x32xbf16>,
      %broadcast_in_dim3A_89 = arith.constant 0.000000e+00 : bf16
      %broadcast_in_dim3A_90 = vector.broadcast %broadcast_in_dim3A_89 : bf16 to vector<32xbf16>
      %swap3A_91 = arith.index_cast %scan3A_83 : i32 to index
      %swap3A_92 = arith.constant 32 : index
      %swap3A_93 = tpu.vector_load %arg8[%swap3A_91, %swap3A_92] {strides = array<i32>} : memref<125x64xbf16, #tpu.memory_space<vmem>>, vector<1x32xbf16>,
      %swap3A_94 = vector.shape_cast %swap3A_93 : vector<1x32xbf16> to vector<32xbf16>
      %swap3A_95 = vector.shape_cast %broadcast_in_dim3A_90 : vector<32xbf16> to vector<1x32xbf16>
      tpu.vector_store %arg8[%swap3A_91, %swap3A_92], %swap3A_95 {strides = array<i32>} : memref<125x64xbf16, #tpu.memory_space<vmem>>, vector<1x32xbf16>,
    }
    %scan3A_4 = arith.constant 125 : i32
    %mul3A = arith.constant 625 : i32
    %mul3A_5 = arith.muli %arg1, %mul3A : i32
    %add3A = arith.constant 0 : i32
    %add3A_6 = arith.addi %mul3A_5, %add3A : i32
    "tpu.region"() ({
      %run_scoped3A = tpu.sem_alloc : memref<!tpu.dma_semaphore, #tpu.memory_space<semaphore_mem>>
      %dma_start3A_83 = arith.constant 0 : i32
      %dma_start3A_84 = tpu.memref_slice %arg24[%add3A_6, %dma_start3A_83] : memref<10000x64xbf16, #tpu.memory_space<vmem_shared>> -> memref<125x64xbf16, #tpu.memory_space<vmem_shared>>
      %dma_start3A_85 = arith.constant 0 : i32
      %dma_start3A_86 = tpu.memref_slice %arg24[%add3A_6, %dma_start3A_85] : memref<10000x64xbf16, #tpu.memory_space<vmem_shared>> -> memref<125x64xbf16, #tpu.memory_space<vmem_shared>>
      tpu.enqueue_dma source(%arg8 : memref<125x64xbf16, #tpu.memory_space<vmem>>) target(%dma_start3A_86 : memref<125x64xbf16, #tpu.memory_space<vmem_shared>>) target_semaphore(%run_scoped3A : memref<!tpu.dma_semaphore, #tpu.memory_space<semaphore_mem>>)
      %dma_wait3A_87 = arith.constant 0 : i32
      %dma_wait3A_88 = tpu.memref_slice %arg24[%add3A_6, %dma_wait3A_87] : memref<10000x64xbf16, #tpu.memory_space<vmem_shared>> -> memref<125x64xbf16, #tpu.memory_space<vmem_shared>>
      %dma_wait3A_89 = arith.constant 0 : i32
      %dma_wait3A_90 = tpu.memref_slice %arg24[%add3A_6, %dma_wait3A_89] : memref<10000x64xbf16, #tpu.memory_space<vmem_shared>> -> memref<125x64xbf16, #tpu.memory_space<vmem_shared>>
      tpu.wait_dma2 semaphore(%run_scoped3A : memref<!tpu.dma_semaphore, #tpu.memory_space<semaphore_mem>>) src(%arg8 : memref<125x64xbf16, #tpu.memory_space<vmem>>) dst(%dma_wait3A_90 : memref<125x64xbf16, #tpu.memory_space<vmem_shared>>)
      tpu.yield
    }) : () -> ()
    %mul3A_7 = arith.constant 625 : i32
    %mul3A_8 = arith.muli %arg1, %mul3A_7 : i32
    %add3A_9 = arith.constant 125 : i32
    %add3A_10 = arith.addi %mul3A_8, %add3A_9 : i32
    "tpu.region"() ({
      %run_scoped3A = tpu.sem_alloc : memref<!tpu.dma_semaphore, #tpu.memory_space<semaphore_mem>>
      %dma_start3A_83 = arith.constant 0 : i32
      %dma_start3A_84 = tpu.memref_slice %arg24[%add3A_10, %dma_start3A_83] : memref<10000x64xbf16, #tpu.memory_space<vmem_shared>> -> memref<125x64xbf16, #tpu.memory_space<vmem_shared>>
      %dma_start3A_85 = arith.constant 0 : i32
      %dma_start3A_86 = tpu.memref_slice %arg24[%add3A_10, %dma_start3A_85] : memref<10000x64xbf16, #tpu.memory_space<vmem_shared>> -> memref<125x64xbf16, #tpu.memory_space<vmem_shared>>
      tpu.enqueue_dma source(%arg8 : memref<125x64xbf16, #tpu.memory_space<vmem>>) target(%dma_start3A_86 : memref<125x64xbf16, #tpu.memory_space<vmem_shared>>) target_semaphore(%run_scoped3A : memref<!tpu.dma_semaphore, #tpu.memory_space<semaphore_mem>>)
      %dma_wait3A_87 = arith.constant 0 : i32
      %dma_wait3A_88 = tpu.memref_slice %arg24[%add3A_10, %dma_wait3A_87] : memref<10000x64xbf16, #tpu.memory_space<vmem_shared>> -> memref<125x64xbf16, #tpu.memory_space<vmem_shared>>
      %dma_wait3A_89 = arith.constant 0 : i32
      %dma_wait3A_90 = tpu.memref_slice %arg24[%add3A_10, %dma_wait3A_89] : memref<10000x64xbf16, #tpu.memory_space<vmem_shared>> -> memref<125x64xbf16, #tpu.memory_space<vmem_shared>>
      tpu.wait_dma2 semaphore(%run_scoped3A : memref<!tpu.dma_semaphore, #tpu.memory_space<semaphore_mem>>) src(%arg8 : memref<125x64xbf16, #tpu.memory_space<vmem>>) dst(%dma_wait3A_90 : memref<125x64xbf16, #tpu.memory_space<vmem_shared>>)
      tpu.yield
    }) : () -> ()
    %mul3A_11 = arith.constant 625 : i32
    %mul3A_12 = arith.muli %arg1, %mul3A_11 : i32
    %add3A_13 = arith.constant 250 : i32
    %add3A_14 = arith.addi %mul3A_12, %add3A_13 : i32
    "tpu.region"() ({
      %run_scoped3A = tpu.sem_alloc : memref<!tpu.dma_semaphore, #tpu.memory_space<semaphore_mem>>
      %dma_start3A_83 = arith.constant 0 : i32
      %dma_start3A_84 = tpu.memref_slice %arg24[%add3A_14, %dma_start3A_83] : memref<10000x64xbf16, #tpu.memory_space<vmem_shared>> -> memref<125x64xbf16, #tpu.memory_space<vmem_shared>>
      %dma_start3A_85 = arith.constant 0 : i32
      %dma_start3A_86 = tpu.memref_slice %arg24[%add3A_14, %dma_start3A_85] : memref<10000x64xbf16, #tpu.memory_space<vmem_shared>> -> memref<125x64xbf16, #tpu.memory_space<vmem_shared>>
      tpu.enqueue_dma source(%arg8 : memref<125x64xbf16, #tpu.memory_space<vmem>>) target(%dma_start3A_86 : memref<125x64xbf16, #tpu.memory_space<vmem_shared>>) target_semaphore(%run_scoped3A : memref<!tpu.dma_semaphore, #tpu.memory_space<semaphore_mem>>)
      %dma_wait3A_87 = arith.constant 0 : i32
      %dma_wait3A_88 = tpu.memref_slice %arg24[%add3A_14, %dma_wait3A_87] : memref<10000x64xbf16, #tpu.memory_space<vmem_shared>> -> memref<125x64xbf16, #tpu.memory_space<vmem_shared>>
      %dma_wait3A_89 = arith.constant 0 : i32
      %dma_wait3A_90 = tpu.memref_slice %arg24[%add3A_14, %dma_wait3A_89] : memref<10000x64xbf16, #tpu.memory_space<vmem_shared>> -> memref<125x64xbf16, #tpu.memory_space<vmem_shared>>
      tpu.wait_dma2 semaphore(%run_scoped3A : memref<!tpu.dma_semaphore, #tpu.memory_space<semaphore_mem>>) src(%arg8 : memref<125x64xbf16, #tpu.memory_space<vmem>>) dst(%dma_wait3A_90 : memref<125x64xbf16, #tpu.memory_space<vmem_shared>>)
      tpu.yield
    }) : () -> ()
    %mul3A_15 = arith.constant 625 : i32
    %mul3A_16 = arith.muli %arg1, %mul3A_15 : i32
    %add3A_17 = arith.constant 375 : i32
    %add3A_18 = arith.addi %mul3A_16, %add3A_17 : i32
    "tpu.region"() ({
      %run_scoped3A = tpu.sem_alloc : memref<!tpu.dma_semaphore, #tpu.memory_space<semaphore_mem>>
      %dma_start3A_83 = arith.constant 0 : i32
      %dma_start3A_84 = tpu.memref_slice %arg24[%add3A_18, %dma_start3A_83] : memref<10000x64xbf16, #tpu.memory_space<vmem_shared>> -> memref<125x64xbf16, #tpu.memory_space<vmem_shared>>
      %dma_start3A_85 = arith.constant 0 : i32
      %dma_start3A_86 = tpu.memref_slice %arg24[%add3A_18, %dma_start3A_85] : memref<10000x64xbf16, #tpu.memory_space<vmem_shared>> -> memref<125x64xbf16, #tpu.memory_space<vmem_shared>>
      tpu.enqueue_dma source(%arg8 : memref<125x64xbf16, #tpu.memory_space<vmem>>) target(%dma_start3A_86 : memref<125x64xbf16, #tpu.memory_space<vmem_shared>>) target_semaphore(%run_scoped3A : memref<!tpu.dma_semaphore, #tpu.memory_space<semaphore_mem>>)
      %dma_wait3A_87 = arith.constant 0 : i32
      %dma_wait3A_88 = tpu.memref_slice %arg24[%add3A_18, %dma_wait3A_87] : memref<10000x64xbf16, #tpu.memory_space<vmem_shared>> -> memref<125x64xbf16, #tpu.memory_space<vmem_shared>>
      %dma_wait3A_89 = arith.constant 0 : i32
      %dma_wait3A_90 = tpu.memref_slice %arg24[%add3A_18, %dma_wait3A_89] : memref<10000x64xbf16, #tpu.memory_space<vmem_shared>> -> memref<125x64xbf16, #tpu.memory_space<vmem_shared>>
      tpu.wait_dma2 semaphore(%run_scoped3A : memref<!tpu.dma_semaphore, #tpu.memory_space<semaphore_mem>>) src(%arg8 : memref<125x64xbf16, #tpu.memory_space<vmem>>) dst(%dma_wait3A_90 : memref<125x64xbf16, #tpu.memory_space<vmem_shared>>)
      tpu.yield
    }) : () -> ()
    %mul3A_19 = arith.constant 625 : i32
    %mul3A_20 = arith.muli %arg1, %mul3A_19 : i32
    %add3A_21 = arith.constant 500 : i32
    %add3A_22 = arith.addi %mul3A_20, %add3A_21 : i32
    "tpu.region"() ({
      %run_scoped3A = tpu.sem_alloc : memref<!tpu.dma_semaphore, #tpu.memory_space<semaphore_mem>>
      %dma_start3A_83 = arith.constant 0 : i32
      %dma_start3A_84 = tpu.memref_slice %arg24[%add3A_22, %dma_start3A_83] : memref<10000x64xbf16, #tpu.memory_space<vmem_shared>> -> memref<125x64xbf16, #tpu.memory_space<vmem_shared>>
      %dma_start3A_85 = arith.constant 0 : i32
      %dma_start3A_86 = tpu.memref_slice %arg24[%add3A_22, %dma_start3A_85] : memref<10000x64xbf16, #tpu.memory_space<vmem_shared>> -> memref<125x64xbf16, #tpu.memory_space<vmem_shared>>
      tpu.enqueue_dma source(%arg8 : memref<125x64xbf16, #tpu.memory_space<vmem>>) target(%dma_start3A_86 : memref<125x64xbf16, #tpu.memory_space<vmem_shared>>) target_semaphore(%run_scoped3A : memref<!tpu.dma_semaphore, #tpu.memory_space<semaphore_mem>>)
      %dma_wait3A_87 = arith.constant 0 : i32
      %dma_wait3A_88 = tpu.memref_slice %arg24[%add3A_22, %dma_wait3A_87] : memref<10000x64xbf16, #tpu.memory_space<vmem_shared>> -> memref<125x64xbf16, #tpu.memory_space<vmem_shared>>
      %dma_wait3A_89 = arith.constant 0 : i32
      %dma_wait3A_90 = tpu.memref_slice %arg24[%add3A_22, %dma_wait3A_89] : memref<10000x64xbf16, #tpu.memory_space<vmem_shared>> -> memref<125x64xbf16, #tpu.memory_space<vmem_shared>>
      tpu.wait_dma2 semaphore(%run_scoped3A : memref<!tpu.dma_semaphore, #tpu.memory_space<semaphore_mem>>) src(%arg8 : memref<125x64xbf16, #tpu.memory_space<vmem>>) dst(%dma_wait3A_90 : memref<125x64xbf16, #tpu.memory_space<vmem_shared>>)
      tpu.yield
    }) : () -> ()
    %mul3A_23 = arith.constant 250 : i32
    %mul3A_24 = arith.muli %arg1, %mul3A_23 : i32
    "tpu.region"() ({
      %run_scoped3A = tpu.sem_alloc : memref<!tpu.dma_semaphore, #tpu.memory_space<semaphore_mem>>
      %dma_start3A_83 = arith.constant 0 : i32
      %dma_start3A_84 = tpu.memref_slice %arg3[%mul3A_24, %dma_start3A_83] : memref<4000x80xi32, #tpu.memory_space<hbm>> -> memref<250x80xi32, #tpu.memory_space<hbm>>
      %dma_start3A_85 = arith.constant 0 : i32
      %dma_start3A_86 = tpu.memref_slice %arg3[%mul3A_24, %dma_start3A_85] : memref<4000x80xi32, #tpu.memory_space<hbm>> -> memref<250x80xi32, #tpu.memory_space<hbm>>
      tpu.enqueue_dma source(%dma_start3A_86 : memref<250x80xi32, #tpu.memory_space<hbm>>) target(%arg6 : memref<250x80xi32, #tpu.memory_space<vmem>>) target_semaphore(%run_scoped3A : memref<!tpu.dma_semaphore, #tpu.memory_space<semaphore_mem>>)
      %dma_wait3A_87 = arith.constant 0 : i32
      %dma_wait3A_88 = tpu.memref_slice %arg3[%mul3A_24, %dma_wait3A_87] : memref<4000x80xi32, #tpu.memory_space<hbm>> -> memref<250x80xi32, #tpu.memory_space<hbm>>
      %dma_wait3A_89 = arith.constant 0 : i32
      %dma_wait3A_90 = tpu.memref_slice %arg3[%mul3A_24, %dma_wait3A_89] : memref<4000x80xi32, #tpu.memory_space<hbm>> -> memref<250x80xi32, #tpu.memory_space<hbm>>
      tpu.wait_dma2 semaphore(%run_scoped3A : memref<!tpu.dma_semaphore, #tpu.memory_space<semaphore_mem>>) src(%dma_wait3A_90 : memref<250x80xi32, #tpu.memory_space<hbm>>) dst(%arg6 : memref<250x80xi32, #tpu.memory_space<vmem>>)
      tpu.yield
    }) : () -> ()
    %mul3A_25 = arith.constant 250 : i32
    %mul3A_26 = arith.muli %arg1, %mul3A_25 : i32
    "tpu.region"() ({
      %run_scoped3A = tpu.sem_alloc : memref<!tpu.dma_semaphore, #tpu.memory_space<semaphore_mem>>
      %dma_start3A_83 = arith.constant 0 : i32
      %dma_start3A_84 = tpu.memref_slice %arg4[%mul3A_26, %dma_start3A_83] : memref<4000x80xi32, #tpu.memory_space<hbm>> -> memref<250x80xi32, #tpu.memory_space<hbm>>
      %dma_start3A_85 = arith.constant 0 : i32
      %dma_start3A_86 = tpu.memref_slice %arg4[%mul3A_26, %dma_start3A_85] : memref<4000x80xi32, #tpu.memory_space<hbm>> -> memref<250x80xi32, #tpu.memory_space<hbm>>
      tpu.enqueue_dma source(%dma_start3A_86 : memref<250x80xi32, #tpu.memory_space<hbm>>) target(%arg7 : memref<250x80xi32, #tpu.memory_space<vmem>>) target_semaphore(%run_scoped3A : memref<!tpu.dma_semaphore, #tpu.memory_space<semaphore_mem>>)
      %dma_wait3A_87 = arith.constant 0 : i32
      %dma_wait3A_88 = tpu.memref_slice %arg4[%mul3A_26, %dma_wait3A_87] : memref<4000x80xi32, #tpu.memory_space<hbm>> -> memref<250x80xi32, #tpu.memory_space<hbm>>
      %dma_wait3A_89 = arith.constant 0 : i32
      %dma_wait3A_90 = tpu.memref_slice %arg4[%mul3A_26, %dma_wait3A_89] : memref<4000x80xi32, #tpu.memory_space<hbm>> -> memref<250x80xi32, #tpu.memory_space<hbm>>
      tpu.wait_dma2 semaphore(%run_scoped3A : memref<!tpu.dma_semaphore, #tpu.memory_space<semaphore_mem>>) src(%dma_wait3A_90 : memref<250x80xi32, #tpu.memory_space<hbm>>) dst(%arg7 : memref<250x80xi32, #tpu.memory_space<vmem>>)
      tpu.yield
    }) : () -> ()
    %barrier3A = arith.constant 0 : index
    tpu.barrier barrier_id(%barrier3A)
    %dma_start3A = arith.constant 0 : i32
    %dma_start3A_27 = arith.constant 0 : i32
    %dma_start3A_28 = tpu.memref_slice %arg6[%dma_start3A, %dma_start3A_27] : memref<250x80xi32, #tpu.memory_space<vmem>> -> memref<1x80xi32, #tpu.memory_space<vmem>>
    %dma_start3A_29 = tpu.memref_squeeze %dma_start3A_28 : memref<1x80xi32, #tpu.memory_space<vmem>> -> memref<80xi32, #tpu.memory_space<vmem>>
    %dma_start3A_30 = arith.constant 0 : i32
    %dma_start3A_31 = arith.constant 0 : i32
    %dma_start3A_32 = tpu.memref_slice %arg2[%arg0, %dma_start3A_30, %dma_start3A_31] : memref<2x10000x64xbf16, #tpu.memory_space<hbm>> -> memref<1x10000x64xbf16, #tpu.memory_space<hbm>>
    %dma_start3A_33 = tpu.memref_squeeze %dma_start3A_32 : memref<1x10000x64xbf16, #tpu.memory_space<hbm>> -> memref<10000x64xbf16, #tpu.memory_space<hbm>>
    %dma_start3A_34 = arith.constant 0 : i32
    %dma_start3A_35 = arith.constant 0 : i32
    %dma_start3A_36 = tpu.memref_slice %dma_start3A_33[%dma_start3A_34, %dma_start3A_35] : memref<10000x64xbf16, #tpu.memory_space<hbm>> -> memref<10000x64xbf16, #tpu.memory_space<hbm>>
    tpu.enqueue_indirect_dma source(%dma_start3A_36 : memref<10000x64xbf16, #tpu.memory_space<hbm>>) target(%arg9 : memref<80x64xbf16, #tpu.memory_space<vmem>>) offsets(%dma_start3A_29 : memref<80xi32, #tpu.memory_space<vmem>>) semaphore(%arg14 : memref<!tpu.dma_semaphore, #tpu.memory_space<semaphore_mem>>)
    %dma_start3A_37 = arith.constant 1 : i32
    %dma_start3A_38 = arith.constant 0 : i32
    %dma_start3A_39 = tpu.memref_slice %arg6[%dma_start3A_37, %dma_start3A_38] : memref<250x80xi32, #tpu.memory_space<vmem>> -> memref<1x80xi32, #tpu.memory_space<vmem>>
    %dma_start3A_40 = tpu.memref_squeeze %dma_start3A_39 : memref<1x80xi32, #tpu.memory_space<vmem>> -> memref<80xi32, #tpu.memory_space<vmem>>
    %dma_start3A_41 = arith.constant 0 : i32
    %dma_start3A_42 = arith.constant 0 : i32
    %dma_start3A_43 = tpu.memref_slice %arg2[%arg0, %dma_start3A_41, %dma_start3A_42] : memref<2x10000x64xbf16, #tpu.memory_space<hbm>> -> memref<1x10000x64xbf16, #tpu.memory_space<hbm>>
    %dma_start3A_44 = tpu.memref_squeeze %dma_start3A_43 : memref<1x10000x64xbf16, #tpu.memory_space<hbm>> -> memref<10000x64xbf16, #tpu.memory_space<hbm>>
    %dma_start3A_45 = arith.constant 0 : i32
    %dma_start3A_46 = arith.constant 0 : i32
    %dma_start3A_47 = tpu.memref_slice %dma_start3A_44[%dma_start3A_45, %dma_start3A_46] : memref<10000x64xbf16, #tpu.memory_space<hbm>> -> memref<10000x64xbf16, #tpu.memory_space<hbm>>
    tpu.enqueue_indirect_dma source(%dma_start3A_47 : memref<10000x64xbf16, #tpu.memory_space<hbm>>) target(%arg10 : memref<80x64xbf16, #tpu.memory_space<vmem>>) offsets(%dma_start3A_40 : memref<80xi32, #tpu.memory_space<vmem>>) semaphore(%arg15 : memref<!tpu.dma_semaphore, #tpu.memory_space<semaphore_mem>>)
    %dma_start3A_48 = arith.constant 2 : i32
    %dma_start3A_49 = arith.constant 0 : i32
    %dma_start3A_50 = tpu.memref_slice %arg6[%dma_start3A_48, %dma_start3A_49] : memref<250x80xi32, #tpu.memory_space<vmem>> -> memref<1x80xi32, #tpu.memory_space<vmem>>
    %dma_start3A_51 = tpu.memref_squeeze %dma_start3A_50 : memref<1x80xi32, #tpu.memory_space<vmem>> -> memref<80xi32, #tpu.memory_space<vmem>>
    %dma_start3A_52 = arith.constant 0 : i32
    %dma_start3A_53 = arith.constant 0 : i32
    %dma_start3A_54 = tpu.memref_slice %arg2[%arg0, %dma_start3A_52, %dma_start3A_53] : memref<2x10000x64xbf16, #tpu.memory_space<hbm>> -> memref<1x10000x64xbf16, #tpu.memory_space<hbm>>
    %dma_start3A_55 = tpu.memref_squeeze %dma_start3A_54 : memref<1x10000x64xbf16, #tpu.memory_space<hbm>> -> memref<10000x64xbf16, #tpu.memory_space<hbm>>
    %dma_start3A_56 = arith.constant 0 : i32
    %dma_start3A_57 = arith.constant 0 : i32
    %dma_start3A_58 = tpu.memref_slice %dma_start3A_55[%dma_start3A_56, %dma_start3A_57] : memref<10000x64xbf16, #tpu.memory_space<hbm>> -> memref<10000x64xbf16, #tpu.memory_space<hbm>>
    tpu.enqueue_indirect_dma source(%dma_start3A_58 : memref<10000x64xbf16, #tpu.memory_space<hbm>>) target(%arg11 : memref<80x64xbf16, #tpu.memory_space<vmem>>) offsets(%dma_start3A_51 : memref<80xi32, #tpu.memory_space<vmem>>) semaphore(%arg16 : memref<!tpu.dma_semaphore, #tpu.memory_space<semaphore_mem>>)
    %scan3A_59 = arith.constant 0 : i32
    %scan3A_60 = arith.constant 0 : i32
    %scan3A_61 = arith.constant 50 : i32
    %scan3A_62 = arith.addi %scan3A_60, %scan3A_61 : i32
    %scan3A_63 = arith.constant 1 : i32
    scf.for %scan3A_83 = %scan3A_60 to %scan3A_62 step %scan3A_63  : i32 {
      %mul3A_84 = arith.constant 5 : i32
      %mul3A_85 = arith.muli %scan3A_83, %mul3A_84 : i32
      %add3A_86 = arith.constant 0 : i32
      %add3A_87 = arith.addi %mul3A_85, %add3A_86 : i32
      %ge3A = arith.constant 2 : i32
      %ge3A_88 = arith.cmpi sge, %add3A_87, %ge3A : i32
      %convert_element_type3A = arith.extui %ge3A_88 : i1 to i32
      %cond3A = arith.constant 0 : i32
      %cond3A_89 = arith.cmpi ne, %convert_element_type3A, %cond3A : i32
      scf.if %cond3A_89 {
        %sub3A_249 = arith.constant 2 : i32
        %sub3A_250 = arith.subi %add3A_87, %sub3A_249 : i32
        %dma_wait3A_251 = arith.constant 0 : i32
        %dma_wait3A_252 = tpu.memref_slice %arg7[%sub3A_250, %dma_wait3A_251] : memref<250x80xi32, #tpu.memory_space<vmem>> -> memref<1x80xi32, #tpu.memory_space<vmem>>
        %dma_wait3A_253 = tpu.memref_squeeze %dma_wait3A_252 : memref<1x80xi32, #tpu.memory_space<vmem>> -> memref<80xi32, #tpu.memory_space<vmem>>
        %dma_wait3A_254 = arith.constant 0 : i32
        %dma_wait3A_255 = arith.constant 0 : i32
        %dma_wait3A_256 = tpu.memref_slice %arg24[%dma_wait3A_254, %dma_wait3A_255] : memref<10000x64xbf16, #tpu.memory_space<vmem_shared>> -> memref<10000x64xbf16, #tpu.memory_space<vmem_shared>>
        tpu.wait_indirect_dma semaphore(%arg22 : memref<!tpu.dma_semaphore, #tpu.memory_space<semaphore_mem>>) src(%arg12 : memref<80x64xbf16, #tpu.memory_space<vmem>>) dst(%dma_wait3A_256 : memref<10000x64xbf16, #tpu.memory_space<vmem_shared>>)
      } else {
      }
      %add3A_90 = arith.constant 5 : i32
      %add3A_91 = arith.addi %add3A_87, %add3A_90 : i32
      %sub3A = arith.constant 2 : i32
      %sub3A_92 = arith.subi %add3A_91, %sub3A : i32
      %lt3A = arith.constant 250 : i32
      %lt3A_93 = arith.cmpi slt, %sub3A_92, %lt3A : i32
      %convert_element_type3A_94 = arith.extui %lt3A_93 : i1 to i32
      %cond3A_95 = arith.constant 0 : i32
      %cond3A_96 = arith.cmpi ne, %convert_element_type3A_94, %cond3A_95 : i32
      scf.if %cond3A_96 {
        %add3A_249 = arith.constant 5 : i32
        %add3A_250 = arith.addi %add3A_87, %add3A_249 : i32
        %sub3A_251 = arith.constant 2 : i32
        %sub3A_252 = arith.subi %add3A_250, %sub3A_251 : i32
        %dma_start3A_253 = arith.constant 0 : i32
        %dma_start3A_254 = tpu.memref_slice %arg6[%sub3A_252, %dma_start3A_253] : memref<250x80xi32, #tpu.memory_space<vmem>> -> memref<1x80xi32, #tpu.memory_space<vmem>>
        %dma_start3A_255 = tpu.memref_squeeze %dma_start3A_254 : memref<1x80xi32, #tpu.memory_space<vmem>> -> memref<80xi32, #tpu.memory_space<vmem>>
        %dma_start3A_256 = arith.constant 0 : i32
        %dma_start3A_257 = arith.constant 0 : i32
        %dma_start3A_258 = tpu.memref_slice %arg2[%arg0, %dma_start3A_256, %dma_start3A_257] : memref<2x10000x64xbf16, #tpu.memory_space<hbm>> -> memref<1x10000x64xbf16, #tpu.memory_space<hbm>>
        %dma_start3A_259 = tpu.memref_squeeze %dma_start3A_258 : memref<1x10000x64xbf16, #tpu.memory_space<hbm>> -> memref<10000x64xbf16, #tpu.memory_space<hbm>>
        %dma_start3A_260 = arith.constant 0 : i32
        %dma_start3A_261 = arith.constant 0 : i32
        %dma_start3A_262 = tpu.memref_slice %dma_start3A_259[%dma_start3A_260, %dma_start3A_261] : memref<10000x64xbf16, #tpu.memory_space<hbm>> -> memref<10000x64xbf16, #tpu.memory_space<hbm>>
        tpu.enqueue_indirect_dma source(%dma_start3A_262 : memref<10000x64xbf16, #tpu.memory_space<hbm>>) target(%arg12 : memref<80x64xbf16, #tpu.memory_space<vmem>>) offsets(%dma_start3A_255 : memref<80xi32, #tpu.memory_space<vmem>>) semaphore(%arg17 : memref<!tpu.dma_semaphore, #tpu.memory_space<semaphore_mem>>)
      } else {
      }
      %dma_wait3A_97 = arith.constant 0 : i32
      %dma_wait3A_98 = tpu.memref_slice %arg6[%add3A_87, %dma_wait3A_97] : memref<250x80xi32, #tpu.memory_space<vmem>> -> memref<1x80xi32, #tpu.memory_space<vmem>>
      %dma_wait3A_99 = tpu.memref_squeeze %dma_wait3A_98 : memref<1x80xi32, #tpu.memory_space<vmem>> -> memref<80xi32, #tpu.memory_space<vmem>>
      %dma_wait3A_100 = arith.constant 0 : i32
      %dma_wait3A_101 = arith.constant 0 : i32
      %dma_wait3A_102 = tpu.memref_slice %arg2[%arg0, %dma_wait3A_100, %dma_wait3A_101] : memref<2x10000x64xbf16, #tpu.memory_space<hbm>> -> memref<1x10000x64xbf16, #tpu.memory_space<hbm>>
      %dma_wait3A_103 = tpu.memref_squeeze %dma_wait3A_102 : memref<1x10000x64xbf16, #tpu.memory_space<hbm>> -> memref<10000x64xbf16, #tpu.memory_space<hbm>>
      %dma_wait3A_104 = arith.constant 0 : i32
      %dma_wait3A_105 = arith.constant 0 : i32
      %dma_wait3A_106 = tpu.memref_slice %dma_wait3A_103[%dma_wait3A_104, %dma_wait3A_105] : memref<10000x64xbf16, #tpu.memory_space<hbm>> -> memref<10000x64xbf16, #tpu.memory_space<hbm>>
      tpu.wait_indirect_dma semaphore(%arg14 : memref<!tpu.dma_semaphore, #tpu.memory_space<semaphore_mem>>) src(%dma_wait3A_106 : memref<10000x64xbf16, #tpu.memory_space<hbm>>) dst(%arg9 : memref<80x64xbf16, #tpu.memory_space<vmem>>)
      %dma_start3A_107 = arith.constant 0 : i32
      %dma_start3A_108 = tpu.memref_slice %arg7[%add3A_87, %dma_start3A_107] : memref<250x80xi32, #tpu.memory_space<vmem>> -> memref<1x80xi32, #tpu.memory_space<vmem>>
      %dma_start3A_109 = tpu.memref_squeeze %dma_start3A_108 : memref<1x80xi32, #tpu.memory_space<vmem>> -> memref<80xi32, #tpu.memory_space<vmem>>
      %dma_start3A_110 = arith.constant 0 : i32
      %dma_start3A_111 = arith.constant 0 : i32
      %dma_start3A_112 = tpu.memref_slice %arg24[%dma_start3A_110, %dma_start3A_111] : memref<10000x64xbf16, #tpu.memory_space<vmem_shared>> -> memref<10000x64xbf16, #tpu.memory_space<vmem_shared>>
      tpu.enqueue_indirect_dma source(%arg9 : memref<80x64xbf16, #tpu.memory_space<vmem>>) target(%dma_start3A_112 : memref<10000x64xbf16, #tpu.memory_space<vmem_shared>>) offsets(%dma_start3A_109 : memref<80xi32, #tpu.memory_space<vmem>>) semaphore(%arg19 : memref<!tpu.dma_semaphore, #tpu.memory_space<semaphore_mem>>) {add = true}
      %mul3A_113 = arith.constant 5 : i32
      %mul3A_114 = arith.muli %scan3A_83, %mul3A_113 : i32
      %add3A_115 = arith.constant 1 : i32
      %add3A_116 = arith.addi %mul3A_114, %add3A_115 : i32
      %ge3A_117 = arith.constant 2 : i32
      %ge3A_118 = arith.cmpi sge, %add3A_116, %ge3A_117 : i32
      %convert_element_type3A_119 = arith.extui %ge3A_118 : i1 to i32
      %cond3A_120 = arith.constant 0 : i32
      %cond3A_121 = arith.cmpi ne, %convert_element_type3A_119, %cond3A_120 : i32
      scf.if %cond3A_121 {
        %sub3A_249 = arith.constant 2 : i32
        %sub3A_250 = arith.subi %add3A_116, %sub3A_249 : i32
        %dma_wait3A_251 = arith.constant 0 : i32
        %dma_wait3A_252 = tpu.memref_slice %arg7[%sub3A_250, %dma_wait3A_251] : memref<250x80xi32, #tpu.memory_space<vmem>> -> memref<1x80xi32, #tpu.memory_space<vmem>>
        %dma_wait3A_253 = tpu.memref_squeeze %dma_wait3A_252 : memref<1x80xi32, #tpu.memory_space<vmem>> -> memref<80xi32, #tpu.memory_space<vmem>>
        %dma_wait3A_254 = arith.constant 0 : i32
        %dma_wait3A_255 = arith.constant 0 : i32
        %dma_wait3A_256 = tpu.memref_slice %arg24[%dma_wait3A_254, %dma_wait3A_255] : memref<10000x64xbf16, #tpu.memory_space<vmem_shared>> -> memref<10000x64xbf16, #tpu.memory_space<vmem_shared>>
        tpu.wait_indirect_dma semaphore(%arg23 : memref<!tpu.dma_semaphore, #tpu.memory_space<semaphore_mem>>) src(%arg13 : memref<80x64xbf16, #tpu.memory_space<vmem>>) dst(%dma_wait3A_256 : memref<10000x64xbf16, #tpu.memory_space<vmem_shared>>)
      } else {
      }
      %add3A_122 = arith.constant 5 : i32
      %add3A_123 = arith.addi %add3A_116, %add3A_122 : i32
      %sub3A_124 = arith.constant 2 : i32
      %sub3A_125 = arith.subi %add3A_123, %sub3A_124 : i32
      %lt3A_126 = arith.constant 250 : i32
      %lt3A_127 = arith.cmpi slt, %sub3A_125, %lt3A_126 : i32
      %convert_element_type3A_128 = arith.extui %lt3A_127 : i1 to i32
      %cond3A_129 = arith.constant 0 : i32
      %cond3A_130 = arith.cmpi ne, %convert_element_type3A_128, %cond3A_129 : i32
      scf.if %cond3A_130 {
        %add3A_249 = arith.constant 5 : i32
        %add3A_250 = arith.addi %add3A_116, %add3A_249 : i32
        %sub3A_251 = arith.constant 2 : i32
        %sub3A_252 = arith.subi %add3A_250, %sub3A_251 : i32
        %dma_start3A_253 = arith.constant 0 : i32
        %dma_start3A_254 = tpu.memref_slice %arg6[%sub3A_252, %dma_start3A_253] : memref<250x80xi32, #tpu.memory_space<vmem>> -> memref<1x80xi32, #tpu.memory_space<vmem>>
        %dma_start3A_255 = tpu.memref_squeeze %dma_start3A_254 : memref<1x80xi32, #tpu.memory_space<vmem>> -> memref<80xi32, #tpu.memory_space<vmem>>
        %dma_start3A_256 = arith.constant 0 : i32
        %dma_start3A_257 = arith.constant 0 : i32
        %dma_start3A_258 = tpu.memref_slice %arg2[%arg0, %dma_start3A_256, %dma_start3A_257] : memref<2x10000x64xbf16, #tpu.memory_space<hbm>> -> memref<1x10000x64xbf16, #tpu.memory_space<hbm>>
        %dma_start3A_259 = tpu.memref_squeeze %dma_start3A_258 : memref<1x10000x64xbf16, #tpu.memory_space<hbm>> -> memref<10000x64xbf16, #tpu.memory_space<hbm>>
        %dma_start3A_260 = arith.constant 0 : i32
        %dma_start3A_261 = arith.constant 0 : i32
        %dma_start3A_262 = tpu.memref_slice %dma_start3A_259[%dma_start3A_260, %dma_start3A_261] : memref<10000x64xbf16, #tpu.memory_space<hbm>> -> memref<10000x64xbf16, #tpu.memory_space<hbm>>
        tpu.enqueue_indirect_dma source(%dma_start3A_262 : memref<10000x64xbf16, #tpu.memory_space<hbm>>) target(%arg13 : memref<80x64xbf16, #tpu.memory_space<vmem>>) offsets(%dma_start3A_255 : memref<80xi32, #tpu.memory_space<vmem>>) semaphore(%arg18 : memref<!tpu.dma_semaphore, #tpu.memory_space<semaphore_mem>>)
      } else {
      }
      %dma_wait3A_131 = arith.constant 0 : i32
      %dma_wait3A_132 = tpu.memref_slice %arg6[%add3A_116, %dma_wait3A_131] : memref<250x80xi32, #tpu.memory_space<vmem>> -> memref<1x80xi32, #tpu.memory_space<vmem>>
      %dma_wait3A_133 = tpu.memref_squeeze %dma_wait3A_132 : memref<1x80xi32, #tpu.memory_space<vmem>> -> memref<80xi32, #tpu.memory_space<vmem>>
      %dma_wait3A_134 = arith.constant 0 : i32
      %dma_wait3A_135 = arith.constant 0 : i32
      %dma_wait3A_136 = tpu.memref_slice %arg2[%arg0, %dma_wait3A_134, %dma_wait3A_135] : memref<2x10000x64xbf16, #tpu.memory_space<hbm>> -> memref<1x10000x64xbf16, #tpu.memory_space<hbm>>
      %dma_wait3A_137 = tpu.memref_squeeze %dma_wait3A_136 : memref<1x10000x64xbf16, #tpu.memory_space<hbm>> -> memref<10000x64xbf16, #tpu.memory_space<hbm>>
      %dma_wait3A_138 = arith.constant 0 : i32
      %dma_wait3A_139 = arith.constant 0 : i32
      %dma_wait3A_140 = tpu.memref_slice %dma_wait3A_137[%dma_wait3A_138, %dma_wait3A_139] : memref<10000x64xbf16, #tpu.memory_space<hbm>> -> memref<10000x64xbf16, #tpu.memory_space<hbm>>
      tpu.wait_indirect_dma semaphore(%arg15 : memref<!tpu.dma_semaphore, #tpu.memory_space<semaphore_mem>>) src(%dma_wait3A_140 : memref<10000x64xbf16, #tpu.memory_space<hbm>>) dst(%arg10 : memref<80x64xbf16, #tpu.memory_space<vmem>>)
      %dma_start3A_141 = arith.constant 0 : i32
      %dma_start3A_142 = tpu.memref_slice %arg7[%add3A_116, %dma_start3A_141] : memref<250x80xi32, #tpu.memory_space<vmem>> -> memref<1x80xi32, #tpu.memory_space<vmem>>
      %dma_start3A_143 = tpu.memref_squeeze %dma_start3A_142 : memref<1x80xi32, #tpu.memory_space<vmem>> -> memref<80xi32, #tpu.memory_space<vmem>>
      %dma_start3A_144 = arith.constant 0 : i32
      %dma_start3A_145 = arith.constant 0 : i32
      %dma_start3A_146 = tpu.memref_slice %arg24[%dma_start3A_144, %dma_start3A_145] : memref<10000x64xbf16, #tpu.memory_space<vmem_shared>> -> memref<10000x64xbf16, #tpu.memory_space<vmem_shared>>
      tpu.enqueue_indirect_dma source(%arg10 : memref<80x64xbf16, #tpu.memory_space<vmem>>) target(%dma_start3A_146 : memref<10000x64xbf16, #tpu.memory_space<vmem_shared>>) offsets(%dma_start3A_143 : memref<80xi32, #tpu.memory_space<vmem>>) semaphore(%arg20 : memref<!tpu.dma_semaphore, #tpu.memory_space<semaphore_mem>>) {add = true}
      %mul3A_147 = arith.constant 5 : i32
      %mul3A_148 = arith.muli %scan3A_83, %mul3A_147 : i32
      %add3A_149 = arith.constant 2 : i32
      %add3A_150 = arith.addi %mul3A_148, %add3A_149 : i32
      %ge3A_151 = arith.constant 2 : i32
      %ge3A_152 = arith.cmpi sge, %add3A_150, %ge3A_151 : i32
      %convert_element_type3A_153 = arith.extui %ge3A_152 : i1 to i32
      %cond3A_154 = arith.constant 0 : i32
      %cond3A_155 = arith.cmpi ne, %convert_element_type3A_153, %cond3A_154 : i32
      scf.if %cond3A_155 {
        %sub3A_249 = arith.constant 2 : i32
        %sub3A_250 = arith.subi %add3A_150, %sub3A_249 : i32
        %dma_wait3A_251 = arith.constant 0 : i32
        %dma_wait3A_252 = tpu.memref_slice %arg7[%sub3A_250, %dma_wait3A_251] : memref<250x80xi32, #tpu.memory_space<vmem>> -> memref<1x80xi32, #tpu.memory_space<vmem>>
        %dma_wait3A_253 = tpu.memref_squeeze %dma_wait3A_252 : memref<1x80xi32, #tpu.memory_space<vmem>> -> memref<80xi32, #tpu.memory_space<vmem>>
        %dma_wait3A_254 = arith.constant 0 : i32
        %dma_wait3A_255 = arith.constant 0 : i32
        %dma_wait3A_256 = tpu.memref_slice %arg24[%dma_wait3A_254, %dma_wait3A_255] : memref<10000x64xbf16, #tpu.memory_space<vmem_shared>> -> memref<10000x64xbf16, #tpu.memory_space<vmem_shared>>
        tpu.wait_indirect_dma semaphore(%arg19 : memref<!tpu.dma_semaphore, #tpu.memory_space<semaphore_mem>>) src(%arg9 : memref<80x64xbf16, #tpu.memory_space<vmem>>) dst(%dma_wait3A_256 : memref<10000x64xbf16, #tpu.memory_space<vmem_shared>>)
      } else {
      }
      %add3A_156 = arith.constant 5 : i32
      %add3A_157 = arith.addi %add3A_150, %add3A_156 : i32
      %sub3A_158 = arith.constant 2 : i32
      %sub3A_159 = arith.subi %add3A_157, %sub3A_158 : i32
      %lt3A_160 = arith.constant 250 : i32
      %lt3A_161 = arith.cmpi slt, %sub3A_159, %lt3A_160 : i32
      %convert_element_type3A_162 = arith.extui %lt3A_161 : i1 to i32
      %cond3A_163 = arith.constant 0 : i32
      %cond3A_164 = arith.cmpi ne, %convert_element_type3A_162, %cond3A_163 : i32
      scf.if %cond3A_164 {
        %add3A_249 = arith.constant 5 : i32
        %add3A_250 = arith.addi %add3A_150, %add3A_249 : i32
        %sub3A_251 = arith.constant 2 : i32
        %sub3A_252 = arith.subi %add3A_250, %sub3A_251 : i32
        %dma_start3A_253 = arith.constant 0 : i32
        %dma_start3A_254 = tpu.memref_slice %arg6[%sub3A_252, %dma_start3A_253] : memref<250x80xi32, #tpu.memory_space<vmem>> -> memref<1x80xi32, #tpu.memory_space<vmem>>
        %dma_start3A_255 = tpu.memref_squeeze %dma_start3A_254 : memref<1x80xi32, #tpu.memory_space<vmem>> -> memref<80xi32, #tpu.memory_space<vmem>>
        %dma_start3A_256 = arith.constant 0 : i32
        %dma_start3A_257 = arith.constant 0 : i32
        %dma_start3A_258 = tpu.memref_slice %arg2[%arg0, %dma_start3A_256, %dma_start3A_257] : memref<2x10000x64xbf16, #tpu.memory_space<hbm>> -> memref<1x10000x64xbf16, #tpu.memory_space<hbm>>
        %dma_start3A_259 = tpu.memref_squeeze %dma_start3A_258 : memref<1x10000x64xbf16, #tpu.memory_space<hbm>> -> memref<10000x64xbf16, #tpu.memory_space<hbm>>
        %dma_start3A_260 = arith.constant 0 : i32
        %dma_start3A_261 = arith.constant 0 : i32
        %dma_start3A_262 = tpu.memref_slice %dma_start3A_259[%dma_start3A_260, %dma_start3A_261] : memref<10000x64xbf16, #tpu.memory_space<hbm>> -> memref<10000x64xbf16, #tpu.memory_space<hbm>>
        tpu.enqueue_indirect_dma source(%dma_start3A_262 : memref<10000x64xbf16, #tpu.memory_space<hbm>>) target(%arg9 : memref<80x64xbf16, #tpu.memory_space<vmem>>) offsets(%dma_start3A_255 : memref<80xi32, #tpu.memory_space<vmem>>) semaphore(%arg14 : memref<!tpu.dma_semaphore, #tpu.memory_space<semaphore_mem>>)
      } else {
      }
      %dma_wait3A_165 = arith.constant 0 : i32
      %dma_wait3A_166 = tpu.memref_slice %arg6[%add3A_150, %dma_wait3A_165] : memref<250x80xi32, #tpu.memory_space<vmem>> -> memref<1x80xi32, #tpu.memory_space<vmem>>
      %dma_wait3A_167 = tpu.memref_squeeze %dma_wait3A_166 : memref<1x80xi32, #tpu.memory_space<vmem>> -> memref<80xi32, #tpu.memory_space<vmem>>
      %dma_wait3A_168 = arith.constant 0 : i32
      %dma_wait3A_169 = arith.constant 0 : i32
      %dma_wait3A_170 = tpu.memref_slice %arg2[%arg0, %dma_wait3A_168, %dma_wait3A_169] : memref<2x10000x64xbf16, #tpu.memory_space<hbm>> -> memref<1x10000x64xbf16, #tpu.memory_space<hbm>>
      %dma_wait3A_171 = tpu.memref_squeeze %dma_wait3A_170 : memref<1x10000x64xbf16, #tpu.memory_space<hbm>> -> memref<10000x64xbf16, #tpu.memory_space<hbm>>
      %dma_wait3A_172 = arith.constant 0 : i32
      %dma_wait3A_173 = arith.constant 0 : i32
      %dma_wait3A_174 = tpu.memref_slice %dma_wait3A_171[%dma_wait3A_172, %dma_wait3A_173] : memref<10000x64xbf16, #tpu.memory_space<hbm>> -> memref<10000x64xbf16, #tpu.memory_space<hbm>>
      tpu.wait_indirect_dma semaphore(%arg16 : memref<!tpu.dma_semaphore, #tpu.memory_space<semaphore_mem>>) src(%dma_wait3A_174 : memref<10000x64xbf16, #tpu.memory_space<hbm>>) dst(%arg11 : memref<80x64xbf16, #tpu.memory_space<vmem>>)
      %dma_start3A_175 = arith.constant 0 : i32
      %dma_start3A_176 = tpu.memref_slice %arg7[%add3A_150, %dma_start3A_175] : memref<250x80xi32, #tpu.memory_space<vmem>> -> memref<1x80xi32, #tpu.memory_space<vmem>>
      %dma_start3A_177 = tpu.memref_squeeze %dma_start3A_176 : memref<1x80xi32, #tpu.memory_space<vmem>> -> memref<80xi32, #tpu.memory_space<vmem>>
      %dma_start3A_178 = arith.constant 0 : i32
      %dma_start3A_179 = arith.constant 0 : i32
      %dma_start3A_180 = tpu.memref_slice %arg24[%dma_start3A_178, %dma_start3A_179] : memref<10000x64xbf16, #tpu.memory_space<vmem_shared>> -> memref<10000x64xbf16, #tpu.memory_space<vmem_shared>>
      tpu.enqueue_indirect_dma source(%arg11 : memref<80x64xbf16, #tpu.memory_space<vmem>>) target(%dma_start3A_180 : memref<10000x64xbf16, #tpu.memory_space<vmem_shared>>) offsets(%dma_start3A_177 : memref<80xi32, #tpu.memory_space<vmem>>) semaphore(%arg21 : memref<!tpu.dma_semaphore, #tpu.memory_space<semaphore_mem>>) {add = true}
      %mul3A_181 = arith.constant 5 : i32
      %mul3A_182 = arith.muli %scan3A_83, %mul3A_181 : i32
      %add3A_183 = arith.constant 3 : i32
      %add3A_184 = arith.addi %mul3A_182, %add3A_183 : i32
      %ge3A_185 = arith.constant 2 : i32
      %ge3A_186 = arith.cmpi sge, %add3A_184, %ge3A_185 : i32
      %convert_element_type3A_187 = arith.extui %ge3A_186 : i1 to i32
      %cond3A_188 = arith.constant 0 : i32
      %cond3A_189 = arith.cmpi ne, %convert_element_type3A_187, %cond3A_188 : i32
      scf.if %cond3A_189 {
        %sub3A_249 = arith.constant 2 : i32
        %sub3A_250 = arith.subi %add3A_184, %sub3A_249 : i32
        %dma_wait3A_251 = arith.constant 0 : i32
        %dma_wait3A_252 = tpu.memref_slice %arg7[%sub3A_250, %dma_wait3A_251] : memref<250x80xi32, #tpu.memory_space<vmem>> -> memref<1x80xi32, #tpu.memory_space<vmem>>
        %dma_wait3A_253 = tpu.memref_squeeze %dma_wait3A_252 : memref<1x80xi32, #tpu.memory_space<vmem>> -> memref<80xi32, #tpu.memory_space<vmem>>
        %dma_wait3A_254 = arith.constant 0 : i32
        %dma_wait3A_255 = arith.constant 0 : i32
        %dma_wait3A_256 = tpu.memref_slice %arg24[%dma_wait3A_254, %dma_wait3A_255] : memref<10000x64xbf16, #tpu.memory_space<vmem_shared>> -> memref<10000x64xbf16, #tpu.memory_space<vmem_shared>>
        tpu.wait_indirect_dma semaphore(%arg20 : memref<!tpu.dma_semaphore, #tpu.memory_space<semaphore_mem>>) src(%arg10 : memref<80x64xbf16, #tpu.memory_space<vmem>>) dst(%dma_wait3A_256 : memref<10000x64xbf16, #tpu.memory_space<vmem_shared>>)
      } else {
      }
      %add3A_190 = arith.constant 5 : i32
      %add3A_191 = arith.addi %add3A_184, %add3A_190 : i32
      %sub3A_192 = arith.constant 2 : i32
      %sub3A_193 = arith.subi %add3A_191, %sub3A_192 : i32
      %lt3A_194 = arith.constant 250 : i32
      %lt3A_195 = arith.cmpi slt, %sub3A_193, %lt3A_194 : i32
      %convert_element_type3A_196 = arith.extui %lt3A_195 : i1 to i32
      %cond3A_197 = arith.constant 0 : i32
      %cond3A_198 = arith.cmpi ne, %convert_element_type3A_196, %cond3A_197 : i32
      scf.if %cond3A_198 {
        %add3A_249 = arith.constant 5 : i32
        %add3A_250 = arith.addi %add3A_184, %add3A_249 : i32
        %sub3A_251 = arith.constant 2 : i32
        %sub3A_252 = arith.subi %add3A_250, %sub3A_251 : i32
        %dma_start3A_253 = arith.constant 0 : i32
        %dma_start3A_254 = tpu.memref_slice %arg6[%sub3A_252, %dma_start3A_253] : memref<250x80xi32, #tpu.memory_space<vmem>> -> memref<1x80xi32, #tpu.memory_space<vmem>>
        %dma_start3A_255 = tpu.memref_squeeze %dma_start3A_254 : memref<1x80xi32, #tpu.memory_space<vmem>> -> memref<80xi32, #tpu.memory_space<vmem>>
        %dma_start3A_256 = arith.constant 0 : i32
        %dma_start3A_257 = arith.constant 0 : i32
        %dma_start3A_258 = tpu.memref_slice %arg2[%arg0, %dma_start3A_256, %dma_start3A_257] : memref<2x10000x64xbf16, #tpu.memory_space<hbm>> -> memref<1x10000x64xbf16, #tpu.memory_space<hbm>>
        %dma_start3A_259 = tpu.memref_squeeze %dma_start3A_258 : memref<1x10000x64xbf16, #tpu.memory_space<hbm>> -> memref<10000x64xbf16, #tpu.memory_space<hbm>>
        %dma_start3A_260 = arith.constant 0 : i32
        %dma_start3A_261 = arith.constant 0 : i32
        %dma_start3A_262 = tpu.memref_slice %dma_start3A_259[%dma_start3A_260, %dma_start3A_261] : memref<10000x64xbf16, #tpu.memory_space<hbm>> -> memref<10000x64xbf16, #tpu.memory_space<hbm>>
        tpu.enqueue_indirect_dma source(%dma_start3A_262 : memref<10000x64xbf16, #tpu.memory_space<hbm>>) target(%arg10 : memref<80x64xbf16, #tpu.memory_space<vmem>>) offsets(%dma_start3A_255 : memref<80xi32, #tpu.memory_space<vmem>>) semaphore(%arg15 : memref<!tpu.dma_semaphore, #tpu.memory_space<semaphore_mem>>)
      } else {
      }
      %dma_wait3A_199 = arith.constant 0 : i32
      %dma_wait3A_200 = tpu.memref_slice %arg6[%add3A_184, %dma_wait3A_199] : memref<250x80xi32, #tpu.memory_space<vmem>> -> memref<1x80xi32, #tpu.memory_space<vmem>>
      %dma_wait3A_201 = tpu.memref_squeeze %dma_wait3A_200 : memref<1x80xi32, #tpu.memory_space<vmem>> -> memref<80xi32, #tpu.memory_space<vmem>>
      %dma_wait3A_202 = arith.constant 0 : i32
      %dma_wait3A_203 = arith.constant 0 : i32
      %dma_wait3A_204 = tpu.memref_slice %arg2[%arg0, %dma_wait3A_202, %dma_wait3A_203] : memref<2x10000x64xbf16, #tpu.memory_space<hbm>> -> memref<1x10000x64xbf16, #tpu.memory_space<hbm>>
      %dma_wait3A_205 = tpu.memref_squeeze %dma_wait3A_204 : memref<1x10000x64xbf16, #tpu.memory_space<hbm>> -> memref<10000x64xbf16, #tpu.memory_space<hbm>>
      %dma_wait3A_206 = arith.constant 0 : i32
      %dma_wait3A_207 = arith.constant 0 : i32
      %dma_wait3A_208 = tpu.memref_slice %dma_wait3A_205[%dma_wait3A_206, %dma_wait3A_207] : memref<10000x64xbf16, #tpu.memory_space<hbm>> -> memref<10000x64xbf16, #tpu.memory_space<hbm>>
      tpu.wait_indirect_dma semaphore(%arg17 : memref<!tpu.dma_semaphore, #tpu.memory_space<semaphore_mem>>) src(%dma_wait3A_208 : memref<10000x64xbf16, #tpu.memory_space<hbm>>) dst(%arg12 : memref<80x64xbf16, #tpu.memory_space<vmem>>)
      %dma_start3A_209 = arith.constant 0 : i32
      %dma_start3A_210 = tpu.memref_slice %arg7[%add3A_184, %dma_start3A_209] : memref<250x80xi32, #tpu.memory_space<vmem>> -> memref<1x80xi32, #tpu.memory_space<vmem>>
      %dma_start3A_211 = tpu.memref_squeeze %dma_start3A_210 : memref<1x80xi32, #tpu.memory_space<vmem>> -> memref<80xi32, #tpu.memory_space<vmem>>
      %dma_start3A_212 = arith.constant 0 : i32
      %dma_start3A_213 = arith.constant 0 : i32
      %dma_start3A_214 = tpu.memref_slice %arg24[%dma_start3A_212, %dma_start3A_213] : memref<10000x64xbf16, #tpu.memory_space<vmem_shared>> -> memref<10000x64xbf16, #tpu.memory_space<vmem_shared>>
      tpu.enqueue_indirect_dma source(%arg12 : memref<80x64xbf16, #tpu.memory_space<vmem>>) target(%dma_start3A_214 : memref<10000x64xbf16, #tpu.memory_space<vmem_shared>>) offsets(%dma_start3A_211 : memref<80xi32, #tpu.memory_space<vmem>>) semaphore(%arg22 : memref<!tpu.dma_semaphore, #tpu.memory_space<semaphore_mem>>) {add = true}
      %mul3A_215 = arith.constant 5 : i32
      %mul3A_216 = arith.muli %scan3A_83, %mul3A_215 : i32
      %add3A_217 = arith.constant 4 : i32
      %add3A_218 = arith.addi %mul3A_216, %add3A_217 : i32
      %ge3A_219 = arith.constant 2 : i32
      %ge3A_220 = arith.cmpi sge, %add3A_218, %ge3A_219 : i32
      %convert_element_type3A_221 = arith.extui %ge3A_220 : i1 to i32
      %cond3A_222 = arith.constant 0 : i32
      %cond3A_223 = arith.cmpi ne, %convert_element_type3A_221, %cond3A_222 : i32
      scf.if %cond3A_223 {
        %sub3A_249 = arith.constant 2 : i32
        %sub3A_250 = arith.subi %add3A_218, %sub3A_249 : i32
        %dma_wait3A_251 = arith.constant 0 : i32
        %dma_wait3A_252 = tpu.memref_slice %arg7[%sub3A_250, %dma_wait3A_251] : memref<250x80xi32, #tpu.memory_space<vmem>> -> memref<1x80xi32, #tpu.memory_space<vmem>>
        %dma_wait3A_253 = tpu.memref_squeeze %dma_wait3A_252 : memref<1x80xi32, #tpu.memory_space<vmem>> -> memref<80xi32, #tpu.memory_space<vmem>>
        %dma_wait3A_254 = arith.constant 0 : i32
        %dma_wait3A_255 = arith.constant 0 : i32
        %dma_wait3A_256 = tpu.memref_slice %arg24[%dma_wait3A_254, %dma_wait3A_255] : memref<10000x64xbf16, #tpu.memory_space<vmem_shared>> -> memref<10000x64xbf16, #tpu.memory_space<vmem_shared>>
        tpu.wait_indirect_dma semaphore(%arg21 : memref<!tpu.dma_semaphore, #tpu.memory_space<semaphore_mem>>) src(%arg11 : memref<80x64xbf16, #tpu.memory_space<vmem>>) dst(%dma_wait3A_256 : memref<10000x64xbf16, #tpu.memory_space<vmem_shared>>)
      } else {
      }
      %add3A_224 = arith.constant 5 : i32
      %add3A_225 = arith.addi %add3A_218, %add3A_224 : i32
      %sub3A_226 = arith.constant 2 : i32
      %sub3A_227 = arith.subi %add3A_225, %sub3A_226 : i32
      %lt3A_228 = arith.constant 250 : i32
      %lt3A_229 = arith.cmpi slt, %sub3A_227, %lt3A_228 : i32
      %convert_element_type3A_230 = arith.extui %lt3A_229 : i1 to i32
      %cond3A_231 = arith.constant 0 : i32
      %cond3A_232 = arith.cmpi ne, %convert_element_type3A_230, %cond3A_231 : i32
      scf.if %cond3A_232 {
        %add3A_249 = arith.constant 5 : i32
        %add3A_250 = arith.addi %add3A_218, %add3A_249 : i32
        %sub3A_251 = arith.constant 2 : i32
        %sub3A_252 = arith.subi %add3A_250, %sub3A_251 : i32
        %dma_start3A_253 = arith.constant 0 : i32
        %dma_start3A_254 = tpu.memref_slice %arg6[%sub3A_252, %dma_start3A_253] : memref<250x80xi32, #tpu.memory_space<vmem>> -> memref<1x80xi32, #tpu.memory_space<vmem>>
        %dma_start3A_255 = tpu.memref_squeeze %dma_start3A_254 : memref<1x80xi32, #tpu.memory_space<vmem>> -> memref<80xi32, #tpu.memory_space<vmem>>
        %dma_start3A_256 = arith.constant 0 : i32
        %dma_start3A_257 = arith.constant 0 : i32
        %dma_start3A_258 = tpu.memref_slice %arg2[%arg0, %dma_start3A_256, %dma_start3A_257] : memref<2x10000x64xbf16, #tpu.memory_space<hbm>> -> memref<1x10000x64xbf16, #tpu.memory_space<hbm>>
        %dma_start3A_259 = tpu.memref_squeeze %dma_start3A_258 : memref<1x10000x64xbf16, #tpu.memory_space<hbm>> -> memref<10000x64xbf16, #tpu.memory_space<hbm>>
        %dma_start3A_260 = arith.constant 0 : i32
        %dma_start3A_261 = arith.constant 0 : i32
        %dma_start3A_262 = tpu.memref_slice %dma_start3A_259[%dma_start3A_260, %dma_start3A_261] : memref<10000x64xbf16, #tpu.memory_space<hbm>> -> memref<10000x64xbf16, #tpu.memory_space<hbm>>
        tpu.enqueue_indirect_dma source(%dma_start3A_262 : memref<10000x64xbf16, #tpu.memory_space<hbm>>) target(%arg11 : memref<80x64xbf16, #tpu.memory_space<vmem>>) offsets(%dma_start3A_255 : memref<80xi32, #tpu.memory_space<vmem>>) semaphore(%arg16 : memref<!tpu.dma_semaphore, #tpu.memory_space<semaphore_mem>>)
      } else {
      }
      %dma_wait3A_233 = arith.constant 0 : i32
      %dma_wait3A_234 = tpu.memref_slice %arg6[%add3A_218, %dma_wait3A_233] : memref<250x80xi32, #tpu.memory_space<vmem>> -> memref<1x80xi32, #tpu.memory_space<vmem>>
      %dma_wait3A_235 = tpu.memref_squeeze %dma_wait3A_234 : memref<1x80xi32, #tpu.memory_space<vmem>> -> memref<80xi32, #tpu.memory_space<vmem>>
      %dma_wait3A_236 = arith.constant 0 : i32
      %dma_wait3A_237 = arith.constant 0 : i32
      %dma_wait3A_238 = tpu.memref_slice %arg2[%arg0, %dma_wait3A_236, %dma_wait3A_237] : memref<2x10000x64xbf16, #tpu.memory_space<hbm>> -> memref<1x10000x64xbf16, #tpu.memory_space<hbm>>
      %dma_wait3A_239 = tpu.memref_squeeze %dma_wait3A_238 : memref<1x10000x64xbf16, #tpu.memory_space<hbm>> -> memref<10000x64xbf16, #tpu.memory_space<hbm>>
      %dma_wait3A_240 = arith.constant 0 : i32
      %dma_wait3A_241 = arith.constant 0 : i32
      %dma_wait3A_242 = tpu.memref_slice %dma_wait3A_239[%dma_wait3A_240, %dma_wait3A_241] : memref<10000x64xbf16, #tpu.memory_space<hbm>> -> memref<10000x64xbf16, #tpu.memory_space<hbm>>
      tpu.wait_indirect_dma semaphore(%arg18 : memref<!tpu.dma_semaphore, #tpu.memory_space<semaphore_mem>>) src(%dma_wait3A_242 : memref<10000x64xbf16, #tpu.memory_space<hbm>>) dst(%arg13 : memref<80x64xbf16, #tpu.memory_space<vmem>>)
      %dma_start3A_243 = arith.constant 0 : i32
      %dma_start3A_244 = tpu.memref_slice %arg7[%add3A_218, %dma_start3A_243] : memref<250x80xi32, #tpu.memory_space<vmem>> -> memref<1x80xi32, #tpu.memory_space<vmem>>
      %dma_start3A_245 = tpu.memref_squeeze %dma_start3A_244 : memref<1x80xi32, #tpu.memory_space<vmem>> -> memref<80xi32, #tpu.memory_space<vmem>>
      %dma_start3A_246 = arith.constant 0 : i32
      %dma_start3A_247 = arith.constant 0 : i32
      %dma_start3A_248 = tpu.memref_slice %arg24[%dma_start3A_246, %dma_start3A_247] : memref<10000x64xbf16, #tpu.memory_space<vmem_shared>> -> memref<10000x64xbf16, #tpu.memory_space<vmem_shared>>
      tpu.enqueue_indirect_dma source(%arg13 : memref<80x64xbf16, #tpu.memory_space<vmem>>) target(%dma_start3A_248 : memref<10000x64xbf16, #tpu.memory_space<vmem_shared>>) offsets(%dma_start3A_245 : memref<80xi32, #tpu.memory_space<vmem>>) semaphore(%arg23 : memref<!tpu.dma_semaphore, #tpu.memory_space<semaphore_mem>>) {add = true}
    }
    %scan3A_64 = arith.constant 50 : i32
    %dma_wait3A = arith.constant 248 : i32
    %dma_wait3A_65 = arith.constant 0 : i32
    %dma_wait3A_66 = tpu.memref_slice %arg7[%dma_wait3A, %dma_wait3A_65] : memref<250x80xi32, #tpu.memory_space<vmem>> -> memref<1x80xi32, #tpu.memory_space<vmem>>
    %dma_wait3A_67 = tpu.memref_squeeze %dma_wait3A_66 : memref<1x80xi32, #tpu.memory_space<vmem>> -> memref<80xi32, #tpu.memory_space<vmem>>
    %dma_wait3A_68 = arith.constant 0 : i32
    %dma_wait3A_69 = arith.constant 0 : i32
    %dma_wait3A_70 = tpu.memref_slice %arg24[%dma_wait3A_68, %dma_wait3A_69] : memref<10000x64xbf16, #tpu.memory_space<vmem_shared>> -> memref<10000x64xbf16, #tpu.memory_space<vmem_shared>>
    tpu.wait_indirect_dma semaphore(%arg22 : memref<!tpu.dma_semaphore, #tpu.memory_space<semaphore_mem>>) src(%arg12 : memref<80x64xbf16, #tpu.memory_space<vmem>>) dst(%dma_wait3A_70 : memref<10000x64xbf16, #tpu.memory_space<vmem_shared>>)
    %dma_wait3A_71 = arith.constant 249 : i32
    %dma_wait3A_72 = arith.constant 0 : i32
    %dma_wait3A_73 = tpu.memref_slice %arg7[%dma_wait3A_71, %dma_wait3A_72] : memref<250x80xi32, #tpu.memory_space<vmem>> -> memref<1x80xi32, #tpu.memory_space<vmem>>
    %dma_wait3A_74 = tpu.memref_squeeze %dma_wait3A_73 : memref<1x80xi32, #tpu.memory_space<vmem>> -> memref<80xi32, #tpu.memory_space<vmem>>
    %dma_wait3A_75 = arith.constant 0 : i32
    %dma_wait3A_76 = arith.constant 0 : i32
    %dma_wait3A_77 = tpu.memref_slice %arg24[%dma_wait3A_75, %dma_wait3A_76] : memref<10000x64xbf16, #tpu.memory_space<vmem_shared>> -> memref<10000x64xbf16, #tpu.memory_space<vmem_shared>>
    tpu.wait_indirect_dma semaphore(%arg23 : memref<!tpu.dma_semaphore, #tpu.memory_space<semaphore_mem>>) src(%arg13 : memref<80x64xbf16, #tpu.memory_space<vmem>>) dst(%dma_wait3A_77 : memref<10000x64xbf16, #tpu.memory_space<vmem_shared>>)
    %barrier3A_78 = arith.constant 0 : index
    tpu.barrier barrier_id(%barrier3A_78)
    %mul3A_79 = arith.constant 625 : i32
    %mul3A_80 = arith.muli %arg1, %mul3A_79 : i32
    %mul3A_81 = arith.constant 625 : i32
    %mul3A_82 = arith.muli %arg1, %mul3A_81 : i32
    "tpu.region"() ({
      %run_scoped3A = tpu.sem_alloc : memref<!tpu.dma_semaphore, #tpu.memory_space<semaphore_mem>>
      %dma_start3A_83 = arith.constant 0 : i32
      %dma_start3A_84 = tpu.memref_slice %arg5[%arg0, %mul3A_82, %dma_start3A_83] : memref<2x10000x64xbf16, #tpu.memory_space<hbm>> -> memref<1x625x64xbf16, #tpu.memory_space<hbm>>
      %dma_start3A_85 = tpu.memref_squeeze %dma_start3A_84 : memref<1x625x64xbf16, #tpu.memory_space<hbm>> -> memref<625x64xbf16, #tpu.memory_space<hbm>>
      %dma_start3A_86 = arith.constant 0 : i32
      %dma_start3A_87 = tpu.memref_slice %arg24[%mul3A_80, %dma_start3A_86] : memref<10000x64xbf16, #tpu.memory_space<vmem_shared>> -> memref<625x64xbf16, #tpu.memory_space<vmem_shared>>
      tpu.enqueue_dma source(%dma_start3A_87 : memref<625x64xbf16, #tpu.memory_space<vmem_shared>>) target(%dma_start3A_85 : memref<625x64xbf16, #tpu.memory_space<hbm>>) target_semaphore(%run_scoped3A : memref<!tpu.dma_semaphore, #tpu.memory_space<semaphore_mem>>)
      %dma_wait3A_88 = arith.constant 0 : i32
      %dma_wait3A_89 = tpu.memref_slice %arg5[%arg0, %mul3A_82, %dma_wait3A_88] : memref<2x10000x64xbf16, #tpu.memory_space<hbm>> -> memref<1x625x64xbf16, #tpu.memory_space<hbm>>
      %dma_wait3A_90 = tpu.memref_squeeze %dma_wait3A_89 : memref<1x625x64xbf16, #tpu.memory_space<hbm>> -> memref<625x64xbf16, #tpu.memory_space<hbm>>
      %dma_wait3A_91 = arith.constant 0 : i32
      %dma_wait3A_92 = tpu.memref_slice %arg24[%mul3A_80, %dma_wait3A_91] : memref<10000x64xbf16, #tpu.memory_space<vmem_shared>> -> memref<625x64xbf16, #tpu.memory_space<vmem_shared>>
      tpu.wait_dma2 semaphore(%run_scoped3A : memref<!tpu.dma_semaphore, #tpu.memory_space<semaphore_mem>>) src(%dma_wait3A_92 : memref<625x64xbf16, #tpu.memory_space<vmem_shared>>) dst(%dma_wait3A_90 : memref<625x64xbf16, #tpu.memory_space<hbm>>)
      tpu.yield
    }) : () -> ()
    return
  }
}

#map = affine_map<(d0, d1) -> (0, 0, 0)>
#map1 = affine_map<(d0, d1) -> (0, 0)>
module attributes {stable_mosaic.version = 14 : i64} {
  func.func @body(%arg0: i32, %arg1: i32, %arg2: memref<2x10000x64xf32, #tpu.memory_space<hbm>>, %arg3: memref<4000x80xi32, #tpu.memory_space<hbm>>, %arg4: memref<4000x80xi32, #tpu.memory_space<hbm>>, %arg5: memref<2x10000x64xf32, #tpu.memory_space<hbm>>, %arg6: memref<250x80xi32, #tpu.memory_space<vmem>>, %arg7: memref<250x80xi32, #tpu.memory_space<vmem>>, %arg8: memref<125x64xf32, #tpu.memory_space<vmem>>, %arg9: memref<80x64xf32, #tpu.memory_space<vmem>>, %arg10: memref<80x64xf32, #tpu.memory_space<vmem>>, %arg11: memref<80x64xf32, #tpu.memory_space<vmem>>, %arg12: memref<80x64xf32, #tpu.memory_space<vmem>>, %arg13: memref<80x64xf32, #tpu.memory_space<vmem>>, %arg14: memref<!tpu.dma_semaphore, #tpu.memory_space<semaphore_mem>>, %arg15: memref<!tpu.dma_semaphore, #tpu.memory_space<semaphore_mem>>, %arg16: memref<!tpu.dma_semaphore, #tpu.memory_space<semaphore_mem>>, %arg17: memref<!tpu.dma_semaphore, #tpu.memory_space<semaphore_mem>>, %arg18: memref<!tpu.dma_semaphore, #tpu.memory_space<semaphore_mem>>, %arg19: memref<!tpu.dma_semaphore, #tpu.memory_space<semaphore_mem>>, %arg20: memref<!tpu.dma_semaphore, #tpu.memory_space<semaphore_mem>>, %arg21: memref<!tpu.dma_semaphore, #tpu.memory_space<semaphore_mem>>, %arg22: memref<!tpu.dma_semaphore, #tpu.memory_space<semaphore_mem>>, %arg23: memref<!tpu.dma_semaphore, #tpu.memory_space<semaphore_mem>>, %arg24: memref<10000x64xf32, #tpu.memory_space<vmem_shared>>) attributes {dimension_semantics = [#tpu.dimension_semantics<core_parallel>, #tpu.dimension_semantics<subcore_parallel>], iteration_bounds = array<i64: 2, 16>, scalar_prefetch = 0 : i64, scratch_operands = 19 : i64, tpu.core_type = #tpu.core_type<sc_vector_subcore>, window_params = [{transform_indices = #map}, {transform_indices = #map1}, {transform_indices = #map1}, {transform_indices = #map}]} {
    %scan3A = arith.constant 0 : i32
    %scan3A_0 = arith.constant 0 : i32
    %scan3A_1 = arith.constant 125 : i32
    %scan3A_2 = arith.addi %scan3A_0, %scan3A_1 : i32
    %scan3A_3 = arith.constant 1 : i32
    scf.for %scan3A_83 = %scan3A_0 to %scan3A_2 step %scan3A_3  : i32 {
      %broadcast_in_dim3A = arith.constant 0.000000e+00 : f32
      %broadcast_in_dim3A_84 = vector.broadcast %broadcast_in_dim3A : f32 to vector<16xf32>
      %swap3A = arith.index_cast %scan3A_83 : i32 to index
      %swap3A_85 = arith.constant 0 : index
      %swap3A_86 = tpu.vector_load %arg8[%swap3A, %swap3A_85] {strides = array<i32>} : memref<125x64xf32, #tpu.memory_space<vmem>>, vector<1x16xf32>,
      %swap3A_87 = vector.shape_cast %swap3A_86 : vector<1x16xf32> to vector<16xf32>
      %swap3A_88 = vector.shape_cast %broadcast_in_dim3A_84 : vector<16xf32> to vector<1x16xf32>
      tpu.vector_store %arg8[%swap3A, %swap3A_85], %swap3A_88 {strides = array<i32>} : memref<125x64xf32, #tpu.memory_space<vmem>>, vector<1x16xf32>,
      %broadcast_in_dim3A_89 = arith.constant 0.000000e+00 : f32
      %broadcast_in_dim3A_90 = vector.broadcast %broadcast_in_dim3A_89 : f32 to vector<16xf32>
      %swap3A_91 = arith.index_cast %scan3A_83 : i32 to index
      %swap3A_92 = arith.constant 16 : index
      %swap3A_93 = tpu.vector_load %arg8[%swap3A_91, %swap3A_92] {strides = array<i32>} : memref<125x64xf32, #tpu.memory_space<vmem>>, vector<1x16xf32>,
      %swap3A_94 = vector.shape_cast %swap3A_93 : vector<1x16xf32> to vector<16xf32>
      %swap3A_95 = vector.shape_cast %broadcast_in_dim3A_90 : vector<16xf32> to vector<1x16xf32>
      tpu.vector_store %arg8[%swap3A_91, %swap3A_92], %swap3A_95 {strides = array<i32>} : memref<125x64xf32, #tpu.memory_space<vmem>>, vector<1x16xf32>,
      %broadcast_in_dim3A_96 = arith.constant 0.000000e+00 : f32
      %broadcast_in_dim3A_97 = vector.broadcast %broadcast_in_dim3A_96 : f32 to vector<16xf32>
      %swap3A_98 = arith.index_cast %scan3A_83 : i32 to index
      %swap3A_99 = arith.constant 32 : index
      %swap3A_100 = tpu.vector_load %arg8[%swap3A_98, %swap3A_99] {strides = array<i32>} : memref<125x64xf32, #tpu.memory_space<vmem>>, vector<1x16xf32>,
      %swap3A_101 = vector.shape_cast %swap3A_100 : vector<1x16xf32> to vector<16xf32>
      %swap3A_102 = vector.shape_cast %broadcast_in_dim3A_97 : vector<16xf32> to vector<1x16xf32>
      tpu.vector_store %arg8[%swap3A_98, %swap3A_99], %swap3A_102 {strides = array<i32>} : memref<125x64xf32, #tpu.memory_space<vmem>>, vector<1x16xf32>,
      %broadcast_in_dim3A_103 = arith.constant 0.000000e+00 : f32
      %broadcast_in_dim3A_104 = vector.broadcast %broadcast_in_dim3A_103 : f32 to vector<16xf32>
      %swap3A_105 = arith.index_cast %scan3A_83 : i32 to index
      %swap3A_106 = arith.constant 48 : index
      %swap3A_107 = tpu.vector_load %arg8[%swap3A_105, %swap3A_106] {strides = array<i32>} : memref<125x64xf32, #tpu.memory_space<vmem>>, vector<1x16xf32>,
      %swap3A_108 = vector.shape_cast %swap3A_107 : vector<1x16xf32> to vector<16xf32>
      %swap3A_109 = vector.shape_cast %broadcast_in_dim3A_104 : vector<16xf32> to vector<1x16xf32>
      tpu.vector_store %arg8[%swap3A_105, %swap3A_106], %swap3A_109 {strides = array<i32>} : memref<125x64xf32, #tpu.memory_space<vmem>>, vector<1x16xf32>,
    }
    %scan3A_4 = arith.constant 125 : i32
    %mul3A = arith.constant 625 : i32
    %mul3A_5 = arith.muli %arg1, %mul3A : i32
    %add3A = arith.constant 0 : i32
    %add3A_6 = arith.addi %mul3A_5, %add3A : i32
    "tpu.region"() ({
      %run_scoped3A = tpu.sem_alloc : memref<!tpu.dma_semaphore, #tpu.memory_space<semaphore_mem>>
      %dma_start3A_83 = arith.constant 0 : i32
      %dma_start3A_84 = tpu.memref_slice %arg24[%add3A_6, %dma_start3A_83] : memref<10000x64xf32, #tpu.memory_space<vmem_shared>> -> memref<125x64xf32, #tpu.memory_space<vmem_shared>>
      %dma_start3A_85 = arith.constant 0 : i32
      %dma_start3A_86 = tpu.memref_slice %arg24[%add3A_6, %dma_start3A_85] : memref<10000x64xf32, #tpu.memory_space<vmem_shared>> -> memref<125x64xf32, #tpu.memory_space<vmem_shared>>
      tpu.enqueue_dma source(%arg8 : memref<125x64xf32, #tpu.memory_space<vmem>>) target(%dma_start3A_86 : memref<125x64xf32, #tpu.memory_space<vmem_shared>>) target_semaphore(%run_scoped3A : memref<!tpu.dma_semaphore, #tpu.memory_space<semaphore_mem>>)
      %dma_wait3A_87 = arith.constant 0 : i32
      %dma_wait3A_88 = tpu.memref_slice %arg24[%add3A_6, %dma_wait3A_87] : memref<10000x64xf32, #tpu.memory_space<vmem_shared>> -> memref<125x64xf32, #tpu.memory_space<vmem_shared>>
      %dma_wait3A_89 = arith.constant 0 : i32
      %dma_wait3A_90 = tpu.memref_slice %arg24[%add3A_6, %dma_wait3A_89] : memref<10000x64xf32, #tpu.memory_space<vmem_shared>> -> memref<125x64xf32, #tpu.memory_space<vmem_shared>>
      tpu.wait_dma2 semaphore(%run_scoped3A : memref<!tpu.dma_semaphore, #tpu.memory_space<semaphore_mem>>) src(%arg8 : memref<125x64xf32, #tpu.memory_space<vmem>>) dst(%dma_wait3A_90 : memref<125x64xf32, #tpu.memory_space<vmem_shared>>)
      tpu.yield
    }) : () -> ()
    %mul3A_7 = arith.constant 625 : i32
    %mul3A_8 = arith.muli %arg1, %mul3A_7 : i32
    %add3A_9 = arith.constant 125 : i32
    %add3A_10 = arith.addi %mul3A_8, %add3A_9 : i32
    "tpu.region"() ({
      %run_scoped3A = tpu.sem_alloc : memref<!tpu.dma_semaphore, #tpu.memory_space<semaphore_mem>>
      %dma_start3A_83 = arith.constant 0 : i32
      %dma_start3A_84 = tpu.memref_slice %arg24[%add3A_10, %dma_start3A_83] : memref<10000x64xf32, #tpu.memory_space<vmem_shared>> -> memref<125x64xf32, #tpu.memory_space<vmem_shared>>
      %dma_start3A_85 = arith.constant 0 : i32
      %dma_start3A_86 = tpu.memref_slice %arg24[%add3A_10, %dma_start3A_85] : memref<10000x64xf32, #tpu.memory_space<vmem_shared>> -> memref<125x64xf32, #tpu.memory_space<vmem_shared>>
      tpu.enqueue_dma source(%arg8 : memref<125x64xf32, #tpu.memory_space<vmem>>) target(%dma_start3A_86 : memref<125x64xf32, #tpu.memory_space<vmem_shared>>) target_semaphore(%run_scoped3A : memref<!tpu.dma_semaphore, #tpu.memory_space<semaphore_mem>>)
      %dma_wait3A_87 = arith.constant 0 : i32
      %dma_wait3A_88 = tpu.memref_slice %arg24[%add3A_10, %dma_wait3A_87] : memref<10000x64xf32, #tpu.memory_space<vmem_shared>> -> memref<125x64xf32, #tpu.memory_space<vmem_shared>>
      %dma_wait3A_89 = arith.constant 0 : i32
      %dma_wait3A_90 = tpu.memref_slice %arg24[%add3A_10, %dma_wait3A_89] : memref<10000x64xf32, #tpu.memory_space<vmem_shared>> -> memref<125x64xf32, #tpu.memory_space<vmem_shared>>
      tpu.wait_dma2 semaphore(%run_scoped3A : memref<!tpu.dma_semaphore, #tpu.memory_space<semaphore_mem>>) src(%arg8 : memref<125x64xf32, #tpu.memory_space<vmem>>) dst(%dma_wait3A_90 : memref<125x64xf32, #tpu.memory_space<vmem_shared>>)
      tpu.yield
    }) : () -> ()
    %mul3A_11 = arith.constant 625 : i32
    %mul3A_12 = arith.muli %arg1, %mul3A_11 : i32
    %add3A_13 = arith.constant 250 : i32
    %add3A_14 = arith.addi %mul3A_12, %add3A_13 : i32
    "tpu.region"() ({
      %run_scoped3A = tpu.sem_alloc : memref<!tpu.dma_semaphore, #tpu.memory_space<semaphore_mem>>
      %dma_start3A_83 = arith.constant 0 : i32
      %dma_start3A_84 = tpu.memref_slice %arg24[%add3A_14, %dma_start3A_83] : memref<10000x64xf32, #tpu.memory_space<vmem_shared>> -> memref<125x64xf32, #tpu.memory_space<vmem_shared>>
      %dma_start3A_85 = arith.constant 0 : i32
      %dma_start3A_86 = tpu.memref_slice %arg24[%add3A_14, %dma_start3A_85] : memref<10000x64xf32, #tpu.memory_space<vmem_shared>> -> memref<125x64xf32, #tpu.memory_space<vmem_shared>>
      tpu.enqueue_dma source(%arg8 : memref<125x64xf32, #tpu.memory_space<vmem>>) target(%dma_start3A_86 : memref<125x64xf32, #tpu.memory_space<vmem_shared>>) target_semaphore(%run_scoped3A : memref<!tpu.dma_semaphore, #tpu.memory_space<semaphore_mem>>)
      %dma_wait3A_87 = arith.constant 0 : i32
      %dma_wait3A_88 = tpu.memref_slice %arg24[%add3A_14, %dma_wait3A_87] : memref<10000x64xf32, #tpu.memory_space<vmem_shared>> -> memref<125x64xf32, #tpu.memory_space<vmem_shared>>
      %dma_wait3A_89 = arith.constant 0 : i32
      %dma_wait3A_90 = tpu.memref_slice %arg24[%add3A_14, %dma_wait3A_89] : memref<10000x64xf32, #tpu.memory_space<vmem_shared>> -> memref<125x64xf32, #tpu.memory_space<vmem_shared>>
      tpu.wait_dma2 semaphore(%run_scoped3A : memref<!tpu.dma_semaphore, #tpu.memory_space<semaphore_mem>>) src(%arg8 : memref<125x64xf32, #tpu.memory_space<vmem>>) dst(%dma_wait3A_90 : memref<125x64xf32, #tpu.memory_space<vmem_shared>>)
      tpu.yield
    }) : () -> ()
    %mul3A_15 = arith.constant 625 : i32
    %mul3A_16 = arith.muli %arg1, %mul3A_15 : i32
    %add3A_17 = arith.constant 375 : i32
    %add3A_18 = arith.addi %mul3A_16, %add3A_17 : i32
    "tpu.region"() ({
      %run_scoped3A = tpu.sem_alloc : memref<!tpu.dma_semaphore, #tpu.memory_space<semaphore_mem>>
      %dma_start3A_83 = arith.constant 0 : i32
      %dma_start3A_84 = tpu.memref_slice %arg24[%add3A_18, %dma_start3A_83] : memref<10000x64xf32, #tpu.memory_space<vmem_shared>> -> memref<125x64xf32, #tpu.memory_space<vmem_shared>>
      %dma_start3A_85 = arith.constant 0 : i32
      %dma_start3A_86 = tpu.memref_slice %arg24[%add3A_18, %dma_start3A_85] : memref<10000x64xf32, #tpu.memory_space<vmem_shared>> -> memref<125x64xf32, #tpu.memory_space<vmem_shared>>
      tpu.enqueue_dma source(%arg8 : memref<125x64xf32, #tpu.memory_space<vmem>>) target(%dma_start3A_86 : memref<125x64xf32, #tpu.memory_space<vmem_shared>>) target_semaphore(%run_scoped3A : memref<!tpu.dma_semaphore, #tpu.memory_space<semaphore_mem>>)
      %dma_wait3A_87 = arith.constant 0 : i32
      %dma_wait3A_88 = tpu.memref_slice %arg24[%add3A_18, %dma_wait3A_87] : memref<10000x64xf32, #tpu.memory_space<vmem_shared>> -> memref<125x64xf32, #tpu.memory_space<vmem_shared>>
      %dma_wait3A_89 = arith.constant 0 : i32
      %dma_wait3A_90 = tpu.memref_slice %arg24[%add3A_18, %dma_wait3A_89] : memref<10000x64xf32, #tpu.memory_space<vmem_shared>> -> memref<125x64xf32, #tpu.memory_space<vmem_shared>>
      tpu.wait_dma2 semaphore(%run_scoped3A : memref<!tpu.dma_semaphore, #tpu.memory_space<semaphore_mem>>) src(%arg8 : memref<125x64xf32, #tpu.memory_space<vmem>>) dst(%dma_wait3A_90 : memref<125x64xf32, #tpu.memory_space<vmem_shared>>)
      tpu.yield
    }) : () -> ()
    %mul3A_19 = arith.constant 625 : i32
    %mul3A_20 = arith.muli %arg1, %mul3A_19 : i32
    %add3A_21 = arith.constant 500 : i32
    %add3A_22 = arith.addi %mul3A_20, %add3A_21 : i32
    "tpu.region"() ({
      %run_scoped3A = tpu.sem_alloc : memref<!tpu.dma_semaphore, #tpu.memory_space<semaphore_mem>>
      %dma_start3A_83 = arith.constant 0 : i32
      %dma_start3A_84 = tpu.memref_slice %arg24[%add3A_22, %dma_start3A_83] : memref<10000x64xf32, #tpu.memory_space<vmem_shared>> -> memref<125x64xf32, #tpu.memory_space<vmem_shared>>
      %dma_start3A_85 = arith.constant 0 : i32
      %dma_start3A_86 = tpu.memref_slice %arg24[%add3A_22, %dma_start3A_85] : memref<10000x64xf32, #tpu.memory_space<vmem_shared>> -> memref<125x64xf32, #tpu.memory_space<vmem_shared>>
      tpu.enqueue_dma source(%arg8 : memref<125x64xf32, #tpu.memory_space<vmem>>) target(%dma_start3A_86 : memref<125x64xf32, #tpu.memory_space<vmem_shared>>) target_semaphore(%run_scoped3A : memref<!tpu.dma_semaphore, #tpu.memory_space<semaphore_mem>>)
      %dma_wait3A_87 = arith.constant 0 : i32
      %dma_wait3A_88 = tpu.memref_slice %arg24[%add3A_22, %dma_wait3A_87] : memref<10000x64xf32, #tpu.memory_space<vmem_shared>> -> memref<125x64xf32, #tpu.memory_space<vmem_shared>>
      %dma_wait3A_89 = arith.constant 0 : i32
      %dma_wait3A_90 = tpu.memref_slice %arg24[%add3A_22, %dma_wait3A_89] : memref<10000x64xf32, #tpu.memory_space<vmem_shared>> -> memref<125x64xf32, #tpu.memory_space<vmem_shared>>
      tpu.wait_dma2 semaphore(%run_scoped3A : memref<!tpu.dma_semaphore, #tpu.memory_space<semaphore_mem>>) src(%arg8 : memref<125x64xf32, #tpu.memory_space<vmem>>) dst(%dma_wait3A_90 : memref<125x64xf32, #tpu.memory_space<vmem_shared>>)
      tpu.yield
    }) : () -> ()
    %mul3A_23 = arith.constant 250 : i32
    %mul3A_24 = arith.muli %arg1, %mul3A_23 : i32
    "tpu.region"() ({
      %run_scoped3A = tpu.sem_alloc : memref<!tpu.dma_semaphore, #tpu.memory_space<semaphore_mem>>
      %dma_start3A_83 = arith.constant 0 : i32
      %dma_start3A_84 = tpu.memref_slice %arg3[%mul3A_24, %dma_start3A_83] : memref<4000x80xi32, #tpu.memory_space<hbm>> -> memref<250x80xi32, #tpu.memory_space<hbm>>
      %dma_start3A_85 = arith.constant 0 : i32
      %dma_start3A_86 = tpu.memref_slice %arg3[%mul3A_24, %dma_start3A_85] : memref<4000x80xi32, #tpu.memory_space<hbm>> -> memref<250x80xi32, #tpu.memory_space<hbm>>
      tpu.enqueue_dma source(%dma_start3A_86 : memref<250x80xi32, #tpu.memory_space<hbm>>) target(%arg6 : memref<250x80xi32, #tpu.memory_space<vmem>>) target_semaphore(%run_scoped3A : memref<!tpu.dma_semaphore, #tpu.memory_space<semaphore_mem>>)
      %dma_wait3A_87 = arith.constant 0 : i32
      %dma_wait3A_88 = tpu.memref_slice %arg3[%mul3A_24, %dma_wait3A_87] : memref<4000x80xi32, #tpu.memory_space<hbm>> -> memref<250x80xi32, #tpu.memory_space<hbm>>
      %dma_wait3A_89 = arith.constant 0 : i32
      %dma_wait3A_90 = tpu.memref_slice %arg3[%mul3A_24, %dma_wait3A_89] : memref<4000x80xi32, #tpu.memory_space<hbm>> -> memref<250x80xi32, #tpu.memory_space<hbm>>
      tpu.wait_dma2 semaphore(%run_scoped3A : memref<!tpu.dma_semaphore, #tpu.memory_space<semaphore_mem>>) src(%dma_wait3A_90 : memref<250x80xi32, #tpu.memory_space<hbm>>) dst(%arg6 : memref<250x80xi32, #tpu.memory_space<vmem>>)
      tpu.yield
    }) : () -> ()
    %mul3A_25 = arith.constant 250 : i32
    %mul3A_26 = arith.muli %arg1, %mul3A_25 : i32
    "tpu.region"() ({
      %run_scoped3A = tpu.sem_alloc : memref<!tpu.dma_semaphore, #tpu.memory_space<semaphore_mem>>
      %dma_start3A_83 = arith.constant 0 : i32
      %dma_start3A_84 = tpu.memref_slice %arg4[%mul3A_26, %dma_start3A_83] : memref<4000x80xi32, #tpu.memory_space<hbm>> -> memref<250x80xi32, #tpu.memory_space<hbm>>
      %dma_start3A_85 = arith.constant 0 : i32
      %dma_start3A_86 = tpu.memref_slice %arg4[%mul3A_26, %dma_start3A_85] : memref<4000x80xi32, #tpu.memory_space<hbm>> -> memref<250x80xi32, #tpu.memory_space<hbm>>
      tpu.enqueue_dma source(%dma_start3A_86 : memref<250x80xi32, #tpu.memory_space<hbm>>) target(%arg7 : memref<250x80xi32, #tpu.memory_space<vmem>>) target_semaphore(%run_scoped3A : memref<!tpu.dma_semaphore, #tpu.memory_space<semaphore_mem>>)
      %dma_wait3A_87 = arith.constant 0 : i32
      %dma_wait3A_88 = tpu.memref_slice %arg4[%mul3A_26, %dma_wait3A_87] : memref<4000x80xi32, #tpu.memory_space<hbm>> -> memref<250x80xi32, #tpu.memory_space<hbm>>
      %dma_wait3A_89 = arith.constant 0 : i32
      %dma_wait3A_90 = tpu.memref_slice %arg4[%mul3A_26, %dma_wait3A_89] : memref<4000x80xi32, #tpu.memory_space<hbm>> -> memref<250x80xi32, #tpu.memory_space<hbm>>
      tpu.wait_dma2 semaphore(%run_scoped3A : memref<!tpu.dma_semaphore, #tpu.memory_space<semaphore_mem>>) src(%dma_wait3A_90 : memref<250x80xi32, #tpu.memory_space<hbm>>) dst(%arg7 : memref<250x80xi32, #tpu.memory_space<vmem>>)
      tpu.yield
    }) : () -> ()
    %barrier3A = arith.constant 0 : index
    tpu.barrier barrier_id(%barrier3A)
    %dma_start3A = arith.constant 0 : i32
    %dma_start3A_27 = arith.constant 0 : i32
    %dma_start3A_28 = tpu.memref_slice %arg6[%dma_start3A, %dma_start3A_27] : memref<250x80xi32, #tpu.memory_space<vmem>> -> memref<1x80xi32, #tpu.memory_space<vmem>>
    %dma_start3A_29 = tpu.memref_squeeze %dma_start3A_28 : memref<1x80xi32, #tpu.memory_space<vmem>> -> memref<80xi32, #tpu.memory_space<vmem>>
    %dma_start3A_30 = arith.constant 0 : i32
    %dma_start3A_31 = arith.constant 0 : i32
    %dma_start3A_32 = tpu.memref_slice %arg2[%arg0, %dma_start3A_30, %dma_start3A_31] : memref<2x10000x64xf32, #tpu.memory_space<hbm>> -> memref<1x10000x64xf32, #tpu.memory_space<hbm>>
    %dma_start3A_33 = tpu.memref_squeeze %dma_start3A_32 : memref<1x10000x64xf32, #tpu.memory_space<hbm>> -> memref<10000x64xf32, #tpu.memory_space<hbm>>
    %dma_start3A_34 = arith.constant 0 : i32
    %dma_start3A_35 = arith.constant 0 : i32
    %dma_start3A_36 = tpu.memref_slice %dma_start3A_33[%dma_start3A_34, %dma_start3A_35] : memref<10000x64xf32, #tpu.memory_space<hbm>> -> memref<10000x64xf32, #tpu.memory_space<hbm>>
    tpu.enqueue_indirect_dma source(%dma_start3A_36 : memref<10000x64xf32, #tpu.memory_space<hbm>>) target(%arg9 : memref<80x64xf32, #tpu.memory_space<vmem>>) offsets(%dma_start3A_29 : memref<80xi32, #tpu.memory_space<vmem>>) semaphore(%arg14 : memref<!tpu.dma_semaphore, #tpu.memory_space<semaphore_mem>>)
    %dma_start3A_37 = arith.constant 1 : i32
    %dma_start3A_38 = arith.constant 0 : i32
    %dma_start3A_39 = tpu.memref_slice %arg6[%dma_start3A_37, %dma_start3A_38] : memref<250x80xi32, #tpu.memory_space<vmem>> -> memref<1x80xi32, #tpu.memory_space<vmem>>
    %dma_start3A_40 = tpu.memref_squeeze %dma_start3A_39 : memref<1x80xi32, #tpu.memory_space<vmem>> -> memref<80xi32, #tpu.memory_space<vmem>>
    %dma_start3A_41 = arith.constant 0 : i32
    %dma_start3A_42 = arith.constant 0 : i32
    %dma_start3A_43 = tpu.memref_slice %arg2[%arg0, %dma_start3A_41, %dma_start3A_42] : memref<2x10000x64xf32, #tpu.memory_space<hbm>> -> memref<1x10000x64xf32, #tpu.memory_space<hbm>>
    %dma_start3A_44 = tpu.memref_squeeze %dma_start3A_43 : memref<1x10000x64xf32, #tpu.memory_space<hbm>> -> memref<10000x64xf32, #tpu.memory_space<hbm>>
    %dma_start3A_45 = arith.constant 0 : i32
    %dma_start3A_46 = arith.constant 0 : i32
    %dma_start3A_47 = tpu.memref_slice %dma_start3A_44[%dma_start3A_45, %dma_start3A_46] : memref<10000x64xf32, #tpu.memory_space<hbm>> -> memref<10000x64xf32, #tpu.memory_space<hbm>>
    tpu.enqueue_indirect_dma source(%dma_start3A_47 : memref<10000x64xf32, #tpu.memory_space<hbm>>) target(%arg10 : memref<80x64xf32, #tpu.memory_space<vmem>>) offsets(%dma_start3A_40 : memref<80xi32, #tpu.memory_space<vmem>>) semaphore(%arg15 : memref<!tpu.dma_semaphore, #tpu.memory_space<semaphore_mem>>)
    %dma_start3A_48 = arith.constant 2 : i32
    %dma_start3A_49 = arith.constant 0 : i32
    %dma_start3A_50 = tpu.memref_slice %arg6[%dma_start3A_48, %dma_start3A_49] : memref<250x80xi32, #tpu.memory_space<vmem>> -> memref<1x80xi32, #tpu.memory_space<vmem>>
    %dma_start3A_51 = tpu.memref_squeeze %dma_start3A_50 : memref<1x80xi32, #tpu.memory_space<vmem>> -> memref<80xi32, #tpu.memory_space<vmem>>
    %dma_start3A_52 = arith.constant 0 : i32
    %dma_start3A_53 = arith.constant 0 : i32
    %dma_start3A_54 = tpu.memref_slice %arg2[%arg0, %dma_start3A_52, %dma_start3A_53] : memref<2x10000x64xf32, #tpu.memory_space<hbm>> -> memref<1x10000x64xf32, #tpu.memory_space<hbm>>
    %dma_start3A_55 = tpu.memref_squeeze %dma_start3A_54 : memref<1x10000x64xf32, #tpu.memory_space<hbm>> -> memref<10000x64xf32, #tpu.memory_space<hbm>>
    %dma_start3A_56 = arith.constant 0 : i32
    %dma_start3A_57 = arith.constant 0 : i32
    %dma_start3A_58 = tpu.memref_slice %dma_start3A_55[%dma_start3A_56, %dma_start3A_57] : memref<10000x64xf32, #tpu.memory_space<hbm>> -> memref<10000x64xf32, #tpu.memory_space<hbm>>
    tpu.enqueue_indirect_dma source(%dma_start3A_58 : memref<10000x64xf32, #tpu.memory_space<hbm>>) target(%arg11 : memref<80x64xf32, #tpu.memory_space<vmem>>) offsets(%dma_start3A_51 : memref<80xi32, #tpu.memory_space<vmem>>) semaphore(%arg16 : memref<!tpu.dma_semaphore, #tpu.memory_space<semaphore_mem>>)
    %scan3A_59 = arith.constant 0 : i32
    %scan3A_60 = arith.constant 0 : i32
    %scan3A_61 = arith.constant 50 : i32
    %scan3A_62 = arith.addi %scan3A_60, %scan3A_61 : i32
    %scan3A_63 = arith.constant 1 : i32
    scf.for %scan3A_83 = %scan3A_60 to %scan3A_62 step %scan3A_63  : i32 {
      %mul3A_84 = arith.constant 5 : i32
      %mul3A_85 = arith.muli %scan3A_83, %mul3A_84 : i32
      %add3A_86 = arith.constant 0 : i32
      %add3A_87 = arith.addi %mul3A_85, %add3A_86 : i32
      %ge3A = arith.constant 2 : i32
      %ge3A_88 = arith.cmpi sge, %add3A_87, %ge3A : i32
      %convert_element_type3A = arith.extui %ge3A_88 : i1 to i32
      %cond3A = arith.constant 0 : i32
      %cond3A_89 = arith.cmpi ne, %convert_element_type3A, %cond3A : i32
      scf.if %cond3A_89 {
        %sub3A_249 = arith.constant 2 : i32
        %sub3A_250 = arith.subi %add3A_87, %sub3A_249 : i32
        %dma_wait3A_251 = arith.constant 0 : i32
        %dma_wait3A_252 = tpu.memref_slice %arg7[%sub3A_250, %dma_wait3A_251] : memref<250x80xi32, #tpu.memory_space<vmem>> -> memref<1x80xi32, #tpu.memory_space<vmem>>
        %dma_wait3A_253 = tpu.memref_squeeze %dma_wait3A_252 : memref<1x80xi32, #tpu.memory_space<vmem>> -> memref<80xi32, #tpu.memory_space<vmem>>
        %dma_wait3A_254 = arith.constant 0 : i32
        %dma_wait3A_255 = arith.constant 0 : i32
        %dma_wait3A_256 = tpu.memref_slice %arg24[%dma_wait3A_254, %dma_wait3A_255] : memref<10000x64xf32, #tpu.memory_space<vmem_shared>> -> memref<10000x64xf32, #tpu.memory_space<vmem_shared>>
        tpu.wait_indirect_dma semaphore(%arg22 : memref<!tpu.dma_semaphore, #tpu.memory_space<semaphore_mem>>) src(%arg12 : memref<80x64xf32, #tpu.memory_space<vmem>>) dst(%dma_wait3A_256 : memref<10000x64xf32, #tpu.memory_space<vmem_shared>>)
      } else {
      }
      %add3A_90 = arith.constant 5 : i32
      %add3A_91 = arith.addi %add3A_87, %add3A_90 : i32
      %sub3A = arith.constant 2 : i32
      %sub3A_92 = arith.subi %add3A_91, %sub3A : i32
      %lt3A = arith.constant 250 : i32
      %lt3A_93 = arith.cmpi slt, %sub3A_92, %lt3A : i32
      %convert_element_type3A_94 = arith.extui %lt3A_93 : i1 to i32
      %cond3A_95 = arith.constant 0 : i32
      %cond3A_96 = arith.cmpi ne, %convert_element_type3A_94, %cond3A_95 : i32
      scf.if %cond3A_96 {
        %add3A_249 = arith.constant 5 : i32
        %add3A_250 = arith.addi %add3A_87, %add3A_249 : i32
        %sub3A_251 = arith.constant 2 : i32
        %sub3A_252 = arith.subi %add3A_250, %sub3A_251 : i32
        %dma_start3A_253 = arith.constant 0 : i32
        %dma_start3A_254 = tpu.memref_slice %arg6[%sub3A_252, %dma_start3A_253] : memref<250x80xi32, #tpu.memory_space<vmem>> -> memref<1x80xi32, #tpu.memory_space<vmem>>
        %dma_start3A_255 = tpu.memref_squeeze %dma_start3A_254 : memref<1x80xi32, #tpu.memory_space<vmem>> -> memref<80xi32, #tpu.memory_space<vmem>>
        %dma_start3A_256 = arith.constant 0 : i32
        %dma_start3A_257 = arith.constant 0 : i32
        %dma_start3A_258 = tpu.memref_slice %arg2[%arg0, %dma_start3A_256, %dma_start3A_257] : memref<2x10000x64xf32, #tpu.memory_space<hbm>> -> memref<1x10000x64xf32, #tpu.memory_space<hbm>>
        %dma_start3A_259 = tpu.memref_squeeze %dma_start3A_258 : memref<1x10000x64xf32, #tpu.memory_space<hbm>> -> memref<10000x64xf32, #tpu.memory_space<hbm>>
        %dma_start3A_260 = arith.constant 0 : i32
        %dma_start3A_261 = arith.constant 0 : i32
        %dma_start3A_262 = tpu.memref_slice %dma_start3A_259[%dma_start3A_260, %dma_start3A_261] : memref<10000x64xf32, #tpu.memory_space<hbm>> -> memref<10000x64xf32, #tpu.memory_space<hbm>>
        tpu.enqueue_indirect_dma source(%dma_start3A_262 : memref<10000x64xf32, #tpu.memory_space<hbm>>) target(%arg12 : memref<80x64xf32, #tpu.memory_space<vmem>>) offsets(%dma_start3A_255 : memref<80xi32, #tpu.memory_space<vmem>>) semaphore(%arg17 : memref<!tpu.dma_semaphore, #tpu.memory_space<semaphore_mem>>)
      } else {
      }
      %dma_wait3A_97 = arith.constant 0 : i32
      %dma_wait3A_98 = tpu.memref_slice %arg6[%add3A_87, %dma_wait3A_97] : memref<250x80xi32, #tpu.memory_space<vmem>> -> memref<1x80xi32, #tpu.memory_space<vmem>>
      %dma_wait3A_99 = tpu.memref_squeeze %dma_wait3A_98 : memref<1x80xi32, #tpu.memory_space<vmem>> -> memref<80xi32, #tpu.memory_space<vmem>>
      %dma_wait3A_100 = arith.constant 0 : i32
      %dma_wait3A_101 = arith.constant 0 : i32
      %dma_wait3A_102 = tpu.memref_slice %arg2[%arg0, %dma_wait3A_100, %dma_wait3A_101] : memref<2x10000x64xf32, #tpu.memory_space<hbm>> -> memref<1x10000x64xf32, #tpu.memory_space<hbm>>
      %dma_wait3A_103 = tpu.memref_squeeze %dma_wait3A_102 : memref<1x10000x64xf32, #tpu.memory_space<hbm>> -> memref<10000x64xf32, #tpu.memory_space<hbm>>
      %dma_wait3A_104 = arith.constant 0 : i32
      %dma_wait3A_105 = arith.constant 0 : i32
      %dma_wait3A_106 = tpu.memref_slice %dma_wait3A_103[%dma_wait3A_104, %dma_wait3A_105] : memref<10000x64xf32, #tpu.memory_space<hbm>> -> memref<10000x64xf32, #tpu.memory_space<hbm>>
      tpu.wait_indirect_dma semaphore(%arg14 : memref<!tpu.dma_semaphore, #tpu.memory_space<semaphore_mem>>) src(%dma_wait3A_106 : memref<10000x64xf32, #tpu.memory_space<hbm>>) dst(%arg9 : memref<80x64xf32, #tpu.memory_space<vmem>>)
      %dma_start3A_107 = arith.constant 0 : i32
      %dma_start3A_108 = tpu.memref_slice %arg7[%add3A_87, %dma_start3A_107] : memref<250x80xi32, #tpu.memory_space<vmem>> -> memref<1x80xi32, #tpu.memory_space<vmem>>
      %dma_start3A_109 = tpu.memref_squeeze %dma_start3A_108 : memref<1x80xi32, #tpu.memory_space<vmem>> -> memref<80xi32, #tpu.memory_space<vmem>>
      %dma_start3A_110 = arith.constant 0 : i32
      %dma_start3A_111 = arith.constant 0 : i32
      %dma_start3A_112 = tpu.memref_slice %arg24[%dma_start3A_110, %dma_start3A_111] : memref<10000x64xf32, #tpu.memory_space<vmem_shared>> -> memref<10000x64xf32, #tpu.memory_space<vmem_shared>>
      tpu.enqueue_indirect_dma source(%arg9 : memref<80x64xf32, #tpu.memory_space<vmem>>) target(%dma_start3A_112 : memref<10000x64xf32, #tpu.memory_space<vmem_shared>>) offsets(%dma_start3A_109 : memref<80xi32, #tpu.memory_space<vmem>>) semaphore(%arg19 : memref<!tpu.dma_semaphore, #tpu.memory_space<semaphore_mem>>) {add = true}
      %mul3A_113 = arith.constant 5 : i32
      %mul3A_114 = arith.muli %scan3A_83, %mul3A_113 : i32
      %add3A_115 = arith.constant 1 : i32
      %add3A_116 = arith.addi %mul3A_114, %add3A_115 : i32
      %ge3A_117 = arith.constant 2 : i32
      %ge3A_118 = arith.cmpi sge, %add3A_116, %ge3A_117 : i32
      %convert_element_type3A_119 = arith.extui %ge3A_118 : i1 to i32
      %cond3A_120 = arith.constant 0 : i32
      %cond3A_121 = arith.cmpi ne, %convert_element_type3A_119, %cond3A_120 : i32
      scf.if %cond3A_121 {
        %sub3A_249 = arith.constant 2 : i32
        %sub3A_250 = arith.subi %add3A_116, %sub3A_249 : i32
        %dma_wait3A_251 = arith.constant 0 : i32
        %dma_wait3A_252 = tpu.memref_slice %arg7[%sub3A_250, %dma_wait3A_251] : memref<250x80xi32, #tpu.memory_space<vmem>> -> memref<1x80xi32, #tpu.memory_space<vmem>>
        %dma_wait3A_253 = tpu.memref_squeeze %dma_wait3A_252 : memref<1x80xi32, #tpu.memory_space<vmem>> -> memref<80xi32, #tpu.memory_space<vmem>>
        %dma_wait3A_254 = arith.constant 0 : i32
        %dma_wait3A_255 = arith.constant 0 : i32
        %dma_wait3A_256 = tpu.memref_slice %arg24[%dma_wait3A_254, %dma_wait3A_255] : memref<10000x64xf32, #tpu.memory_space<vmem_shared>> -> memref<10000x64xf32, #tpu.memory_space<vmem_shared>>
        tpu.wait_indirect_dma semaphore(%arg23 : memref<!tpu.dma_semaphore, #tpu.memory_space<semaphore_mem>>) src(%arg13 : memref<80x64xf32, #tpu.memory_space<vmem>>) dst(%dma_wait3A_256 : memref<10000x64xf32, #tpu.memory_space<vmem_shared>>)
      } else {
      }
      %add3A_122 = arith.constant 5 : i32
      %add3A_123 = arith.addi %add3A_116, %add3A_122 : i32
      %sub3A_124 = arith.constant 2 : i32
      %sub3A_125 = arith.subi %add3A_123, %sub3A_124 : i32
      %lt3A_126 = arith.constant 250 : i32
      %lt3A_127 = arith.cmpi slt, %sub3A_125, %lt3A_126 : i32
      %convert_element_type3A_128 = arith.extui %lt3A_127 : i1 to i32
      %cond3A_129 = arith.constant 0 : i32
      %cond3A_130 = arith.cmpi ne, %convert_element_type3A_128, %cond3A_129 : i32
      scf.if %cond3A_130 {
        %add3A_249 = arith.constant 5 : i32
        %add3A_250 = arith.addi %add3A_116, %add3A_249 : i32
        %sub3A_251 = arith.constant 2 : i32
        %sub3A_252 = arith.subi %add3A_250, %sub3A_251 : i32
        %dma_start3A_253 = arith.constant 0 : i32
        %dma_start3A_254 = tpu.memref_slice %arg6[%sub3A_252, %dma_start3A_253] : memref<250x80xi32, #tpu.memory_space<vmem>> -> memref<1x80xi32, #tpu.memory_space<vmem>>
        %dma_start3A_255 = tpu.memref_squeeze %dma_start3A_254 : memref<1x80xi32, #tpu.memory_space<vmem>> -> memref<80xi32, #tpu.memory_space<vmem>>
        %dma_start3A_256 = arith.constant 0 : i32
        %dma_start3A_257 = arith.constant 0 : i32
        %dma_start3A_258 = tpu.memref_slice %arg2[%arg0, %dma_start3A_256, %dma_start3A_257] : memref<2x10000x64xf32, #tpu.memory_space<hbm>> -> memref<1x10000x64xf32, #tpu.memory_space<hbm>>
        %dma_start3A_259 = tpu.memref_squeeze %dma_start3A_258 : memref<1x10000x64xf32, #tpu.memory_space<hbm>> -> memref<10000x64xf32, #tpu.memory_space<hbm>>
        %dma_start3A_260 = arith.constant 0 : i32
        %dma_start3A_261 = arith.constant 0 : i32
        %dma_start3A_262 = tpu.memref_slice %dma_start3A_259[%dma_start3A_260, %dma_start3A_261] : memref<10000x64xf32, #tpu.memory_space<hbm>> -> memref<10000x64xf32, #tpu.memory_space<hbm>>
        tpu.enqueue_indirect_dma source(%dma_start3A_262 : memref<10000x64xf32, #tpu.memory_space<hbm>>) target(%arg13 : memref<80x64xf32, #tpu.memory_space<vmem>>) offsets(%dma_start3A_255 : memref<80xi32, #tpu.memory_space<vmem>>) semaphore(%arg18 : memref<!tpu.dma_semaphore, #tpu.memory_space<semaphore_mem>>)
      } else {
      }
      %dma_wait3A_131 = arith.constant 0 : i32
      %dma_wait3A_132 = tpu.memref_slice %arg6[%add3A_116, %dma_wait3A_131] : memref<250x80xi32, #tpu.memory_space<vmem>> -> memref<1x80xi32, #tpu.memory_space<vmem>>
      %dma_wait3A_133 = tpu.memref_squeeze %dma_wait3A_132 : memref<1x80xi32, #tpu.memory_space<vmem>> -> memref<80xi32, #tpu.memory_space<vmem>>
      %dma_wait3A_134 = arith.constant 0 : i32
      %dma_wait3A_135 = arith.constant 0 : i32
      %dma_wait3A_136 = tpu.memref_slice %arg2[%arg0, %dma_wait3A_134, %dma_wait3A_135] : memref<2x10000x64xf32, #tpu.memory_space<hbm>> -> memref<1x10000x64xf32, #tpu.memory_space<hbm>>
      %dma_wait3A_137 = tpu.memref_squeeze %dma_wait3A_136 : memref<1x10000x64xf32, #tpu.memory_space<hbm>> -> memref<10000x64xf32, #tpu.memory_space<hbm>>
      %dma_wait3A_138 = arith.constant 0 : i32
      %dma_wait3A_139 = arith.constant 0 : i32
      %dma_wait3A_140 = tpu.memref_slice %dma_wait3A_137[%dma_wait3A_138, %dma_wait3A_139] : memref<10000x64xf32, #tpu.memory_space<hbm>> -> memref<10000x64xf32, #tpu.memory_space<hbm>>
      tpu.wait_indirect_dma semaphore(%arg15 : memref<!tpu.dma_semaphore, #tpu.memory_space<semaphore_mem>>) src(%dma_wait3A_140 : memref<10000x64xf32, #tpu.memory_space<hbm>>) dst(%arg10 : memref<80x64xf32, #tpu.memory_space<vmem>>)
      %dma_start3A_141 = arith.constant 0 : i32
      %dma_start3A_142 = tpu.memref_slice %arg7[%add3A_116, %dma_start3A_141] : memref<250x80xi32, #tpu.memory_space<vmem>> -> memref<1x80xi32, #tpu.memory_space<vmem>>
      %dma_start3A_143 = tpu.memref_squeeze %dma_start3A_142 : memref<1x80xi32, #tpu.memory_space<vmem>> -> memref<80xi32, #tpu.memory_space<vmem>>
      %dma_start3A_144 = arith.constant 0 : i32
      %dma_start3A_145 = arith.constant 0 : i32
      %dma_start3A_146 = tpu.memref_slice %arg24[%dma_start3A_144, %dma_start3A_145] : memref<10000x64xf32, #tpu.memory_space<vmem_shared>> -> memref<10000x64xf32, #tpu.memory_space<vmem_shared>>
      tpu.enqueue_indirect_dma source(%arg10 : memref<80x64xf32, #tpu.memory_space<vmem>>) target(%dma_start3A_146 : memref<10000x64xf32, #tpu.memory_space<vmem_shared>>) offsets(%dma_start3A_143 : memref<80xi32, #tpu.memory_space<vmem>>) semaphore(%arg20 : memref<!tpu.dma_semaphore, #tpu.memory_space<semaphore_mem>>) {add = true}
      %mul3A_147 = arith.constant 5 : i32
      %mul3A_148 = arith.muli %scan3A_83, %mul3A_147 : i32
      %add3A_149 = arith.constant 2 : i32
      %add3A_150 = arith.addi %mul3A_148, %add3A_149 : i32
      %ge3A_151 = arith.constant 2 : i32
      %ge3A_152 = arith.cmpi sge, %add3A_150, %ge3A_151 : i32
      %convert_element_type3A_153 = arith.extui %ge3A_152 : i1 to i32
      %cond3A_154 = arith.constant 0 : i32
      %cond3A_155 = arith.cmpi ne, %convert_element_type3A_153, %cond3A_154 : i32
      scf.if %cond3A_155 {
        %sub3A_249 = arith.constant 2 : i32
        %sub3A_250 = arith.subi %add3A_150, %sub3A_249 : i32
        %dma_wait3A_251 = arith.constant 0 : i32
        %dma_wait3A_252 = tpu.memref_slice %arg7[%sub3A_250, %dma_wait3A_251] : memref<250x80xi32, #tpu.memory_space<vmem>> -> memref<1x80xi32, #tpu.memory_space<vmem>>
        %dma_wait3A_253 = tpu.memref_squeeze %dma_wait3A_252 : memref<1x80xi32, #tpu.memory_space<vmem>> -> memref<80xi32, #tpu.memory_space<vmem>>
        %dma_wait3A_254 = arith.constant 0 : i32
        %dma_wait3A_255 = arith.constant 0 : i32
        %dma_wait3A_256 = tpu.memref_slice %arg24[%dma_wait3A_254, %dma_wait3A_255] : memref<10000x64xf32, #tpu.memory_space<vmem_shared>> -> memref<10000x64xf32, #tpu.memory_space<vmem_shared>>
        tpu.wait_indirect_dma semaphore(%arg19 : memref<!tpu.dma_semaphore, #tpu.memory_space<semaphore_mem>>) src(%arg9 : memref<80x64xf32, #tpu.memory_space<vmem>>) dst(%dma_wait3A_256 : memref<10000x64xf32, #tpu.memory_space<vmem_shared>>)
      } else {
      }
      %add3A_156 = arith.constant 5 : i32
      %add3A_157 = arith.addi %add3A_150, %add3A_156 : i32
      %sub3A_158 = arith.constant 2 : i32
      %sub3A_159 = arith.subi %add3A_157, %sub3A_158 : i32
      %lt3A_160 = arith.constant 250 : i32
      %lt3A_161 = arith.cmpi slt, %sub3A_159, %lt3A_160 : i32
      %convert_element_type3A_162 = arith.extui %lt3A_161 : i1 to i32
      %cond3A_163 = arith.constant 0 : i32
      %cond3A_164 = arith.cmpi ne, %convert_element_type3A_162, %cond3A_163 : i32
      scf.if %cond3A_164 {
        %add3A_249 = arith.constant 5 : i32
        %add3A_250 = arith.addi %add3A_150, %add3A_249 : i32
        %sub3A_251 = arith.constant 2 : i32
        %sub3A_252 = arith.subi %add3A_250, %sub3A_251 : i32
        %dma_start3A_253 = arith.constant 0 : i32
        %dma_start3A_254 = tpu.memref_slice %arg6[%sub3A_252, %dma_start3A_253] : memref<250x80xi32, #tpu.memory_space<vmem>> -> memref<1x80xi32, #tpu.memory_space<vmem>>
        %dma_start3A_255 = tpu.memref_squeeze %dma_start3A_254 : memref<1x80xi32, #tpu.memory_space<vmem>> -> memref<80xi32, #tpu.memory_space<vmem>>
        %dma_start3A_256 = arith.constant 0 : i32
        %dma_start3A_257 = arith.constant 0 : i32
        %dma_start3A_258 = tpu.memref_slice %arg2[%arg0, %dma_start3A_256, %dma_start3A_257] : memref<2x10000x64xf32, #tpu.memory_space<hbm>> -> memref<1x10000x64xf32, #tpu.memory_space<hbm>>
        %dma_start3A_259 = tpu.memref_squeeze %dma_start3A_258 : memref<1x10000x64xf32, #tpu.memory_space<hbm>> -> memref<10000x64xf32, #tpu.memory_space<hbm>>
        %dma_start3A_260 = arith.constant 0 : i32
        %dma_start3A_261 = arith.constant 0 : i32
        %dma_start3A_262 = tpu.memref_slice %dma_start3A_259[%dma_start3A_260, %dma_start3A_261] : memref<10000x64xf32, #tpu.memory_space<hbm>> -> memref<10000x64xf32, #tpu.memory_space<hbm>>
        tpu.enqueue_indirect_dma source(%dma_start3A_262 : memref<10000x64xf32, #tpu.memory_space<hbm>>) target(%arg9 : memref<80x64xf32, #tpu.memory_space<vmem>>) offsets(%dma_start3A_255 : memref<80xi32, #tpu.memory_space<vmem>>) semaphore(%arg14 : memref<!tpu.dma_semaphore, #tpu.memory_space<semaphore_mem>>)
      } else {
      }
      %dma_wait3A_165 = arith.constant 0 : i32
      %dma_wait3A_166 = tpu.memref_slice %arg6[%add3A_150, %dma_wait3A_165] : memref<250x80xi32, #tpu.memory_space<vmem>> -> memref<1x80xi32, #tpu.memory_space<vmem>>
      %dma_wait3A_167 = tpu.memref_squeeze %dma_wait3A_166 : memref<1x80xi32, #tpu.memory_space<vmem>> -> memref<80xi32, #tpu.memory_space<vmem>>
      %dma_wait3A_168 = arith.constant 0 : i32
      %dma_wait3A_169 = arith.constant 0 : i32
      %dma_wait3A_170 = tpu.memref_slice %arg2[%arg0, %dma_wait3A_168, %dma_wait3A_169] : memref<2x10000x64xf32, #tpu.memory_space<hbm>> -> memref<1x10000x64xf32, #tpu.memory_space<hbm>>
      %dma_wait3A_171 = tpu.memref_squeeze %dma_wait3A_170 : memref<1x10000x64xf32, #tpu.memory_space<hbm>> -> memref<10000x64xf32, #tpu.memory_space<hbm>>
      %dma_wait3A_172 = arith.constant 0 : i32
      %dma_wait3A_173 = arith.constant 0 : i32
      %dma_wait3A_174 = tpu.memref_slice %dma_wait3A_171[%dma_wait3A_172, %dma_wait3A_173] : memref<10000x64xf32, #tpu.memory_space<hbm>> -> memref<10000x64xf32, #tpu.memory_space<hbm>>
      tpu.wait_indirect_dma semaphore(%arg16 : memref<!tpu.dma_semaphore, #tpu.memory_space<semaphore_mem>>) src(%dma_wait3A_174 : memref<10000x64xf32, #tpu.memory_space<hbm>>) dst(%arg11 : memref<80x64xf32, #tpu.memory_space<vmem>>)
      %dma_start3A_175 = arith.constant 0 : i32
      %dma_start3A_176 = tpu.memref_slice %arg7[%add3A_150, %dma_start3A_175] : memref<250x80xi32, #tpu.memory_space<vmem>> -> memref<1x80xi32, #tpu.memory_space<vmem>>
      %dma_start3A_177 = tpu.memref_squeeze %dma_start3A_176 : memref<1x80xi32, #tpu.memory_space<vmem>> -> memref<80xi32, #tpu.memory_space<vmem>>
      %dma_start3A_178 = arith.constant 0 : i32
      %dma_start3A_179 = arith.constant 0 : i32
      %dma_start3A_180 = tpu.memref_slice %arg24[%dma_start3A_178, %dma_start3A_179] : memref<10000x64xf32, #tpu.memory_space<vmem_shared>> -> memref<10000x64xf32, #tpu.memory_space<vmem_shared>>
      tpu.enqueue_indirect_dma source(%arg11 : memref<80x64xf32, #tpu.memory_space<vmem>>) target(%dma_start3A_180 : memref<10000x64xf32, #tpu.memory_space<vmem_shared>>) offsets(%dma_start3A_177 : memref<80xi32, #tpu.memory_space<vmem>>) semaphore(%arg21 : memref<!tpu.dma_semaphore, #tpu.memory_space<semaphore_mem>>) {add = true}
      %mul3A_181 = arith.constant 5 : i32
      %mul3A_182 = arith.muli %scan3A_83, %mul3A_181 : i32
      %add3A_183 = arith.constant 3 : i32
      %add3A_184 = arith.addi %mul3A_182, %add3A_183 : i32
      %ge3A_185 = arith.constant 2 : i32
      %ge3A_186 = arith.cmpi sge, %add3A_184, %ge3A_185 : i32
      %convert_element_type3A_187 = arith.extui %ge3A_186 : i1 to i32
      %cond3A_188 = arith.constant 0 : i32
      %cond3A_189 = arith.cmpi ne, %convert_element_type3A_187, %cond3A_188 : i32
      scf.if %cond3A_189 {
        %sub3A_249 = arith.constant 2 : i32
        %sub3A_250 = arith.subi %add3A_184, %sub3A_249 : i32
        %dma_wait3A_251 = arith.constant 0 : i32
        %dma_wait3A_252 = tpu.memref_slice %arg7[%sub3A_250, %dma_wait3A_251] : memref<250x80xi32, #tpu.memory_space<vmem>> -> memref<1x80xi32, #tpu.memory_space<vmem>>
        %dma_wait3A_253 = tpu.memref_squeeze %dma_wait3A_252 : memref<1x80xi32, #tpu.memory_space<vmem>> -> memref<80xi32, #tpu.memory_space<vmem>>
        %dma_wait3A_254 = arith.constant 0 : i32
        %dma_wait3A_255 = arith.constant 0 : i32
        %dma_wait3A_256 = tpu.memref_slice %arg24[%dma_wait3A_254, %dma_wait3A_255] : memref<10000x64xf32, #tpu.memory_space<vmem_shared>> -> memref<10000x64xf32, #tpu.memory_space<vmem_shared>>
        tpu.wait_indirect_dma semaphore(%arg20 : memref<!tpu.dma_semaphore, #tpu.memory_space<semaphore_mem>>) src(%arg10 : memref<80x64xf32, #tpu.memory_space<vmem>>) dst(%dma_wait3A_256 : memref<10000x64xf32, #tpu.memory_space<vmem_shared>>)
      } else {
      }
      %add3A_190 = arith.constant 5 : i32
      %add3A_191 = arith.addi %add3A_184, %add3A_190 : i32
      %sub3A_192 = arith.constant 2 : i32
      %sub3A_193 = arith.subi %add3A_191, %sub3A_192 : i32
      %lt3A_194 = arith.constant 250 : i32
      %lt3A_195 = arith.cmpi slt, %sub3A_193, %lt3A_194 : i32
      %convert_element_type3A_196 = arith.extui %lt3A_195 : i1 to i32
      %cond3A_197 = arith.constant 0 : i32
      %cond3A_198 = arith.cmpi ne, %convert_element_type3A_196, %cond3A_197 : i32
      scf.if %cond3A_198 {
        %add3A_249 = arith.constant 5 : i32
        %add3A_250 = arith.addi %add3A_184, %add3A_249 : i32
        %sub3A_251 = arith.constant 2 : i32
        %sub3A_252 = arith.subi %add3A_250, %sub3A_251 : i32
        %dma_start3A_253 = arith.constant 0 : i32
        %dma_start3A_254 = tpu.memref_slice %arg6[%sub3A_252, %dma_start3A_253] : memref<250x80xi32, #tpu.memory_space<vmem>> -> memref<1x80xi32, #tpu.memory_space<vmem>>
        %dma_start3A_255 = tpu.memref_squeeze %dma_start3A_254 : memref<1x80xi32, #tpu.memory_space<vmem>> -> memref<80xi32, #tpu.memory_space<vmem>>
        %dma_start3A_256 = arith.constant 0 : i32
        %dma_start3A_257 = arith.constant 0 : i32
        %dma_start3A_258 = tpu.memref_slice %arg2[%arg0, %dma_start3A_256, %dma_start3A_257] : memref<2x10000x64xf32, #tpu.memory_space<hbm>> -> memref<1x10000x64xf32, #tpu.memory_space<hbm>>
        %dma_start3A_259 = tpu.memref_squeeze %dma_start3A_258 : memref<1x10000x64xf32, #tpu.memory_space<hbm>> -> memref<10000x64xf32, #tpu.memory_space<hbm>>
        %dma_start3A_260 = arith.constant 0 : i32
        %dma_start3A_261 = arith.constant 0 : i32
        %dma_start3A_262 = tpu.memref_slice %dma_start3A_259[%dma_start3A_260, %dma_start3A_261] : memref<10000x64xf32, #tpu.memory_space<hbm>> -> memref<10000x64xf32, #tpu.memory_space<hbm>>
        tpu.enqueue_indirect_dma source(%dma_start3A_262 : memref<10000x64xf32, #tpu.memory_space<hbm>>) target(%arg10 : memref<80x64xf32, #tpu.memory_space<vmem>>) offsets(%dma_start3A_255 : memref<80xi32, #tpu.memory_space<vmem>>) semaphore(%arg15 : memref<!tpu.dma_semaphore, #tpu.memory_space<semaphore_mem>>)
      } else {
      }
      %dma_wait3A_199 = arith.constant 0 : i32
      %dma_wait3A_200 = tpu.memref_slice %arg6[%add3A_184, %dma_wait3A_199] : memref<250x80xi32, #tpu.memory_space<vmem>> -> memref<1x80xi32, #tpu.memory_space<vmem>>
      %dma_wait3A_201 = tpu.memref_squeeze %dma_wait3A_200 : memref<1x80xi32, #tpu.memory_space<vmem>> -> memref<80xi32, #tpu.memory_space<vmem>>
      %dma_wait3A_202 = arith.constant 0 : i32
      %dma_wait3A_203 = arith.constant 0 : i32
      %dma_wait3A_204 = tpu.memref_slice %arg2[%arg0, %dma_wait3A_202, %dma_wait3A_203] : memref<2x10000x64xf32, #tpu.memory_space<hbm>> -> memref<1x10000x64xf32, #tpu.memory_space<hbm>>
      %dma_wait3A_205 = tpu.memref_squeeze %dma_wait3A_204 : memref<1x10000x64xf32, #tpu.memory_space<hbm>> -> memref<10000x64xf32, #tpu.memory_space<hbm>>
      %dma_wait3A_206 = arith.constant 0 : i32
      %dma_wait3A_207 = arith.constant 0 : i32
      %dma_wait3A_208 = tpu.memref_slice %dma_wait3A_205[%dma_wait3A_206, %dma_wait3A_207] : memref<10000x64xf32, #tpu.memory_space<hbm>> -> memref<10000x64xf32, #tpu.memory_space<hbm>>
      tpu.wait_indirect_dma semaphore(%arg17 : memref<!tpu.dma_semaphore, #tpu.memory_space<semaphore_mem>>) src(%dma_wait3A_208 : memref<10000x64xf32, #tpu.memory_space<hbm>>) dst(%arg12 : memref<80x64xf32, #tpu.memory_space<vmem>>)
      %dma_start3A_209 = arith.constant 0 : i32
      %dma_start3A_210 = tpu.memref_slice %arg7[%add3A_184, %dma_start3A_209] : memref<250x80xi32, #tpu.memory_space<vmem>> -> memref<1x80xi32, #tpu.memory_space<vmem>>
      %dma_start3A_211 = tpu.memref_squeeze %dma_start3A_210 : memref<1x80xi32, #tpu.memory_space<vmem>> -> memref<80xi32, #tpu.memory_space<vmem>>
      %dma_start3A_212 = arith.constant 0 : i32
      %dma_start3A_213 = arith.constant 0 : i32
      %dma_start3A_214 = tpu.memref_slice %arg24[%dma_start3A_212, %dma_start3A_213] : memref<10000x64xf32, #tpu.memory_space<vmem_shared>> -> memref<10000x64xf32, #tpu.memory_space<vmem_shared>>
      tpu.enqueue_indirect_dma source(%arg12 : memref<80x64xf32, #tpu.memory_space<vmem>>) target(%dma_start3A_214 : memref<10000x64xf32, #tpu.memory_space<vmem_shared>>) offsets(%dma_start3A_211 : memref<80xi32, #tpu.memory_space<vmem>>) semaphore(%arg22 : memref<!tpu.dma_semaphore, #tpu.memory_space<semaphore_mem>>) {add = true}
      %mul3A_215 = arith.constant 5 : i32
      %mul3A_216 = arith.muli %scan3A_83, %mul3A_215 : i32
      %add3A_217 = arith.constant 4 : i32
      %add3A_218 = arith.addi %mul3A_216, %add3A_217 : i32
      %ge3A_219 = arith.constant 2 : i32
      %ge3A_220 = arith.cmpi sge, %add3A_218, %ge3A_219 : i32
      %convert_element_type3A_221 = arith.extui %ge3A_220 : i1 to i32
      %cond3A_222 = arith.constant 0 : i32
      %cond3A_223 = arith.cmpi ne, %convert_element_type3A_221, %cond3A_222 : i32
      scf.if %cond3A_223 {
        %sub3A_249 = arith.constant 2 : i32
        %sub3A_250 = arith.subi %add3A_218, %sub3A_249 : i32
        %dma_wait3A_251 = arith.constant 0 : i32
        %dma_wait3A_252 = tpu.memref_slice %arg7[%sub3A_250, %dma_wait3A_251] : memref<250x80xi32, #tpu.memory_space<vmem>> -> memref<1x80xi32, #tpu.memory_space<vmem>>
        %dma_wait3A_253 = tpu.memref_squeeze %dma_wait3A_252 : memref<1x80xi32, #tpu.memory_space<vmem>> -> memref<80xi32, #tpu.memory_space<vmem>>
        %dma_wait3A_254 = arith.constant 0 : i32
        %dma_wait3A_255 = arith.constant 0 : i32
        %dma_wait3A_256 = tpu.memref_slice %arg24[%dma_wait3A_254, %dma_wait3A_255] : memref<10000x64xf32, #tpu.memory_space<vmem_shared>> -> memref<10000x64xf32, #tpu.memory_space<vmem_shared>>
        tpu.wait_indirect_dma semaphore(%arg21 : memref<!tpu.dma_semaphore, #tpu.memory_space<semaphore_mem>>) src(%arg11 : memref<80x64xf32, #tpu.memory_space<vmem>>) dst(%dma_wait3A_256 : memref<10000x64xf32, #tpu.memory_space<vmem_shared>>)
      } else {
      }
      %add3A_224 = arith.constant 5 : i32
      %add3A_225 = arith.addi %add3A_218, %add3A_224 : i32
      %sub3A_226 = arith.constant 2 : i32
      %sub3A_227 = arith.subi %add3A_225, %sub3A_226 : i32
      %lt3A_228 = arith.constant 250 : i32
      %lt3A_229 = arith.cmpi slt, %sub3A_227, %lt3A_228 : i32
      %convert_element_type3A_230 = arith.extui %lt3A_229 : i1 to i32
      %cond3A_231 = arith.constant 0 : i32
      %cond3A_232 = arith.cmpi ne, %convert_element_type3A_230, %cond3A_231 : i32
      scf.if %cond3A_232 {
        %add3A_249 = arith.constant 5 : i32
        %add3A_250 = arith.addi %add3A_218, %add3A_249 : i32
        %sub3A_251 = arith.constant 2 : i32
        %sub3A_252 = arith.subi %add3A_250, %sub3A_251 : i32
        %dma_start3A_253 = arith.constant 0 : i32
        %dma_start3A_254 = tpu.memref_slice %arg6[%sub3A_252, %dma_start3A_253] : memref<250x80xi32, #tpu.memory_space<vmem>> -> memref<1x80xi32, #tpu.memory_space<vmem>>
        %dma_start3A_255 = tpu.memref_squeeze %dma_start3A_254 : memref<1x80xi32, #tpu.memory_space<vmem>> -> memref<80xi32, #tpu.memory_space<vmem>>
        %dma_start3A_256 = arith.constant 0 : i32
        %dma_start3A_257 = arith.constant 0 : i32
        %dma_start3A_258 = tpu.memref_slice %arg2[%arg0, %dma_start3A_256, %dma_start3A_257] : memref<2x10000x64xf32, #tpu.memory_space<hbm>> -> memref<1x10000x64xf32, #tpu.memory_space<hbm>>
        %dma_start3A_259 = tpu.memref_squeeze %dma_start3A_258 : memref<1x10000x64xf32, #tpu.memory_space<hbm>> -> memref<10000x64xf32, #tpu.memory_space<hbm>>
        %dma_start3A_260 = arith.constant 0 : i32
        %dma_start3A_261 = arith.constant 0 : i32
        %dma_start3A_262 = tpu.memref_slice %dma_start3A_259[%dma_start3A_260, %dma_start3A_261] : memref<10000x64xf32, #tpu.memory_space<hbm>> -> memref<10000x64xf32, #tpu.memory_space<hbm>>
        tpu.enqueue_indirect_dma source(%dma_start3A_262 : memref<10000x64xf32, #tpu.memory_space<hbm>>) target(%arg11 : memref<80x64xf32, #tpu.memory_space<vmem>>) offsets(%dma_start3A_255 : memref<80xi32, #tpu.memory_space<vmem>>) semaphore(%arg16 : memref<!tpu.dma_semaphore, #tpu.memory_space<semaphore_mem>>)
      } else {
      }
      %dma_wait3A_233 = arith.constant 0 : i32
      %dma_wait3A_234 = tpu.memref_slice %arg6[%add3A_218, %dma_wait3A_233] : memref<250x80xi32, #tpu.memory_space<vmem>> -> memref<1x80xi32, #tpu.memory_space<vmem>>
      %dma_wait3A_235 = tpu.memref_squeeze %dma_wait3A_234 : memref<1x80xi32, #tpu.memory_space<vmem>> -> memref<80xi32, #tpu.memory_space<vmem>>
      %dma_wait3A_236 = arith.constant 0 : i32
      %dma_wait3A_237 = arith.constant 0 : i32
      %dma_wait3A_238 = tpu.memref_slice %arg2[%arg0, %dma_wait3A_236, %dma_wait3A_237] : memref<2x10000x64xf32, #tpu.memory_space<hbm>> -> memref<1x10000x64xf32, #tpu.memory_space<hbm>>
      %dma_wait3A_239 = tpu.memref_squeeze %dma_wait3A_238 : memref<1x10000x64xf32, #tpu.memory_space<hbm>> -> memref<10000x64xf32, #tpu.memory_space<hbm>>
      %dma_wait3A_240 = arith.constant 0 : i32
      %dma_wait3A_241 = arith.constant 0 : i32
      %dma_wait3A_242 = tpu.memref_slice %dma_wait3A_239[%dma_wait3A_240, %dma_wait3A_241] : memref<10000x64xf32, #tpu.memory_space<hbm>> -> memref<10000x64xf32, #tpu.memory_space<hbm>>
      tpu.wait_indirect_dma semaphore(%arg18 : memref<!tpu.dma_semaphore, #tpu.memory_space<semaphore_mem>>) src(%dma_wait3A_242 : memref<10000x64xf32, #tpu.memory_space<hbm>>) dst(%arg13 : memref<80x64xf32, #tpu.memory_space<vmem>>)
      %dma_start3A_243 = arith.constant 0 : i32
      %dma_start3A_244 = tpu.memref_slice %arg7[%add3A_218, %dma_start3A_243] : memref<250x80xi32, #tpu.memory_space<vmem>> -> memref<1x80xi32, #tpu.memory_space<vmem>>
      %dma_start3A_245 = tpu.memref_squeeze %dma_start3A_244 : memref<1x80xi32, #tpu.memory_space<vmem>> -> memref<80xi32, #tpu.memory_space<vmem>>
      %dma_start3A_246 = arith.constant 0 : i32
      %dma_start3A_247 = arith.constant 0 : i32
      %dma_start3A_248 = tpu.memref_slice %arg24[%dma_start3A_246, %dma_start3A_247] : memref<10000x64xf32, #tpu.memory_space<vmem_shared>> -> memref<10000x64xf32, #tpu.memory_space<vmem_shared>>
      tpu.enqueue_indirect_dma source(%arg13 : memref<80x64xf32, #tpu.memory_space<vmem>>) target(%dma_start3A_248 : memref<10000x64xf32, #tpu.memory_space<vmem_shared>>) offsets(%dma_start3A_245 : memref<80xi32, #tpu.memory_space<vmem>>) semaphore(%arg23 : memref<!tpu.dma_semaphore, #tpu.memory_space<semaphore_mem>>) {add = true}
    }
    %scan3A_64 = arith.constant 50 : i32
    %dma_wait3A = arith.constant 248 : i32
    %dma_wait3A_65 = arith.constant 0 : i32
    %dma_wait3A_66 = tpu.memref_slice %arg7[%dma_wait3A, %dma_wait3A_65] : memref<250x80xi32, #tpu.memory_space<vmem>> -> memref<1x80xi32, #tpu.memory_space<vmem>>
    %dma_wait3A_67 = tpu.memref_squeeze %dma_wait3A_66 : memref<1x80xi32, #tpu.memory_space<vmem>> -> memref<80xi32, #tpu.memory_space<vmem>>
    %dma_wait3A_68 = arith.constant 0 : i32
    %dma_wait3A_69 = arith.constant 0 : i32
    %dma_wait3A_70 = tpu.memref_slice %arg24[%dma_wait3A_68, %dma_wait3A_69] : memref<10000x64xf32, #tpu.memory_space<vmem_shared>> -> memref<10000x64xf32, #tpu.memory_space<vmem_shared>>
    tpu.wait_indirect_dma semaphore(%arg22 : memref<!tpu.dma_semaphore, #tpu.memory_space<semaphore_mem>>) src(%arg12 : memref<80x64xf32, #tpu.memory_space<vmem>>) dst(%dma_wait3A_70 : memref<10000x64xf32, #tpu.memory_space<vmem_shared>>)
    %dma_wait3A_71 = arith.constant 249 : i32
    %dma_wait3A_72 = arith.constant 0 : i32
    %dma_wait3A_73 = tpu.memref_slice %arg7[%dma_wait3A_71, %dma_wait3A_72] : memref<250x80xi32, #tpu.memory_space<vmem>> -> memref<1x80xi32, #tpu.memory_space<vmem>>
    %dma_wait3A_74 = tpu.memref_squeeze %dma_wait3A_73 : memref<1x80xi32, #tpu.memory_space<vmem>> -> memref<80xi32, #tpu.memory_space<vmem>>
    %dma_wait3A_75 = arith.constant 0 : i32
    %dma_wait3A_76 = arith.constant 0 : i32
    %dma_wait3A_77 = tpu.memref_slice %arg24[%dma_wait3A_75, %dma_wait3A_76] : memref<10000x64xf32, #tpu.memory_space<vmem_shared>> -> memref<10000x64xf32, #tpu.memory_space<vmem_shared>>
    tpu.wait_indirect_dma semaphore(%arg23 : memref<!tpu.dma_semaphore, #tpu.memory_space<semaphore_mem>>) src(%arg13 : memref<80x64xf32, #tpu.memory_space<vmem>>) dst(%dma_wait3A_77 : memref<10000x64xf32, #tpu.memory_space<vmem_shared>>)
    %barrier3A_78 = arith.constant 0 : index
    tpu.barrier barrier_id(%barrier3A_78)
    %mul3A_79 = arith.constant 625 : i32
    %mul3A_80 = arith.muli %arg1, %mul3A_79 : i32
    %mul3A_81 = arith.constant 625 : i32
    %mul3A_82 = arith.muli %arg1, %mul3A_81 : i32
    "tpu.region"() ({
      %run_scoped3A = tpu.sem_alloc : memref<!tpu.dma_semaphore, #tpu.memory_space<semaphore_mem>>
      %dma_start3A_83 = arith.constant 0 : i32
      %dma_start3A_84 = tpu.memref_slice %arg5[%arg0, %mul3A_82, %dma_start3A_83] : memref<2x10000x64xf32, #tpu.memory_space<hbm>> -> memref<1x625x64xf32, #tpu.memory_space<hbm>>
      %dma_start3A_85 = tpu.memref_squeeze %dma_start3A_84 : memref<1x625x64xf32, #tpu.memory_space<hbm>> -> memref<625x64xf32, #tpu.memory_space<hbm>>
      %dma_start3A_86 = arith.constant 0 : i32
      %dma_start3A_87 = tpu.memref_slice %arg24[%mul3A_80, %dma_start3A_86] : memref<10000x64xf32, #tpu.memory_space<vmem_shared>> -> memref<625x64xf32, #tpu.memory_space<vmem_shared>>
      tpu.enqueue_dma source(%dma_start3A_87 : memref<625x64xf32, #tpu.memory_space<vmem_shared>>) target(%dma_start3A_85 : memref<625x64xf32, #tpu.memory_space<hbm>>) target_semaphore(%run_scoped3A : memref<!tpu.dma_semaphore, #tpu.memory_space<semaphore_mem>>)
      %dma_wait3A_88 = arith.constant 0 : i32
      %dma_wait3A_89 = tpu.memref_slice %arg5[%arg0, %mul3A_82, %dma_wait3A_88] : memref<2x10000x64xf32, #tpu.memory_space<hbm>> -> memref<1x625x64xf32, #tpu.memory_space<hbm>>
      %dma_wait3A_90 = tpu.memref_squeeze %dma_wait3A_89 : memref<1x625x64xf32, #tpu.memory_space<hbm>> -> memref<625x64xf32, #tpu.memory_space<hbm>>
      %dma_wait3A_91 = arith.constant 0 : i32
      %dma_wait3A_92 = tpu.memref_slice %arg24[%mul3A_80, %dma_wait3A_91] : memref<10000x64xf32, #tpu.memory_space<vmem_shared>> -> memref<625x64xf32, #tpu.memory_space<vmem_shared>>
      tpu.wait_dma2 semaphore(%run_scoped3A : memref<!tpu.dma_semaphore, #tpu.memory_space<semaphore_mem>>) src(%dma_wait3A_92 : memref<625x64xf32, #tpu.memory_space<vmem_shared>>) dst(%dma_wait3A_90 : memref<625x64xf32, #tpu.memory_space<hbm>>)
      tpu.yield
    }) : () -> ()
    return
  }
}

module attributes {stable_mosaic.version = 14 : i64} {
  func.func @_mm_scale_body(%arg0: i32, %arg1: memref<1x2x1000xf32, #tpu.memory_space<vmem>>, %arg2: memref<1000x128xf32, #tpu.memory_space<vmem>>, %arg3: memref<128x128xf32, #tpu.memory_space<vmem>>, %arg4: memref<2x1000x64xf32, #tpu.memory_space<vmem>>) attributes {dimension_semantics = [#tpu.dimension_semantics<arbitrary>], iteration_bounds = array<i64: 10>, scalar_prefetch = 0 : i64, scratch_operands = 0 : i64, tpu.core_type = #tpu.core_type<tc>, window_params = [{transform_indices = @transform_0, window_bounds = array<i64: 1, 2, 1000>}, {transform_indices = @transform_1, window_bounds = array<i64: 1000, 128>}, {pipeline_mode = #tpu.pipeline_mode<synchronous>, transform_indices = @transform_2, window_bounds = array<i64: 128, 128>}, {transform_indices = @transform_3, window_bounds = array<i64: 2, 1000, 64>}]} {
    %get3A = arith.constant 0 : index
    %get3A_0 = arith.constant 0 : index
    %get3A_1 = arith.constant 0 : index
    %get3A_2 = vector.load %arg1[%get3A, %get3A_0, %get3A_1] : memref<1x2x1000xf32, #tpu.memory_space<vmem>>, vector<1x1x1000xf32>
    %get3A_3 = vector.shape_cast %get3A_2 : vector<1x1x1000xf32> to vector<1000xf32>
    %get3A_4 = arith.constant 0 : index
    %get3A_5 = arith.constant 1 : index
    %get3A_6 = arith.constant 0 : index
    %get3A_7 = vector.load %arg1[%get3A_4, %get3A_5, %get3A_6] : memref<1x2x1000xf32, #tpu.memory_space<vmem>>, vector<1x1x1000xf32>
    %get3A_8 = vector.shape_cast %get3A_7 : vector<1x1x1000xf32> to vector<1000xf32>
    %add3A = arith.addf %get3A_3, %get3A_8 : vector<1000xf32>
    %add3A_9 = arith.constant 2.000000e+00 : f32
    %add3A_10 = vector.broadcast %add3A_9 : f32 to vector<1000xf32>
    %add3A_11 = arith.addf %add3A, %add3A_10 : vector<1000xf32>
    %rsqrt3A = math.rsqrt %add3A_11 : vector<1000xf32>
    %get3A_12 = arith.constant 0 : index
    %get3A_13 = arith.constant 0 : index
    %get3A_14 = vector.load %arg2[%get3A_12, %get3A_13] : memref<1000x128xf32, #tpu.memory_space<vmem>>, vector<1000x128xf32>
    %get3A_15 = arith.constant 0 : index
    %get3A_16 = arith.constant 0 : index
    %get3A_17 = vector.load %arg3[%get3A_15, %get3A_16] : memref<128x128xf32, #tpu.memory_space<vmem>>, vector<128x128xf32>
    %dot_general3A = arith.constant dense<0.000000e+00> : vector<1000x128xf32>
    %dot_general3A_18 = tpu.matmul %get3A_14, %get3A_17, %dot_general3A {dimension_numbers = #tpu.dot_dimension_numbers<[1], [0], [0], [1], [0, 0, 1, 1], [], []>, transpose_lhs_hint = false} : vector<1000x128xf32>, vector<128x128xf32>, vector<1000x128xf32> -> vector<1000x128xf32>
    %broadcast_in_dim3A = vector.shape_cast %rsqrt3A : vector<1000xf32> to vector<1000x1xf32>
    %mul3A = vector.broadcast %broadcast_in_dim3A : vector<1000x1xf32> to vector<1000x128xf32>
    %mul3A_19 = arith.mulf %dot_general3A_18, %mul3A : vector<1000x128xf32>
    %slice3A = vector.extract_strided_slice %mul3A_19 {offsets = [0, 0], sizes = [1000, 64], strides = [1, 1]} : vector<1000x128xf32> to vector<1000x64xf32>
    %swap3A = arith.constant 0 : index
    %swap3A_20 = arith.constant 0 : index
    %swap3A_21 = arith.constant 0 : index
    %swap3A_22 = vector.load %arg4[%swap3A, %swap3A_20, %swap3A_21] : memref<2x1000x64xf32, #tpu.memory_space<vmem>>, vector<1x1000x64xf32>
    %swap3A_23 = vector.shape_cast %swap3A_22 : vector<1x1000x64xf32> to vector<1000x64xf32>
    %swap3A_24 = vector.shape_cast %slice3A : vector<1000x64xf32> to vector<1x1000x64xf32>
    tpu.vector_store %arg4[%swap3A, %swap3A_20, %swap3A_21], %swap3A_24 {strides = array<i32>} : memref<2x1000x64xf32, #tpu.memory_space<vmem>>, vector<1x1000x64xf32>,
    %slice3A_25 = vector.extract_strided_slice %mul3A_19 {offsets = [0, 64], sizes = [1000, 64], strides = [1, 1]} : vector<1000x128xf32> to vector<1000x64xf32>
    %swap3A_26 = arith.constant 1 : index
    %swap3A_27 = arith.constant 0 : index
    %swap3A_28 = arith.constant 0 : index
    %swap3A_29 = vector.load %arg4[%swap3A_26, %swap3A_27, %swap3A_28] : memref<2x1000x64xf32, #tpu.memory_space<vmem>>, vector<1x1000x64xf32>
    %swap3A_30 = vector.shape_cast %swap3A_29 : vector<1x1000x64xf32> to vector<1000x64xf32>
    %swap3A_31 = vector.shape_cast %slice3A_25 : vector<1000x64xf32> to vector<1x1000x64xf32>
    tpu.vector_store %arg4[%swap3A_26, %swap3A_27, %swap3A_28], %swap3A_31 {strides = array<i32>} : memref<2x1000x64xf32, #tpu.memory_space<vmem>>, vector<1x1000x64xf32>,
    return
  }
  func.func @transform_0(%arg0: i32) -> (i32, i32, i32) {
    %c0_i32 = arith.constant 0 : i32
    %c0_i32_0 = arith.constant 0 : i32
    %c0_i32_1 = arith.constant 0 : i32
    return %arg0, %c0_i32, %c0_i32_0 : i32, i32, i32
  }
  func.func @transform_1(%arg0: i32) -> (i32, i32) {
    %c0_i32 = arith.constant 0 : i32
    %c0_i32_0 = arith.constant 0 : i32
    return %arg0, %c0_i32 : i32, i32
  }
  func.func @transform_2(%arg0: i32) -> (i32, i32) {
    %c0_i32 = arith.constant 0 : i32
    %c0_i32_0 = arith.constant 0 : i32
    %c0_i32_1 = arith.constant 0 : i32
    return %c0_i32, %c0_i32_0 : i32, i32
  }
  func.func @transform_3(%arg0: i32) -> (i32, i32, i32) {
    %c0_i32 = arith.constant 0 : i32
    %c0_i32_0 = arith.constant 0 : i32
    %c0_i32_1 = arith.constant 0 : i32
    return %c0_i32, %arg0, %c0_i32_0 : i32, i32, i32
  }
}

module attributes {stable_mosaic.version = 14 : i64} {
  func.func @_mid_body(%arg0: i32, %arg1: i32, %arg2: memref<1x2x1000xf32, #tpu.memory_space<vmem>>, %arg3: memref<2x1000x64xf32, #tpu.memory_space<vmem>>, %arg4: memref<2x1000x64xf32, #tpu.memory_space<vmem>>, %arg5: memref<1x128xf32, #tpu.memory_space<vmem>>, %arg6: memref<1x128xf32, #tpu.memory_space<vmem>>, %arg7: memref<1x128xf32, #tpu.memory_space<vmem>>, %arg8: memref<1000x128xf32, #tpu.memory_space<vmem>>, %arg9: memref<128x128xf32, #tpu.memory_space<vmem>>, %arg10: memref<1000x128xf32, #tpu.memory_space<vmem>>, %arg11: memref<2x1000x64xbf16, #tpu.memory_space<vmem>>, %arg12: memref<10x1000x128xf32, #tpu.memory_space<vmem>>, %arg13: memref<2x128xf32, #tpu.memory_space<vmem>>) attributes {dimension_semantics = [#tpu.dimension_semantics<arbitrary>, #tpu.dimension_semantics<arbitrary>], iteration_bounds = array<i64: 2, 10>, scalar_prefetch = 0 : i64, scratch_operands = 2 : i64, tpu.core_type = #tpu.core_type<tc>, window_params = [{transform_indices = @transform_0, window_bounds = array<i64: 1, 2, 1000>}, {transform_indices = @transform_1, window_bounds = array<i64: 2, 1000, 64>}, {transform_indices = @transform_2, window_bounds = array<i64: 2, 1000, 64>}, {pipeline_mode = #tpu.pipeline_mode<synchronous>, transform_indices = @transform_3, window_bounds = array<i64: 1, 128>}, {pipeline_mode = #tpu.pipeline_mode<synchronous>, transform_indices = @transform_4, window_bounds = array<i64: 1, 128>}, {pipeline_mode = #tpu.pipeline_mode<synchronous>, transform_indices = @transform_5, window_bounds = array<i64: 1, 128>}, {transform_indices = @transform_6, window_bounds = array<i64: 1000, 128>}, {pipeline_mode = #tpu.pipeline_mode<synchronous>, transform_indices = @transform_7, window_bounds = array<i64: 128, 128>}, {transform_indices = @transform_8, window_bounds = array<i64: 1000, 128>}, {transform_indices = @transform_9, window_bounds = array<i64: 2, 1000, 64>}]} {
    %eq3A = arith.constant 0 : i32
    %eq3A_0 = arith.cmpi eq, %arg0, %eq3A : i32
    %convert_element_type3A = arith.extui %eq3A_0 : i1 to i32
    %cond3A = arith.constant 0 : i32
    %cond3A_1 = arith.cmpi ne, %convert_element_type3A, %cond3A : i32
    scf.if %cond3A_1 {
      %get3A = arith.constant 0 : index
      %get3A_7 = arith.constant 0 : index
      %get3A_8 = arith.constant 0 : index
      %get3A_9 = vector.load %arg2[%get3A, %get3A_7, %get3A_8] : memref<1x2x1000xf32, #tpu.memory_space<vmem>>, vector<1x1x1000xf32>
      %get3A_10 = vector.shape_cast %get3A_9 : vector<1x1x1000xf32> to vector<1000xf32>
      %get3A_11 = arith.constant 0 : index
      %get3A_12 = arith.constant 1 : index
      %get3A_13 = arith.constant 0 : index
      %get3A_14 = vector.load %arg2[%get3A_11, %get3A_12, %get3A_13] : memref<1x2x1000xf32, #tpu.memory_space<vmem>>, vector<1x1x1000xf32>
      %get3A_15 = vector.shape_cast %get3A_14 : vector<1x1x1000xf32> to vector<1000xf32>
      %add3A = arith.addf %get3A_10, %get3A_15 : vector<1000xf32>
      %add3A_16 = arith.constant 2.000000e+00 : f32
      %add3A_17 = vector.broadcast %add3A_16 : f32 to vector<1000xf32>
      %add3A_18 = arith.addf %add3A, %add3A_17 : vector<1000xf32>
      %rsqrt3A = math.rsqrt %add3A_18 : vector<1000xf32>
      %broadcast_in_dim3A = vector.shape_cast %rsqrt3A : vector<1000xf32> to vector<1000x1xf32>
      %get3A_19 = arith.constant 0 : index
      %get3A_20 = arith.constant 0 : index
      %get3A_21 = arith.constant 0 : index
      %get3A_22 = vector.load %arg3[%get3A_19, %get3A_20, %get3A_21] : memref<2x1000x64xf32, #tpu.memory_space<vmem>>, vector<1x1000x64xf32>
      %get3A_23 = vector.shape_cast %get3A_22 : vector<1x1000x64xf32> to vector<1000x64xf32>
      %get3A_24 = arith.constant 1 : index
      %get3A_25 = arith.constant 0 : index
      %get3A_26 = arith.constant 0 : index
      %get3A_27 = vector.load %arg3[%get3A_24, %get3A_25, %get3A_26] : memref<2x1000x64xf32, #tpu.memory_space<vmem>>, vector<1x1000x64xf32>
      %get3A_28 = vector.shape_cast %get3A_27 : vector<1x1000x64xf32> to vector<1000x64xf32>
      %concatenate3A = tpu.concatenate %get3A_23, %get3A_28 in 1 : vector<1000x64xf32>, vector<1000x64xf32> -> vector<1000x128xf32>
      %get3A_29 = arith.constant 0 : index
      %get3A_30 = arith.constant 0 : index
      %get3A_31 = arith.constant 0 : index
      %get3A_32 = vector.load %arg4[%get3A_29, %get3A_30, %get3A_31] : memref<2x1000x64xf32, #tpu.memory_space<vmem>>, vector<1x1000x64xf32>
      %get3A_33 = vector.shape_cast %get3A_32 : vector<1x1000x64xf32> to vector<1000x64xf32>
      %get3A_34 = arith.constant 1 : index
      %get3A_35 = arith.constant 0 : index
      %get3A_36 = arith.constant 0 : index
      %get3A_37 = vector.load %arg4[%get3A_34, %get3A_35, %get3A_36] : memref<2x1000x64xf32, #tpu.memory_space<vmem>>, vector<1x1000x64xf32>
      %get3A_38 = vector.shape_cast %get3A_37 : vector<1x1000x64xf32> to vector<1000x64xf32>
      %concatenate3A_39 = tpu.concatenate %get3A_33, %get3A_38 in 1 : vector<1000x64xf32>, vector<1000x64xf32> -> vector<1000x128xf32>
      %mul3A = vector.broadcast %broadcast_in_dim3A : vector<1000x1xf32> to vector<1000x128xf32>
      %mul3A_40 = arith.mulf %mul3A, %concatenate3A : vector<1000x128xf32>
      %mul3A_41 = arith.constant 2.000000e+00 : f32
      %mul3A_42 = vector.broadcast %mul3A_41 : f32 to vector<1000x1xf32>
      %mul3A_43 = arith.mulf %mul3A_42, %broadcast_in_dim3A : vector<1000x1xf32>
      %mul3A_44 = vector.broadcast %mul3A_43 : vector<1000x1xf32> to vector<1000x128xf32>
      %mul3A_45 = arith.mulf %mul3A_44, %concatenate3A_39 : vector<1000x128xf32>
      %add3A_46 = arith.addf %mul3A_40, %mul3A_45 : vector<1000x128xf32>
      %get3A_47 = arith.constant 0 : index
      %get3A_48 = arith.constant 0 : index
      %get3A_49 = vector.load %arg5[%get3A_47, %get3A_48] : memref<1x128xf32, #tpu.memory_space<vmem>>, vector<1x128xf32>
      %add3A_50 = vector.broadcast %get3A_49 : vector<1x128xf32> to vector<1000x128xf32>
      %add3A_51 = arith.addf %add3A_46, %add3A_50 : vector<1000x128xf32>
      %swap3A = arith.index_cast %arg1 : i32 to index
      %swap3A_52 = arith.constant 0 : index
      %swap3A_53 = arith.constant 0 : index
      %swap3A_54 = vector.load %arg12[%swap3A, %swap3A_52, %swap3A_53] : memref<10x1000x128xf32, #tpu.memory_space<vmem>>, vector<1x1000x128xf32>
      %swap3A_55 = vector.shape_cast %swap3A_54 : vector<1x1000x128xf32> to vector<1000x128xf32>
      %swap3A_56 = vector.shape_cast %add3A_51 : vector<1000x128xf32> to vector<1x1000x128xf32>
      tpu.vector_store %arg12[%swap3A, %swap3A_52, %swap3A_53], %swap3A_56 {strides = array<i32>} : memref<10x1000x128xf32, #tpu.memory_space<vmem>>, vector<1x1000x128xf32>,
      %reduce_sum3A = arith.constant dense<0.000000e+00> : vector<128xf32>
      %reduce_sum3A_57 = vector.multi_reduction <add>, %add3A_51, %reduce_sum3A [0] : vector<1000x128xf32> to vector<128xf32>
      %broadcast_in_dim3A_58 = vector.shape_cast %reduce_sum3A_57 : vector<128xf32> to vector<1x128xf32>
      %mul3A_59 = arith.mulf %add3A_51, %add3A_51 : vector<1000x128xf32>
      %reduce_sum3A_60 = arith.constant dense<0.000000e+00> : vector<128xf32>
      %reduce_sum3A_61 = vector.multi_reduction <add>, %mul3A_59, %reduce_sum3A_60 [0] : vector<1000x128xf32> to vector<128xf32>
      %broadcast_in_dim3A_62 = vector.shape_cast %reduce_sum3A_61 : vector<128xf32> to vector<1x128xf32>
      %concatenate3A_63 = tpu.concatenate %broadcast_in_dim3A_58, %broadcast_in_dim3A_62 in 0 : vector<1x128xf32>, vector<1x128xf32> -> vector<2x128xf32>
      %eq3A_64 = arith.constant 0 : i32
      %eq3A_65 = arith.cmpi eq, %arg1, %eq3A_64 : i32
      %convert_element_type3A_66 = arith.extui %eq3A_65 : i1 to i32
      %cond3A_67 = arith.constant 0 : i32
      %cond3A_68 = arith.cmpi ne, %convert_element_type3A_66, %cond3A_67 : i32
      scf.if %cond3A_68 {
        %swap3A_73 = arith.constant 0 : index
        %swap3A_74 = arith.constant 0 : index
        %swap3A_75 = vector.load %arg13[%swap3A_73, %swap3A_74] : memref<2x128xf32, #tpu.memory_space<vmem>>, vector<2x128xf32>
        tpu.vector_store %arg13[%swap3A_73, %swap3A_74], %concatenate3A_63 {strides = array<i32>} : memref<2x128xf32, #tpu.memory_space<vmem>>, vector<2x128xf32>,
      } else {
      }
      %gt3A = arith.constant 0 : i32
      %gt3A_69 = arith.cmpi sgt, %arg1, %gt3A : i32
      %convert_element_type3A_70 = arith.extui %gt3A_69 : i1 to i32
      %cond3A_71 = arith.constant 0 : i32
      %cond3A_72 = arith.cmpi ne, %convert_element_type3A_70, %cond3A_71 : i32
      scf.if %cond3A_72 {
        %get3A_73 = arith.constant 0 : index
        %get3A_74 = arith.constant 0 : index
        %get3A_75 = vector.load %arg13[%get3A_73, %get3A_74] : memref<2x128xf32, #tpu.memory_space<vmem>>, vector<2x128xf32>
        %add3A_76 = arith.addf %get3A_75, %concatenate3A_63 : vector<2x128xf32>
        %swap3A_77 = arith.constant 0 : index
        %swap3A_78 = arith.constant 0 : index
        %swap3A_79 = vector.load %arg13[%swap3A_77, %swap3A_78] : memref<2x128xf32, #tpu.memory_space<vmem>>, vector<2x128xf32>
        tpu.vector_store %arg13[%swap3A_77, %swap3A_78], %add3A_76 {strides = array<i32>} : memref<2x128xf32, #tpu.memory_space<vmem>>, vector<2x128xf32>,
      } else {
      }
    } else {
    }
    %eq3A_2 = arith.constant 1 : i32
    %eq3A_3 = arith.cmpi eq, %arg0, %eq3A_2 : i32
    %convert_element_type3A_4 = arith.extui %eq3A_3 : i1 to i32
    %cond3A_5 = arith.constant 0 : i32
    %cond3A_6 = arith.cmpi ne, %convert_element_type3A_4, %cond3A_5 : i32
    scf.if %cond3A_6 {
      %get3A = arith.index_cast %arg1 : i32 to index
      %get3A_7 = arith.constant 0 : index
      %get3A_8 = arith.constant 0 : index
      %get3A_9 = vector.load %arg12[%get3A, %get3A_7, %get3A_8] : memref<10x1000x128xf32, #tpu.memory_space<vmem>>, vector<1x1000x128xf32>
      %get3A_10 = vector.shape_cast %get3A_9 : vector<1x1000x128xf32> to vector<1000x128xf32>
      %get3A_11 = arith.constant 0 : index
      %get3A_12 = arith.constant 0 : index
      %get3A_13 = vector.load %arg13[%get3A_11, %get3A_12] : memref<2x128xf32, #tpu.memory_space<vmem>>, vector<1x128xf32>
      %mul3A = arith.constant 9.99999974E-5 : f32
      %mul3A_14 = vector.broadcast %mul3A : f32 to vector<1x128xf32>
      %mul3A_15 = arith.mulf %get3A_13, %mul3A_14 : vector<1x128xf32>
      %get3A_16 = arith.constant 1 : index
      %get3A_17 = arith.constant 0 : index
      %get3A_18 = vector.load %arg13[%get3A_16, %get3A_17] : memref<2x128xf32, #tpu.memory_space<vmem>>, vector<1x128xf32>
      %mul3A_19 = arith.constant 9.99999974E-5 : f32
      %mul3A_20 = vector.broadcast %mul3A_19 : f32 to vector<1x128xf32>
      %mul3A_21 = arith.mulf %get3A_18, %mul3A_20 : vector<1x128xf32>
      %mul3A_22 = arith.mulf %mul3A_15, %mul3A_15 : vector<1x128xf32>
      %sub3A = arith.subf %mul3A_21, %mul3A_22 : vector<1x128xf32>
      %add3A = arith.constant 9.99999974E-6 : f32
      %add3A_23 = vector.broadcast %add3A : f32 to vector<1x128xf32>
      %add3A_24 = arith.addf %sub3A, %add3A_23 : vector<1x128xf32>
      %rsqrt3A = math.rsqrt %add3A_24 : vector<1x128xf32>
      %sub3A_25 = vector.broadcast %mul3A_15 : vector<1x128xf32> to vector<1000x128xf32>
      %sub3A_26 = arith.subf %get3A_10, %sub3A_25 : vector<1000x128xf32>
      %mul3A_27 = vector.broadcast %rsqrt3A : vector<1x128xf32> to vector<1000x128xf32>
      %mul3A_28 = arith.mulf %sub3A_26, %mul3A_27 : vector<1000x128xf32>
      %get3A_29 = arith.constant 0 : index
      %get3A_30 = arith.constant 0 : index
      %get3A_31 = vector.load %arg6[%get3A_29, %get3A_30] : memref<1x128xf32, #tpu.memory_space<vmem>>, vector<1x128xf32>
      %mul3A_32 = vector.broadcast %get3A_31 : vector<1x128xf32> to vector<1000x128xf32>
      %mul3A_33 = arith.mulf %mul3A_28, %mul3A_32 : vector<1000x128xf32>
      %get3A_34 = arith.constant 0 : index
      %get3A_35 = arith.constant 0 : index
      %get3A_36 = vector.load %arg7[%get3A_34, %get3A_35] : memref<1x128xf32, #tpu.memory_space<vmem>>, vector<1x128xf32>
      %add3A_37 = vector.broadcast %get3A_36 : vector<1x128xf32> to vector<1000x128xf32>
      %add3A_38 = arith.addf %mul3A_33, %add3A_37 : vector<1000x128xf32>
      %max3A = arith.constant 0.000000e+00 : f32
      %max3A_39 = vector.broadcast %max3A : f32 to vector<1000x128xf32>
      %max3A_40 = arith.maximumf %add3A_38, %max3A_39 : vector<1000x128xf32>
      %get3A_41 = arith.constant 0 : index
      %get3A_42 = arith.constant 0 : index
      %get3A_43 = vector.load %arg8[%get3A_41, %get3A_42] : memref<1000x128xf32, #tpu.memory_space<vmem>>, vector<1000x128xf32>
      %add3A_44 = arith.addf %max3A_40, %get3A_43 : vector<1000x128xf32>
      %swap3A = arith.constant 0 : index
      %swap3A_45 = arith.constant 0 : index
      %swap3A_46 = vector.load %arg10[%swap3A, %swap3A_45] : memref<1000x128xf32, #tpu.memory_space<vmem>>, vector<1000x128xf32>
      tpu.vector_store %arg10[%swap3A, %swap3A_45], %add3A_44 {strides = array<i32>} : memref<1000x128xf32, #tpu.memory_space<vmem>>, vector<1000x128xf32>,
      %get3A_47 = arith.constant 0 : index
      %get3A_48 = arith.constant 0 : index
      %get3A_49 = arith.constant 0 : index
      %get3A_50 = vector.load %arg2[%get3A_47, %get3A_48, %get3A_49] : memref<1x2x1000xf32, #tpu.memory_space<vmem>>, vector<1x1x1000xf32>
      %get3A_51 = vector.shape_cast %get3A_50 : vector<1x1x1000xf32> to vector<1000xf32>
      %get3A_52 = arith.constant 0 : index
      %get3A_53 = arith.constant 1 : index
      %get3A_54 = arith.constant 0 : index
      %get3A_55 = vector.load %arg2[%get3A_52, %get3A_53, %get3A_54] : memref<1x2x1000xf32, #tpu.memory_space<vmem>>, vector<1x1x1000xf32>
      %get3A_56 = vector.shape_cast %get3A_55 : vector<1x1x1000xf32> to vector<1000xf32>
      %add3A_57 = arith.addf %get3A_51, %get3A_56 : vector<1000xf32>
      %add3A_58 = arith.constant 2.000000e+00 : f32
      %add3A_59 = vector.broadcast %add3A_58 : f32 to vector<1000xf32>
      %add3A_60 = arith.addf %add3A_57, %add3A_59 : vector<1000xf32>
      %rsqrt3A_61 = math.rsqrt %add3A_60 : vector<1000xf32>
      %get3A_62 = arith.constant 0 : index
      %get3A_63 = arith.constant 0 : index
      %get3A_64 = vector.load %arg9[%get3A_62, %get3A_63] : memref<128x128xf32, #tpu.memory_space<vmem>>, vector<128x128xf32>
      %dot_general3A = arith.constant dense<0.000000e+00> : vector<1000x128xf32>
      %dot_general3A_65 = tpu.matmul %add3A_44, %get3A_64, %dot_general3A {dimension_numbers = #tpu.dot_dimension_numbers<[1], [0], [0], [1], [0, 0, 1, 1], [], []>, transpose_lhs_hint = false} : vector<1000x128xf32>, vector<128x128xf32>, vector<1000x128xf32> -> vector<1000x128xf32>
      %broadcast_in_dim3A = vector.shape_cast %rsqrt3A_61 : vector<1000xf32> to vector<1000x1xf32>
      %mul3A_66 = vector.broadcast %broadcast_in_dim3A : vector<1000x1xf32> to vector<1000x128xf32>
      %mul3A_67 = arith.mulf %dot_general3A_65, %mul3A_66 : vector<1000x128xf32>
      %convert_element_type3A_68 = arith.truncf %mul3A_67 : vector<1000x128xf32> to vector<1000x128xbf16>
      %slice3A = vector.extract_strided_slice %convert_element_type3A_68 {offsets = [0, 0], sizes = [1000, 64], strides = [1, 1]} : vector<1000x128xbf16> to vector<1000x64xbf16>
      %swap3A_69 = arith.constant 0 : index
      %swap3A_70 = arith.constant 0 : index
      %swap3A_71 = arith.constant 0 : index
      %swap3A_72 = vector.load %arg11[%swap3A_69, %swap3A_70, %swap3A_71] : memref<2x1000x64xbf16, #tpu.memory_space<vmem>>, vector<1x1000x64xbf16>
      %swap3A_73 = vector.shape_cast %swap3A_72 : vector<1x1000x64xbf16> to vector<1000x64xbf16>
      %swap3A_74 = vector.shape_cast %slice3A : vector<1000x64xbf16> to vector<1x1000x64xbf16>
      tpu.vector_store %arg11[%swap3A_69, %swap3A_70, %swap3A_71], %swap3A_74 {strides = array<i32>} : memref<2x1000x64xbf16, #tpu.memory_space<vmem>>, vector<1x1000x64xbf16>,
      %slice3A_75 = vector.extract_strided_slice %convert_element_type3A_68 {offsets = [0, 64], sizes = [1000, 64], strides = [1, 1]} : vector<1000x128xbf16> to vector<1000x64xbf16>
      %swap3A_76 = arith.constant 1 : index
      %swap3A_77 = arith.constant 0 : index
      %swap3A_78 = arith.constant 0 : index
      %swap3A_79 = vector.load %arg11[%swap3A_76, %swap3A_77, %swap3A_78] : memref<2x1000x64xbf16, #tpu.memory_space<vmem>>, vector<1x1000x64xbf16>
      %swap3A_80 = vector.shape_cast %swap3A_79 : vector<1x1000x64xbf16> to vector<1000x64xbf16>
      %swap3A_81 = vector.shape_cast %slice3A_75 : vector<1000x64xbf16> to vector<1x1000x64xbf16>
      tpu.vector_store %arg11[%swap3A_76, %swap3A_77, %swap3A_78], %swap3A_81 {strides = array<i32>} : memref<2x1000x64xbf16, #tpu.memory_space<vmem>>, vector<1x1000x64xbf16>,
    } else {
    }
    return
  }
  func.func @transform_0(%arg0: i32, %arg1: i32) -> (i32, i32, i32) {
    %c0_i32 = arith.constant 0 : i32
    %c0_i32_0 = arith.constant 0 : i32
    %c0_i32_1 = arith.constant 0 : i32
    return %arg1, %c0_i32, %c0_i32_0 : i32, i32, i32
  }
  func.func @transform_1(%arg0: i32, %arg1: i32) -> (i32, i32, i32) {
    %eq3A = arith.constant 0 : i32
    %eq3A_0 = arith.cmpi eq, %arg0, %eq3A : i32
    %jit3A = arith.constant 0 : i32
    %select_n3A = arith.select %eq3A_0, %arg1, %jit3A : i32
    %c0_i32 = arith.constant 0 : i32
    %c0_i32_1 = arith.constant 0 : i32
    %c0_i32_2 = arith.constant 0 : i32
    return %c0_i32, %select_n3A, %c0_i32_1 : i32, i32, i32
  }
  func.func @transform_2(%arg0: i32, %arg1: i32) -> (i32, i32, i32) {
    %eq3A = arith.constant 0 : i32
    %eq3A_0 = arith.cmpi eq, %arg0, %eq3A : i32
    %jit3A = arith.constant 0 : i32
    %select_n3A = arith.select %eq3A_0, %arg1, %jit3A : i32
    %c0_i32 = arith.constant 0 : i32
    %c0_i32_1 = arith.constant 0 : i32
    %c0_i32_2 = arith.constant 0 : i32
    return %c0_i32, %select_n3A, %c0_i32_1 : i32, i32, i32
  }
  func.func @transform_3(%arg0: i32, %arg1: i32) -> (i32, i32) {
    %c0_i32 = arith.constant 0 : i32
    %c0_i32_0 = arith.constant 0 : i32
    %c0_i32_1 = arith.constant 0 : i32
    return %c0_i32, %c0_i32_0 : i32, i32
  }
  func.func @transform_4(%arg0: i32, %arg1: i32) -> (i32, i32) {
    %c0_i32 = arith.constant 0 : i32
    %c0_i32_0 = arith.constant 0 : i32
    %c0_i32_1 = arith.constant 0 : i32
    return %c0_i32, %c0_i32_0 : i32, i32
  }
  func.func @transform_5(%arg0: i32, %arg1: i32) -> (i32, i32) {
    %c0_i32 = arith.constant 0 : i32
    %c0_i32_0 = arith.constant 0 : i32
    %c0_i32_1 = arith.constant 0 : i32
    return %c0_i32, %c0_i32_0 : i32, i32
  }
  func.func @transform_6(%arg0: i32, %arg1: i32) -> (i32, i32) {
    %eq3A = arith.constant 1 : i32
    %eq3A_0 = arith.cmpi eq, %arg0, %eq3A : i32
    %jit3A = arith.constant 0 : i32
    %select_n3A = arith.select %eq3A_0, %arg1, %jit3A : i32
    %c0_i32 = arith.constant 0 : i32
    %c0_i32_1 = arith.constant 0 : i32
    return %select_n3A, %c0_i32 : i32, i32
  }
  func.func @transform_7(%arg0: i32, %arg1: i32) -> (i32, i32) {
    %c0_i32 = arith.constant 0 : i32
    %c0_i32_0 = arith.constant 0 : i32
    %c0_i32_1 = arith.constant 0 : i32
    return %c0_i32, %c0_i32_0 : i32, i32
  }
  func.func @transform_8(%arg0: i32, %arg1: i32) -> (i32, i32) {
    %eq3A = arith.constant 1 : i32
    %eq3A_0 = arith.cmpi eq, %arg0, %eq3A : i32
    %jit3A = arith.constant 0 : i32
    %select_n3A = arith.select %eq3A_0, %arg1, %jit3A : i32
    %c0_i32 = arith.constant 0 : i32
    %c0_i32_1 = arith.constant 0 : i32
    return %select_n3A, %c0_i32 : i32, i32
  }
  func.func @transform_9(%arg0: i32, %arg1: i32) -> (i32, i32, i32) {
    %eq3A = arith.constant 1 : i32
    %eq3A_0 = arith.cmpi eq, %arg0, %eq3A : i32
    %jit3A = arith.constant 0 : i32
    %select_n3A = arith.select %eq3A_0, %arg1, %jit3A : i32
    %c0_i32 = arith.constant 0 : i32
    %c0_i32_1 = arith.constant 0 : i32
    %c0_i32_2 = arith.constant 0 : i32
    return %c0_i32, %select_n3A, %c0_i32_1 : i32, i32, i32
  }
}

module attributes {stable_mosaic.version = 14 : i64} {
  func.func @_head_body(%arg0: i32, %arg1: i32, %arg2: memref<1x2x1000xf32, #tpu.memory_space<vmem>>, %arg3: memref<2x1000x64xbf16, #tpu.memory_space<vmem>>, %arg4: memref<2x1000x64xbf16, #tpu.memory_space<vmem>>, %arg5: memref<1x128xf32, #tpu.memory_space<vmem>>, %arg6: memref<1x128xf32, #tpu.memory_space<vmem>>, %arg7: memref<1x128xf32, #tpu.memory_space<vmem>>, %arg8: memref<1000x128xf32, #tpu.memory_space<vmem>>, %arg9: memref<128x128xf32, #tpu.memory_space<vmem>>, %arg10: memref<1x128xf32, #tpu.memory_space<vmem>>, %arg11: memref<1000x128xf32, #tpu.memory_space<vmem>>, %arg12: memref<10x1000x128xf32, #tpu.memory_space<vmem>>, %arg13: memref<2x128xf32, #tpu.memory_space<vmem>>) attributes {dimension_semantics = [#tpu.dimension_semantics<arbitrary>, #tpu.dimension_semantics<arbitrary>], iteration_bounds = array<i64: 2, 10>, scalar_prefetch = 0 : i64, scratch_operands = 2 : i64, tpu.core_type = #tpu.core_type<tc>, window_params = [{transform_indices = @transform_0, window_bounds = array<i64: 1, 2, 1000>}, {transform_indices = @transform_1, window_bounds = array<i64: 2, 1000, 64>}, {transform_indices = @transform_2, window_bounds = array<i64: 2, 1000, 64>}, {pipeline_mode = #tpu.pipeline_mode<synchronous>, transform_indices = @transform_3, window_bounds = array<i64: 1, 128>}, {pipeline_mode = #tpu.pipeline_mode<synchronous>, transform_indices = @transform_4, window_bounds = array<i64: 1, 128>}, {pipeline_mode = #tpu.pipeline_mode<synchronous>, transform_indices = @transform_5, window_bounds = array<i64: 1, 128>}, {transform_indices = @transform_6, window_bounds = array<i64: 1000, 128>}, {pipeline_mode = #tpu.pipeline_mode<synchronous>, transform_indices = @transform_7, window_bounds = array<i64: 128, 128>}, {pipeline_mode = #tpu.pipeline_mode<synchronous>, transform_indices = @transform_8, window_bounds = array<i64: 1, 128>}, {transform_indices = @transform_9, window_bounds = array<i64: 1000, 128>}]} {
    %eq3A = arith.constant 0 : i32
    %eq3A_0 = arith.cmpi eq, %arg0, %eq3A : i32
    %convert_element_type3A = arith.extui %eq3A_0 : i1 to i32
    %cond3A = arith.constant 0 : i32
    %cond3A_1 = arith.cmpi ne, %convert_element_type3A, %cond3A : i32
    scf.if %cond3A_1 {
      %get3A = arith.constant 0 : index
      %get3A_7 = arith.constant 0 : index
      %get3A_8 = arith.constant 0 : index
      %get3A_9 = vector.load %arg2[%get3A, %get3A_7, %get3A_8] : memref<1x2x1000xf32, #tpu.memory_space<vmem>>, vector<1x1x1000xf32>
      %get3A_10 = vector.shape_cast %get3A_9 : vector<1x1x1000xf32> to vector<1000xf32>
      %get3A_11 = arith.constant 0 : index
      %get3A_12 = arith.constant 1 : index
      %get3A_13 = arith.constant 0 : index
      %get3A_14 = vector.load %arg2[%get3A_11, %get3A_12, %get3A_13] : memref<1x2x1000xf32, #tpu.memory_space<vmem>>, vector<1x1x1000xf32>
      %get3A_15 = vector.shape_cast %get3A_14 : vector<1x1x1000xf32> to vector<1000xf32>
      %add3A = arith.addf %get3A_10, %get3A_15 : vector<1000xf32>
      %add3A_16 = arith.constant 2.000000e+00 : f32
      %add3A_17 = vector.broadcast %add3A_16 : f32 to vector<1000xf32>
      %add3A_18 = arith.addf %add3A, %add3A_17 : vector<1000xf32>
      %rsqrt3A = math.rsqrt %add3A_18 : vector<1000xf32>
      %broadcast_in_dim3A = vector.shape_cast %rsqrt3A : vector<1000xf32> to vector<1000x1xf32>
      %get3A_19 = arith.constant 0 : index
      %get3A_20 = arith.constant 0 : index
      %get3A_21 = arith.constant 0 : index
      %get3A_22 = vector.load %arg3[%get3A_19, %get3A_20, %get3A_21] : memref<2x1000x64xbf16, #tpu.memory_space<vmem>>, vector<1x1000x64xbf16>
      %get3A_23 = vector.shape_cast %get3A_22 : vector<1x1000x64xbf16> to vector<1000x64xbf16>
      %get3A_24 = arith.constant 1 : index
      %get3A_25 = arith.constant 0 : index
      %get3A_26 = arith.constant 0 : index
      %get3A_27 = vector.load %arg3[%get3A_24, %get3A_25, %get3A_26] : memref<2x1000x64xbf16, #tpu.memory_space<vmem>>, vector<1x1000x64xbf16>
      %get3A_28 = vector.shape_cast %get3A_27 : vector<1x1000x64xbf16> to vector<1000x64xbf16>
      %concatenate3A = tpu.concatenate %get3A_23, %get3A_28 in 1 : vector<1000x64xbf16>, vector<1000x64xbf16> -> vector<1000x128xbf16>
      %convert_element_type3A_29 = arith.extf %concatenate3A : vector<1000x128xbf16> to vector<1000x128xf32>
      %get3A_30 = arith.constant 0 : index
      %get3A_31 = arith.constant 0 : index
      %get3A_32 = arith.constant 0 : index
      %get3A_33 = vector.load %arg4[%get3A_30, %get3A_31, %get3A_32] : memref<2x1000x64xbf16, #tpu.memory_space<vmem>>, vector<1x1000x64xbf16>
      %get3A_34 = vector.shape_cast %get3A_33 : vector<1x1000x64xbf16> to vector<1000x64xbf16>
      %get3A_35 = arith.constant 1 : index
      %get3A_36 = arith.constant 0 : index
      %get3A_37 = arith.constant 0 : index
      %get3A_38 = vector.load %arg4[%get3A_35, %get3A_36, %get3A_37] : memref<2x1000x64xbf16, #tpu.memory_space<vmem>>, vector<1x1000x64xbf16>
      %get3A_39 = vector.shape_cast %get3A_38 : vector<1x1000x64xbf16> to vector<1000x64xbf16>
      %concatenate3A_40 = tpu.concatenate %get3A_34, %get3A_39 in 1 : vector<1000x64xbf16>, vector<1000x64xbf16> -> vector<1000x128xbf16>
      %convert_element_type3A_41 = arith.extf %concatenate3A_40 : vector<1000x128xbf16> to vector<1000x128xf32>
      %mul3A = vector.broadcast %broadcast_in_dim3A : vector<1000x1xf32> to vector<1000x128xf32>
      %mul3A_42 = arith.mulf %mul3A, %convert_element_type3A_29 : vector<1000x128xf32>
      %mul3A_43 = arith.constant 2.000000e+00 : f32
      %mul3A_44 = vector.broadcast %mul3A_43 : f32 to vector<1000x1xf32>
      %mul3A_45 = arith.mulf %mul3A_44, %broadcast_in_dim3A : vector<1000x1xf32>
      %mul3A_46 = vector.broadcast %mul3A_45 : vector<1000x1xf32> to vector<1000x128xf32>
      %mul3A_47 = arith.mulf %mul3A_46, %convert_element_type3A_41 : vector<1000x128xf32>
      %add3A_48 = arith.addf %mul3A_42, %mul3A_47 : vector<1000x128xf32>
      %get3A_49 = arith.constant 0 : index
      %get3A_50 = arith.constant 0 : index
      %get3A_51 = vector.load %arg5[%get3A_49, %get3A_50] : memref<1x128xf32, #tpu.memory_space<vmem>>, vector<1x128xf32>
      %add3A_52 = vector.broadcast %get3A_51 : vector<1x128xf32> to vector<1000x128xf32>
      %add3A_53 = arith.addf %add3A_48, %add3A_52 : vector<1000x128xf32>
      %swap3A = arith.index_cast %arg1 : i32 to index
      %swap3A_54 = arith.constant 0 : index
      %swap3A_55 = arith.constant 0 : index
      %swap3A_56 = vector.load %arg12[%swap3A, %swap3A_54, %swap3A_55] : memref<10x1000x128xf32, #tpu.memory_space<vmem>>, vector<1x1000x128xf32>
      %swap3A_57 = vector.shape_cast %swap3A_56 : vector<1x1000x128xf32> to vector<1000x128xf32>
      %swap3A_58 = vector.shape_cast %add3A_53 : vector<1000x128xf32> to vector<1x1000x128xf32>
      tpu.vector_store %arg12[%swap3A, %swap3A_54, %swap3A_55], %swap3A_58 {strides = array<i32>} : memref<10x1000x128xf32, #tpu.memory_space<vmem>>, vector<1x1000x128xf32>,
      %reduce_sum3A = arith.constant dense<0.000000e+00> : vector<128xf32>
      %reduce_sum3A_59 = vector.multi_reduction <add>, %add3A_53, %reduce_sum3A [0] : vector<1000x128xf32> to vector<128xf32>
      %broadcast_in_dim3A_60 = vector.shape_cast %reduce_sum3A_59 : vector<128xf32> to vector<1x128xf32>
      %mul3A_61 = arith.mulf %add3A_53, %add3A_53 : vector<1000x128xf32>
      %reduce_sum3A_62 = arith.constant dense<0.000000e+00> : vector<128xf32>
      %reduce_sum3A_63 = vector.multi_reduction <add>, %mul3A_61, %reduce_sum3A_62 [0] : vector<1000x128xf32> to vector<128xf32>
      %broadcast_in_dim3A_64 = vector.shape_cast %reduce_sum3A_63 : vector<128xf32> to vector<1x128xf32>
      %concatenate3A_65 = tpu.concatenate %broadcast_in_dim3A_60, %broadcast_in_dim3A_64 in 0 : vector<1x128xf32>, vector<1x128xf32> -> vector<2x128xf32>
      %eq3A_66 = arith.constant 0 : i32
      %eq3A_67 = arith.cmpi eq, %arg1, %eq3A_66 : i32
      %convert_element_type3A_68 = arith.extui %eq3A_67 : i1 to i32
      %cond3A_69 = arith.constant 0 : i32
      %cond3A_70 = arith.cmpi ne, %convert_element_type3A_68, %cond3A_69 : i32
      scf.if %cond3A_70 {
        %swap3A_75 = arith.constant 0 : index
        %swap3A_76 = arith.constant 0 : index
        %swap3A_77 = vector.load %arg13[%swap3A_75, %swap3A_76] : memref<2x128xf32, #tpu.memory_space<vmem>>, vector<2x128xf32>
        tpu.vector_store %arg13[%swap3A_75, %swap3A_76], %concatenate3A_65 {strides = array<i32>} : memref<2x128xf32, #tpu.memory_space<vmem>>, vector<2x128xf32>,
      } else {
      }
      %gt3A = arith.constant 0 : i32
      %gt3A_71 = arith.cmpi sgt, %arg1, %gt3A : i32
      %convert_element_type3A_72 = arith.extui %gt3A_71 : i1 to i32
      %cond3A_73 = arith.constant 0 : i32
      %cond3A_74 = arith.cmpi ne, %convert_element_type3A_72, %cond3A_73 : i32
      scf.if %cond3A_74 {
        %get3A_75 = arith.constant 0 : index
        %get3A_76 = arith.constant 0 : index
        %get3A_77 = vector.load %arg13[%get3A_75, %get3A_76] : memref<2x128xf32, #tpu.memory_space<vmem>>, vector<2x128xf32>
        %add3A_78 = arith.addf %get3A_77, %concatenate3A_65 : vector<2x128xf32>
        %swap3A_79 = arith.constant 0 : index
        %swap3A_80 = arith.constant 0 : index
        %swap3A_81 = vector.load %arg13[%swap3A_79, %swap3A_80] : memref<2x128xf32, #tpu.memory_space<vmem>>, vector<2x128xf32>
        tpu.vector_store %arg13[%swap3A_79, %swap3A_80], %add3A_78 {strides = array<i32>} : memref<2x128xf32, #tpu.memory_space<vmem>>, vector<2x128xf32>,
      } else {
      }
    } else {
    }
    %eq3A_2 = arith.constant 1 : i32
    %eq3A_3 = arith.cmpi eq, %arg0, %eq3A_2 : i32
    %convert_element_type3A_4 = arith.extui %eq3A_3 : i1 to i32
    %cond3A_5 = arith.constant 0 : i32
    %cond3A_6 = arith.cmpi ne, %convert_element_type3A_4, %cond3A_5 : i32
    scf.if %cond3A_6 {
      %get3A = arith.index_cast %arg1 : i32 to index
      %get3A_7 = arith.constant 0 : index
      %get3A_8 = arith.constant 0 : index
      %get3A_9 = vector.load %arg12[%get3A, %get3A_7, %get3A_8] : memref<10x1000x128xf32, #tpu.memory_space<vmem>>, vector<1x1000x128xf32>
      %get3A_10 = vector.shape_cast %get3A_9 : vector<1x1000x128xf32> to vector<1000x128xf32>
      %get3A_11 = arith.constant 0 : index
      %get3A_12 = arith.constant 0 : index
      %get3A_13 = vector.load %arg13[%get3A_11, %get3A_12] : memref<2x128xf32, #tpu.memory_space<vmem>>, vector<1x128xf32>
      %mul3A = arith.constant 9.99999974E-5 : f32
      %mul3A_14 = vector.broadcast %mul3A : f32 to vector<1x128xf32>
      %mul3A_15 = arith.mulf %get3A_13, %mul3A_14 : vector<1x128xf32>
      %get3A_16 = arith.constant 1 : index
      %get3A_17 = arith.constant 0 : index
      %get3A_18 = vector.load %arg13[%get3A_16, %get3A_17] : memref<2x128xf32, #tpu.memory_space<vmem>>, vector<1x128xf32>
      %mul3A_19 = arith.constant 9.99999974E-5 : f32
      %mul3A_20 = vector.broadcast %mul3A_19 : f32 to vector<1x128xf32>
      %mul3A_21 = arith.mulf %get3A_18, %mul3A_20 : vector<1x128xf32>
      %mul3A_22 = arith.mulf %mul3A_15, %mul3A_15 : vector<1x128xf32>
      %sub3A = arith.subf %mul3A_21, %mul3A_22 : vector<1x128xf32>
      %add3A = arith.constant 9.99999974E-6 : f32
      %add3A_23 = vector.broadcast %add3A : f32 to vector<1x128xf32>
      %add3A_24 = arith.addf %sub3A, %add3A_23 : vector<1x128xf32>
      %rsqrt3A = math.rsqrt %add3A_24 : vector<1x128xf32>
      %sub3A_25 = vector.broadcast %mul3A_15 : vector<1x128xf32> to vector<1000x128xf32>
      %sub3A_26 = arith.subf %get3A_10, %sub3A_25 : vector<1000x128xf32>
      %mul3A_27 = vector.broadcast %rsqrt3A : vector<1x128xf32> to vector<1000x128xf32>
      %mul3A_28 = arith.mulf %sub3A_26, %mul3A_27 : vector<1000x128xf32>
      %get3A_29 = arith.constant 0 : index
      %get3A_30 = arith.constant 0 : index
      %get3A_31 = vector.load %arg6[%get3A_29, %get3A_30] : memref<1x128xf32, #tpu.memory_space<vmem>>, vector<1x128xf32>
      %mul3A_32 = vector.broadcast %get3A_31 : vector<1x128xf32> to vector<1000x128xf32>
      %mul3A_33 = arith.mulf %mul3A_28, %mul3A_32 : vector<1000x128xf32>
      %get3A_34 = arith.constant 0 : index
      %get3A_35 = arith.constant 0 : index
      %get3A_36 = vector.load %arg7[%get3A_34, %get3A_35] : memref<1x128xf32, #tpu.memory_space<vmem>>, vector<1x128xf32>
      %add3A_37 = vector.broadcast %get3A_36 : vector<1x128xf32> to vector<1000x128xf32>
      %add3A_38 = arith.addf %mul3A_33, %add3A_37 : vector<1000x128xf32>
      %max3A = arith.constant 0.000000e+00 : f32
      %max3A_39 = vector.broadcast %max3A : f32 to vector<1000x128xf32>
      %max3A_40 = arith.maximumf %add3A_38, %max3A_39 : vector<1000x128xf32>
      %get3A_41 = arith.constant 0 : index
      %get3A_42 = arith.constant 0 : index
      %get3A_43 = vector.load %arg8[%get3A_41, %get3A_42] : memref<1000x128xf32, #tpu.memory_space<vmem>>, vector<1000x128xf32>
      %add3A_44 = arith.addf %max3A_40, %get3A_43 : vector<1000x128xf32>
      %get3A_45 = arith.constant 0 : index
      %get3A_46 = arith.constant 0 : index
      %get3A_47 = vector.load %arg9[%get3A_45, %get3A_46] : memref<128x128xf32, #tpu.memory_space<vmem>>, vector<128x128xf32>
      %dot_general3A = arith.constant dense<0.000000e+00> : vector<1000x128xf32>
      %dot_general3A_48 = tpu.matmul %add3A_44, %get3A_47, %dot_general3A {dimension_numbers = #tpu.dot_dimension_numbers<[1], [0], [0], [1], [0, 0, 1, 1], [], []>, transpose_lhs_hint = false} : vector<1000x128xf32>, vector<128x128xf32>, vector<1000x128xf32> -> vector<1000x128xf32>
      %get3A_49 = arith.constant 0 : index
      %get3A_50 = arith.constant 0 : index
      %get3A_51 = vector.load %arg10[%get3A_49, %get3A_50] : memref<1x128xf32, #tpu.memory_space<vmem>>, vector<1x128xf32>
      %add3A_52 = vector.broadcast %get3A_51 : vector<1x128xf32> to vector<1000x128xf32>
      %add3A_53 = arith.addf %dot_general3A_48, %add3A_52 : vector<1000x128xf32>
      %swap3A = arith.constant 0 : index
      %swap3A_54 = arith.constant 0 : index
      %swap3A_55 = vector.load %arg11[%swap3A, %swap3A_54] : memref<1000x128xf32, #tpu.memory_space<vmem>>, vector<1000x128xf32>
      tpu.vector_store %arg11[%swap3A, %swap3A_54], %add3A_53 {strides = array<i32>} : memref<1000x128xf32, #tpu.memory_space<vmem>>, vector<1000x128xf32>,
    } else {
    }
    return
  }
  func.func @transform_0(%arg0: i32, %arg1: i32) -> (i32, i32, i32) {
    %c0_i32 = arith.constant 0 : i32
    %c0_i32_0 = arith.constant 0 : i32
    %c0_i32_1 = arith.constant 0 : i32
    return %arg1, %c0_i32, %c0_i32_0 : i32, i32, i32
  }
  func.func @transform_1(%arg0: i32, %arg1: i32) -> (i32, i32, i32) {
    %eq3A = arith.constant 0 : i32
    %eq3A_0 = arith.cmpi eq, %arg0, %eq3A : i32
    %jit3A = arith.constant 0 : i32
    %select_n3A = arith.select %eq3A_0, %arg1, %jit3A : i32
    %c0_i32 = arith.constant 0 : i32
    %c0_i32_1 = arith.constant 0 : i32
    %c0_i32_2 = arith.constant 0 : i32
    return %c0_i32, %select_n3A, %c0_i32_1 : i32, i32, i32
  }
  func.func @transform_2(%arg0: i32, %arg1: i32) -> (i32, i32, i32) {
    %eq3A = arith.constant 0 : i32
    %eq3A_0 = arith.cmpi eq, %arg0, %eq3A : i32
    %jit3A = arith.constant 0 : i32
    %select_n3A = arith.select %eq3A_0, %arg1, %jit3A : i32
    %c0_i32 = arith.constant 0 : i32
    %c0_i32_1 = arith.constant 0 : i32
    %c0_i32_2 = arith.constant 0 : i32
    return %c0_i32, %select_n3A, %c0_i32_1 : i32, i32, i32
  }
  func.func @transform_3(%arg0: i32, %arg1: i32) -> (i32, i32) {
    %c0_i32 = arith.constant 0 : i32
    %c0_i32_0 = arith.constant 0 : i32
    %c0_i32_1 = arith.constant 0 : i32
    return %c0_i32, %c0_i32_0 : i32, i32
  }
  func.func @transform_4(%arg0: i32, %arg1: i32) -> (i32, i32) {
    %c0_i32 = arith.constant 0 : i32
    %c0_i32_0 = arith.constant 0 : i32
    %c0_i32_1 = arith.constant 0 : i32
    return %c0_i32, %c0_i32_0 : i32, i32
  }
  func.func @transform_5(%arg0: i32, %arg1: i32) -> (i32, i32) {
    %c0_i32 = arith.constant 0 : i32
    %c0_i32_0 = arith.constant 0 : i32
    %c0_i32_1 = arith.constant 0 : i32
    return %c0_i32, %c0_i32_0 : i32, i32
  }
  func.func @transform_6(%arg0: i32, %arg1: i32) -> (i32, i32) {
    %eq3A = arith.constant 1 : i32
    %eq3A_0 = arith.cmpi eq, %arg0, %eq3A : i32
    %jit3A = arith.constant 0 : i32
    %select_n3A = arith.select %eq3A_0, %arg1, %jit3A : i32
    %c0_i32 = arith.constant 0 : i32
    %c0_i32_1 = arith.constant 0 : i32
    return %select_n3A, %c0_i32 : i32, i32
  }
  func.func @transform_7(%arg0: i32, %arg1: i32) -> (i32, i32) {
    %c0_i32 = arith.constant 0 : i32
    %c0_i32_0 = arith.constant 0 : i32
    %c0_i32_1 = arith.constant 0 : i32
    return %c0_i32, %c0_i32_0 : i32, i32
  }
  func.func @transform_8(%arg0: i32, %arg1: i32) -> (i32, i32) {
    %c0_i32 = arith.constant 0 : i32
    %c0_i32_0 = arith.constant 0 : i32
    %c0_i32_1 = arith.constant 0 : i32
    return %c0_i32, %c0_i32_0 : i32, i32
  }
  func.func @transform_9(%arg0: i32, %arg1: i32) -> (i32, i32) {
    %eq3A = arith.constant 1 : i32
    %eq3A_0 = arith.cmpi eq, %arg0, %eq3A : i32
    %jit3A = arith.constant 0 : i32
    %select_n3A = arith.select %eq3A_0, %arg1, %jit3A : i32
    %c0_i32 = arith.constant 0 : i32
    %c0_i32_1 = arith.constant 0 : i32
    return %select_n3A, %c0_i32 : i32, i32
  }
}

</mosaic_0001>

<sc_bundles>
// kernel: kernel.11.cloned.1.call-start
scs
__scs_entry_jumppad:
0x0: {  	(pc) =	sbr.rel $0x88, $3  }
0x1: {  	(tag) =	ssettag $0x0;
	lr =	simm.s32 $0x1  }
0x2: {  	[smem:$0x3F95] =	sst lr;
	_ =	strace $0xD0000000  }
0x3: {  	_ = 	snop  }
0x4: {  	_ = 	snop  }
0x5: {  	_ = 	snop  }
0x6: {  	_ = 	snop  }
0x7: {  	_ = 	snop  }
__scs_overlays_trampoline_lowered:
0x8: {  	[smem:$0x3FA4] =	sst s0  }
0x9: {  	[smem:$0x3FA5] =	sst s1  }
0xa: {  	[smem:$0x3FA6] =	sst s2  }
0xb: {  	[smem:$0x3FA7] =	sst s3  }
0xc: {  	[smem:$0x3FA8] =	sst s4  }
0xd: {  	[smem:$0x3FA9] =	sst s5  }
0xe: {  	[smem:$0x3FAA] =	sst s6  }
0xf: {  	[smem:$0x3FAB] =	sst s7  }
0x10: {  	[smem:$0x3FAC] =	sst s8  }
0x11: {  	[smem:$0x3FAD] =	sst s9;
	s0 =	simm.s32 @!p0 $0x0  }
0x12: {  	s1 =	sld [smem:$0x3F93];
	s0 =	simm.s32 @p0 $0x1  }
0x13: {  	[smem:$0x3FAE] =	sst s0;
	s0 =	simm.s32 @!p1 $0x0  }
0x14: {  	s2 =	sld [smem:$0x3F92];
	s0 =	simm.s32 @p1 $0x1  }
0x15: {  	[smem:$0x3FAF] =	sst s0;
	s0 =	simm.s32 @!p2 $0x0  }
0x16: {  	s3 =	sld [smem:$0x3FDB];
	s0 =	simm.s32 @p2 $0x1  }
0x17: {  	s4 =	simm.s32 $0x1BF5;
	[smem:$0x3FB1] =	sst s0  }
0x18: {  	s0 =	sld [smem:$0x3F94];
	_ =	swait.ge [sflag:s4], $0x0  }
0x19: {  	s7 =	sld [smem:$0x3F95]  }
0x1a: {  	s8 =	sadd.s32 $0xFFFFE003, lr  }
0x1b: {  	s9 =	sadd.s32 $0xFFFFFEF7, lr;
	s5 =	simm.s32 $0xFFFFFFFF;
	p2 =	slt.u32 s8, $0xFFFFF086  }
0x1c: {  	p1 =	slt.u32 s9, $0xF7A;
	s5 =	simm.s32 @!p2 $0x0  }
0x1d: {  	s5 =	simm.s32 @p1 $0x1;
	p0 =	seq.s32 s7, s2  }
0x1e: {  	s7 =	smul.u32 @!p0 $0xF7A, s2;
	p2 =	seq.s32 @!p0 s5, $0x0  }
0x1f: {  	s9 =	smul.u32 $0xF7A, s1;
	s8 =	simm.s32 @!p0 $0x1BF5;
	p2 =	por !p2, p0  }
0x20: {  	[sflag:s8] =	ssyncset.s32 @!p0 $0xFFFFF086;
	s6 =	sadd.s32 @!p0 s3, s7;
	s7 =	simm.s32 @!p0 $0x108  }
0x21: {  	s3 =	sadd.s32 s3, s9;
	s6 =	sadd.s32 @!p0 $0x88, s6;
	s7 =	simm.s32 @p2 $0x1082  }
0x22: {  	[simem:s7], [sflag:s8] =	dma.local @!p0 [hbm:s6], $0xF7A  }
0x23: {  	s9 =	sor.u32 $0xD0000000, s2;
	s6 =	simm.s32 $0x108;
	_ =	swait.ge @!p0 [sflag:s8], $0x0  }
0x24: {  	s3 =	sadd.s32 $0x88, s3;
	s6 =	simm.s32 @!p1 $0x1082;
	[sflag:s4] =	ssyncset.s32 $0xFFFFF086  }
0x25: {  	[simem:s6], [sflag:s4] =	dma.local [hbm:s3], $0xF7A  }
0x26: {  	[smem:$0x3F95] =	sst s1;
	(tag) =	ssettag s2;
	_ =	strace s9  }
0x27: {  	s1 =	sld [smem:$0x3FA5]  }
0x28: {  	s2 =	sld [smem:$0x3FA6]  }
0x29: {  	s4 =	sld [smem:$0x3FA8]  }
0x2a: {  	p0 =	seq.s32 s5, $0x0;
	s5 =	sld [smem:$0x3FA9]  }
0x2b: {  	s6 =	sld [smem:$0x3FAA]  }
0x2c: {  	s7 =	sld [smem:$0x3FAB]  }
0x2d: {  	s3 =	simm.s32 $0x108;
	s8 =	sld [smem:$0x3FAC]  }
0x2e: {  	s3 =	simm.s32 @!p0 $0x1082;
	s9 =	sld [smem:$0x3FAD]  }
0x2f: {  	lr =	sadd.s32 s0, s3;
	s0 =	sld [smem:$0x3FA4]  }
0x30: {  	s3 =	sld [smem:$0x3FA7]  }
0x31: {  	[smem:$0x3FB0] =	sst s10  }
0x32: {  	s10 =	sld [smem:$0x3FAE];
	_ =	sdelay $0x3  }
0x33: {  	p0 =	seq.s32 s10, $0x1;
	s10 =	sld [smem:$0x3FB0];
	_ =	sdelay $0x3  }
0x34: {  	[smem:$0x3FB0] =	sst s10  }
0x35: {  	s10 =	sld [smem:$0x3FAF];
	_ =	sdelay $0x3  }
0x36: {  	p1 =	seq.s32 s10, $0x1;
	s10 =	sld [smem:$0x3FB0];
	_ =	sdelay $0x3  }
0x37: {  	[smem:$0x3FB0] =	sst s10  }
0x38: {  	s10 =	sld [smem:$0x3FB1]  }
0x39: {  	_ = 	snop;
	(pc) =	sbr.ind lr, $3  }
0x3a: {  	_ = 	snop  }
0x3b: {  	_ = 	snop  }
0x3c: {  	p2 =	seq.s32 s10, $0x1;
	s10 =	sld [smem:$0x3FB0]  }
0x3d: {  	_ =	shalt  }
0x3e: {  	_ =	shalt  }
0x3f: {  	_ =	shalt  }
0x40: {  	_ =	shalt  }
0x41: {  	_ =	shalt  }
0x42: {  	_ =	shalt  }
0x43: {  	_ =	shalt  }
0x44: {  	_ =	shalt  }
0x45: {  	_ =	shalt  }
0x46: {  	_ =	shalt  }
0x47: {  	_ =	shalt  }
0x48: {  	_ =	shalt  }
0x49: {  	_ =	shalt  }
0x4a: {  	_ =	shalt  }
0x4b: {  	_ =	shalt  }
0x4c: {  	_ =	shalt  }
0x4d: {  	_ =	shalt  }
0x4e: {  	_ =	shalt  }
0x4f: {  	_ =	shalt  }
0x50: {  	_ =	shalt  }
0x51: {  	_ =	shalt  }
0x52: {  	_ =	shalt  }
0x53: {  	_ =	shalt  }
0x54: {  	_ =	shalt  }
0x55: {  	_ =	shalt  }
0x56: {  	_ =	shalt  }
0x57: {  	_ =	shalt  }
0x58: {  	_ =	shalt  }
0x59: {  	_ =	shalt  }
0x5a: {  	_ =	shalt  }
0x5b: {  	_ =	shalt  }
0x5c: {  	_ =	shalt  }
0x5d: {  	_ =	shalt  }
0x5e: {  	_ =	shalt  }
0x5f: {  	_ =	shalt  }
0x60: {  	_ =	shalt  }
0x61: {  	_ =	shalt  }
0x62: {  	_ =	shalt  }
0x63: {  	_ =	shalt  }
0x64: {  	_ =	shalt  }
0x65: {  	_ =	shalt  }
0x66: {  	_ =	shalt  }
0x67: {  	_ =	shalt  }
0x68: {  	_ =	shalt  }
0x69: {  	_ =	shalt  }
0x6a: {  	_ =	shalt  }
0x6b: {  	_ =	shalt  }
0x6c: {  	_ =	shalt  }
0x6d: {  	_ =	shalt  }
0x6e: {  	_ =	shalt  }
0x6f: {  	_ =	shalt  }
0x70: {  	_ =	shalt  }
0x71: {  	_ =	shalt  }
0x72: {  	_ =	shalt  }
0x73: {  	_ =	shalt  }
0x74: {  	_ =	shalt  }
0x75: {  	_ =	shalt  }
0x76: {  	_ =	shalt  }
0x77: {  	_ =	shalt  }
0x78: {  	_ =	shalt  }
0x79: {  	_ =	shalt  }
0x7a: {  	_ =	shalt  }
0x7b: {  	_ =	shalt  }
0x7c: {  	_ =	shalt  }
0x7d: {  	_ =	shalt  }
0x7e: {  	_ =	shalt  }
0x7f: {  	_ =	shalt  }
0x80: {  	_ =	shalt  }
0x81: {  	_ =	shalt  }
0x82: {  	_ =	shalt  }
0x83: {  	_ =	shalt  }
0x84: {  	_ =	shalt  }
0x85: {  	_ =	shalt  }
0x86: {  	_ =	shalt  }
0x87: {  	_ =	shalt  }
.Lfunc_end0:
.L_simem_size_0:
called_computation.1_lowered:
.L_overlay_start_0:
0x88: {  	s2 =	sld [smem:$0x3FD9]  }
0x89: {  	s3 =	sld [smem:$0x3FFE];
	_ =	sdelay $0x1  }
0x8a: {  	s1 =	srdreg.scid  }
0x8b: {  	s0 =	sand.u32 $0x1, s1  }
0x8c: {  	s17 =	sshll.u32 s0, $0xA;
	s2 =	sadd.s32 s3, s2  }
0x8d: {  	s2 =	sadd.s32 s2, s17  }
0x8e: {  	[smem:$0x3FBC] =	sst s2  }
0x8f: {  	_ = 	snop  }
0x90: {  	s2 =	sld [smem:$0x3FD0];
	(tm) =	ssettm $0x1  }
0x91: {  	s18 =	sld [smem:$0x3FFB];
	_ =	sdelay $0x3  }
0x92: {  	_ =	strace s18  }
0x93: {  	s3 =	sld [smem:$0x3FFC];
	_ =	sdelay $0x3  }
0x94: {  	_ =	strace s3  }
0x95: {  	s3 =	sld [smem:$0x3FFD];
	_ =	sdelay $0x3  }
0x96: {  	_ =	strace s3  }
0x97: {  	_ =	strace $0x8FFFFFFF  }
0x98: {  	s19 =	sld [smem:$0x3FDB];
	_ =	sdelay $0x1  }
0x99: {  	s4 =	simm.s32 $_scs_section_size  }
0x9a: {  	s5 =	simm.s32 $_size__tile_overlayer_lowered;
	s6 =	simm.s32 $_tile_overlayer_lowered  }
0x9b: {  	s22 =	simm.s32 $0x1BFF;
	s21 =	sshll.u32 s6, $0x1;
	s3 =	sadd.s32 s4, s19  }
0x9c: {  	s7 =	simm.s32 $0x0;
	s20 =	sshll.u32 s5, $0x1;
	s5 =	sadd.s32 s21, s3  }
0x9d: {  	[timem:s7], [sflag:s22] =	dma.local [hbm:s5], s20  }
0x9e: {  	_ =	swait.ge [sflag:s22], s20  }
0x9f: {  	s4 =	ssub.s32 $0x0, s20;
	[sflag:s22] =	ssyncset.done $0x0  }
0xa0: {  	[sflag:s22] =	ssyncadd.s32 s4;
	_ =	sdelay $0x1  }
0xa1: {  	s23 =	simm.s32 $0x1B8B  }
0xa2: {  	_ =	swait.ge [sflag:s23], $0x1  }
0xa3: {  	[sflag:s23] =	ssyncset.done $0x0  }
0xa4: {  	s25 =	simm.s32 $0x1B8E;
	s24 =	sld [smem:$0x3FFE];
	[sflag:s23] =	ssyncadd.s32 $0xFFFFFFFF  }
0xa5: {  	s26 =	simm.s32 $execute0_lowered;
	[smem:$0x3FD2] =	sst s25  }
0xa6: {  	s5 =	sshll.u32 s26, $0x1;
	_ =	strace $0x80000049;
	[dreg:$0x1] =	wrdreg $0xFFFFFFFF  }
0xa7: {  	s28 =	simm.s32 $_size_execute0_lowered;
	s3 =	sadd.s32 s3, s5;
	[dreg:$0x0] =	wrdreg $0x0  }
0xa8: {  	s5 =	sshll.u32 s28, $0x1;
	[dreg:$0x2] =	wrdreg s3  }
0xa9: {  	[dreg:$0x3] =	wrdreg s5  }
0xaa: {  	[dreg:$0x4] =	wrdreg $0xC0  }
0xab: {  	_ =	task [dreg:s7], $0x5FFFF  }
0xac: {  	[dreg:$0x1] =	wrdreg $0xFFFFFFFF  }
0xad: {  	[dreg:$0x0] =	wrdreg $0x60  }
0xae: {  	[dreg:$0x2] =	wrdreg s2  }
0xaf: {  	[dreg:$0x3] =	wrdreg s24  }
0xb0: {  	[dreg:$0x4] =	wrdreg $0x11F800  }
0xb1: {  	[dreg:$0x5] =	wrdreg $0x9  }
0xb2: {  	_ =	task.clear_ibuf [dreg:s7], $0x6FFFF;
	_ =	strace $0x90000049  }
0xb3: {  	s29 =	simm.s32 $0x9;
	_ =	strace $0x8000004B  }
0xb4: {  	_ =	swait.ge [sflag:s29], $0x1  }
0xb5: {  	[sflag:s29] =	ssyncadd.s32 $0xFFFFFFFF  }
0xb6: {  	_ =	strace $0x9000004B  }
0xb7: {  	_ =	sfence  }
0xb8: {  	s30 =	sld [smem:$0x0];
	_ =	sdelay $0x2  }
0xb9: {  	s31 =	sshll.u32 s1, $0xD;
	s1 =	sshrl.u32 s1, $0x2  }
0xba: {  	s3 =	sand.u32 $0x4000, s31;
	s1 =	sadd.s32 s1, s30  }
0xbb: {  	s0 =	sor.u32 s3, s0;
	s1 =	sshll.u32 s1, $0x11  }
0xbc: {  	s0 =	sor.u32 s1, s0  }
0xbd: {  	s0 =	sadd.s32 $0x8F2B, s0  }
0xbe: {  	[sflag:s0] =	ssyncadd.remote.s32 $0x1  }
0xbf: {  	_ =	sfence.sel $0xFFFF  }
0xc0: {  	[dreg:$0x0] =	wrdreg $0xFFFFFFFF;
	(pc) =	sbr.abs _section_cstart, $3  }
0xc1: {  	[dreg:$0x1] =	wrdreg $0xFFFFFFFF  }
0xc2: {  	_ =	task.clear_ibuf [dreg:s7], $0x2FFFF;
	_ =	strace $0x9FFFFFFF  }
0xc3: {  	(tm) =	ssettm $0x7FFFFFFF  }
tec
execute0_lowered:
.L_overlay_start_1:
0x0: {  	(tag) =	ssettag $0x1  }
0x1: {  	s0 =	rddreg [dreg:$0x0]  }
0x2: {  	s1 =	rddreg [dreg:$0x1]  }
0x3: {  	s2 =	rddreg [dreg:$0x2];
	s7 =	stileid.u32  }
0x4: {  	s5 =	srdreg.scid;
	s3 =	simm.s32 $0x0;
	s14 =	simm.s32 $0x9C40  }
0x5: {  	s15 =	simm.s32 $0xB;
	s16 =	simm.s32 $0x4E20;
	s17 =	simm.s32 $0x50  }
0x6: {  	s18 =	simm.s32 $0xBB80;
	s19 =	simm.s32 $0xCF80;
	s28 =	simm.s32 $0x2  }
0x7: {  	s30 =	simm.s32 $0x6;
	s31 =	simm.s32 $0x8;
	s4 =	smul.u32 $0x9C4, s7  }
0x8: {  	s20 =	simm.s32 $0x9;
	s29 =	simm.s32 $0xA;
	s6 =	smul.u32 $0x9C40, s7  }
0x9: {  	s5 =	sand.u32 $0x1, s5;
	[smem:$0x7FF] =	sst s3;
	s7 =	smul.u32 $0x27100, s7  }
0xa: {  	s9 =	smul.u32 $0x9C400, s5;
	_ =	strace $0x8000004A;
	s5 =	ssub.s32 $0x2, s5  }
0xb: {  	s10 =	sadd.s32 s4, s1;
	s8 =	sshrl.u32 s5, $0x1;
	s7 =	sshrl.u32 s7, $0x2  }
0xc: {  	s21 =	sadd.s32 s6, s9;
	s5 =	ssub.s32 s5, s8;
	s22 =	sadd.s32 s7, s2  }
0xd: {  	s26 =	sshrl.u32 s9, $0x3;
	s9 =	sadd.s32 $0x2400, s10;
	s10 =	sadd.s32 $0xC200, s10  }
0xe: {  	s4 =	sshrl.u32 s21, $0x3;
	s23 =	sadd.s32 $0x1F40, s22;
	s24 =	sadd.s32 $0x3E80, s22  }
0xf: {  	s25 =	sadd.s32 $0x5DC0, s22;
	s8 =	sadd.s32 $0x7D00, s22;
	s11 =	sadd.s32 s0, s26  }
0x10: {  	s13 =	smax.u32 s5, $0x1;
	s21 =	simm.s32 $0xE380;
	s26 =	simm.s32 $0x10B80  }
0x11: {  	s0 =	simm.s32 $0x3;
	s22 =	simm.s32 $0x7;
	[dreg:$0x4] =	wrdreg s23  }
0x12: {  	s1 =	sadd.s32 s4, s1;
	s4 =	sadd.s32 s6, s2;
	[dreg:$0x5] =	wrdreg s24  }
0x13: {  	[dreg:$0x6] =	wrdreg s25;
	s23 =	simm.s32 $0xF780;
	s24 =	simm.s32 $0x1  }
0x14: {  	v0 =	vimm.f32 $0.0e+00;
	s25 =	simm.s32 $0x4;
	s12 =	sadd.s32 $0x64200, s1;
	s1 =	simm.s32 $0x5  }
.LBB2_1:
0x15: {  	s6 =	simm.s32 $0x100;
	s5 =	simm.s32 $0x0  }
.LBB2_2:
0x16: {  	p0 =	sne.s32 s6, $0x7C00;
	[tilespmem:s5+$0x9C70] =	vst v0;
	s7 =	smov.u32 s6;
	s6 =	sadd.s32 $0x100, s6  }
.Ltmp0:
0x17: {  	[tilespmem:s5+$0x9C60] =	vst v0;
	(pc) =	sbr.rel @p0 .LBB2_2-.Ltmp0, $3  }
0x18: {  	[tilespmem:s5+$0x9C40] =	vst v0  }
0x19: {  	[tilespmem:s5+$0x9C50] =	vst v0;
	_ =	sdelay $0x1  }
0x1a: {  	s5 =	sshra.s32 s7, $0x2  }
0x1b: {  	[tilespmem:s5+$0x9C70] =	vst v0  }
0x1c: {  	[tilespmem:s5+$0x9C60] =	vst v0  }
0x1d: {  	[tilespmem:s5+$0x9C40] =	vst v0  }
0x1e: {  	[tilespmem:s5+$0x9C50] =	vst v0  }
0x1f: {  	[spmem:s4] =	stream.linear.scatter [tilespmem:s14], [sflag:$0xB], $0x1F40, $0x38;
	[tilespmem:$0x1BBC0] =	vst v63  }
0x20: {  	_ =	swait.ge [sflag:s15], $0x1F40  }
0x21: {  	[sflag:s15] =	ssyncset.done $0x0  }
0x22: {  	s7 =	rddreg [dreg:$0x4];
	[sflag:s15] =	ssyncadd.s32 $0xFFFFE0C0  }
0x23: {  	[spmem:s7] =	stream.linear.scatter [tilespmem:s14], [sflag:$0xB], $0x1F40, $0x38;
	[tilespmem:$0x1BBC0] =	vst v63  }
0x24: {  	_ =	swait.ge [sflag:s15], $0x1F40  }
0x25: {  	[sflag:s15] =	ssyncset.done $0x0  }
0x26: {  	s6 =	rddreg [dreg:$0x5];
	[sflag:s15] =	ssyncadd.s32 $0xFFFFE0C0  }
0x27: {  	[spmem:s6] =	stream.linear.scatter [tilespmem:s14], [sflag:$0xB], $0x1F40, $0x38;
	[tilespmem:$0x1BBC0] =	vst v63  }
0x28: {  	_ =	swait.ge [sflag:s15], $0x1F40  }
0x29: {  	[sflag:s15] =	ssyncset.done $0x0  }
0x2a: {  	s7 =	rddreg [dreg:$0x6];
	[sflag:s15] =	ssyncadd.s32 $0xFFFFE0C0  }
0x2b: {  	[spmem:s7] =	stream.linear.scatter [tilespmem:s14], [sflag:$0xB], $0x1F40, $0x38;
	[tilespmem:$0x1BBC0] =	vst v63  }
0x2c: {  	_ =	swait.ge [sflag:s15], $0x1F40  }
0x2d: {  	[sflag:s15] =	ssyncset.done $0x0  }
0x2e: {  	[sflag:s15] =	ssyncadd.s32 $0xFFFFE0C0  }
0x2f: {  	[spmem:s8] =	stream.linear.scatter [tilespmem:s14], [sflag:$0xB], $0x1F40, $0x38;
	[tilespmem:$0x1BBC0] =	vst v63  }
0x30: {  	_ =	swait.ge [sflag:s15], $0x1F40  }
0x31: {  	[sflag:s15] =	ssyncset.done $0x0  }
0x32: {  	s6 =	simm.s32 $0x0;
	[sflag:s15] =	ssyncadd.s32 $0xFFFFE0C0  }
0x33: {  	[tilespmem:s6], [sflag:$0xB] =	stream.linear.gather [hbm4b:s9+s6], $0x4E20, $0x38;
	[tilespmem:$0x1BBC0] =	vst v63  }
0x34: {  	_ =	swait.ge [sflag:s15], $0x4E20  }
0x35: {  	[sflag:s15] =	ssyncset.done $0x0  }
0x36: {  	[sflag:s15] =	ssyncadd.s32 $0xFFFFB1E0  }
0x37: {  	[tilespmem:s16], [sflag:$0xB] =	stream.linear.gather [hbm4b:s10+s6], $0x4E20, $0x38;
	[tilespmem:$0x1BBC0] =	vst v63  }
0x38: {  	_ =	swait.ge [sflag:s15], $0x4E20  }
0x39: {  	[sflag:s15] =	ssyncset.done $0x0  }
0x3a: {  	[sflag:s15] =	ssyncadd.s32 $0xFFFFB1E0  }
0x3b: {  	[bflag:$0x0] =	sbarrier.arrive $0xFFFF  }
0x3c: {  	[tilespmem:s18], [sflag:$0x1] =	stream.indirect.gather [hbm4b:s11+s17], $0x40, s6, s17, $0xb8;
	[tilespmem:$0x1BBC0] =	vst v63  }
0x3d: {  	_ = 	snop  }
0x3e: {  	[tilespmem:s19], [sflag:$0x2] =	stream.indirect.gather [hbm4b:s11+s17], $0x40, s17, s17, $0xb8;
	[tilespmem:$0x1BBC0] =	vst v63  }
0x3f: {  	s7 =	simm.s32 $0xA0  }
0x40: {  	[tilespmem:s21], [sflag:$0x3] =	stream.indirect.gather [hbm4b:s11+s17], $0x40, s7, s17, $0xb8;
	[tilespmem:$0x1BBC0] =	vst v63  }
0x41: {  	s6 =	simm.s32 $0xF0  }
0x42: {  	[tilespmem:s23], [sflag:$0x4] =	stream.indirect.gather [hbm4b:s11+s17], $0x40, s6, s17, $0xb8;
	[tilespmem:$0x1BBC0] =	vst v63  }
0x43: {  	_ =	swait.ge [sflag:s24], $0x1400  }
0x44: {  	[sflag:s24] =	ssyncset.done $0x0  }
0x45: {  	[sflag:s24] =	ssyncadd.s32 $0xFFFFEC00  }
0x46: {  	[spmem:s2] =	stream.indirect.scatter.add.f32 [tilespmem:s18], [sflag:$0x6], $0x40, s16, s17, $0xb8;
	[tilespmem:$0x1BBC0] =	vst v63  }
0x47: {  	s7 =	simm.s32 $0x140  }
0x48: {  	[tilespmem:s26], [sflag:$0x5] =	stream.indirect.gather [hbm4b:s11+s17], $0x40, s7, s17, $0xb8;
	[tilespmem:$0x1BBC0] =	vst v63  }
0x49: {  	_ =	swait.ge [sflag:s28], $0x1400  }
0x4a: {  	[sflag:s28] =	ssyncset.done $0x0  }
0x4b: {  	s6 =	simm.s32 $0x4E70;
	[sflag:s28] =	ssyncadd.s32 $0xFFFFEC00  }
0x4c: {  	[spmem:s2] =	stream.indirect.scatter.add.f32 [tilespmem:s19], [sflag:$0x7], $0x40, s6, s17, $0xb8;
	[tilespmem:$0x1BBC0] =	vst v63  }
0x4d: {  	_ =	swait.ge [sflag:s30], $0x1400  }
0x4e: {  	[sflag:s30] =	ssyncset.done $0x0  }
0x4f: {  	s7 =	simm.s32 $0x190;
	[sflag:s30] =	ssyncadd.s32 $0xFFFFEC00  }
0x50: {  	[tilespmem:s18], [sflag:$0x1] =	stream.indirect.gather [hbm4b:s11+s17], $0x40, s7, s17, $0xb8;
	[tilespmem:$0x1BBC0] =	vst v63  }
0x51: {  	_ =	swait.ge [sflag:s0], $0x1400  }
0x52: {  	[sflag:s0] =	ssyncset.done $0x0  }
0x53: {  	s6 =	simm.s32 $0x4EC0;
	[sflag:s0] =	ssyncadd.s32 $0xFFFFEC00  }
0x54: {  	[spmem:s2] =	stream.indirect.scatter.add.f32 [tilespmem:s21], [sflag:$0x8], $0x40, s6, s17, $0xb8;
	[tilespmem:$0x1BBC0] =	vst v63  }
0x55: {  	_ =	swait.ge [sflag:s22], $0x1400  }
0x56: {  	[sflag:s22] =	ssyncset.done $0x0  }
0x57: {  	s7 =	simm.s32 $0x1E0;
	[sflag:s22] =	ssyncadd.s32 $0xFFFFEC00  }
0x58: {  	[tilespmem:s19], [sflag:$0x2] =	stream.indirect.gather [hbm4b:s11+s17], $0x40, s7, s17, $0xb8;
	[tilespmem:$0x1BBC0] =	vst v63  }
0x59: {  	_ =	swait.ge [sflag:s25], $0x1400  }
0x5a: {  	[sflag:s25] =	ssyncset.done $0x0  }
0x5b: {  	s6 =	simm.s32 $0x4F10;
	[sflag:s25] =	ssyncadd.s32 $0xFFFFEC00  }
0x5c: {  	[spmem:s2] =	stream.indirect.scatter.add.f32 [tilespmem:s23], [sflag:$0x9], $0x40, s6, s17, $0xb8;
	[tilespmem:$0x1BBC0] =	vst v63  }
0x5d: {  	_ =	swait.ge [sflag:s31], $0x1400  }
0x5e: {  	[sflag:s31] =	ssyncset.done $0x0  }
0x5f: {  	s7 =	simm.s32 $0x230;
	[sflag:s31] =	ssyncadd.s32 $0xFFFFEC00  }
0x60: {  	[tilespmem:s21], [sflag:$0x3] =	stream.indirect.gather [hbm4b:s11+s17], $0x40, s7, s17, $0xb8;
	[tilespmem:$0x1BBC0] =	vst v63  }
0x61: {  	_ =	swait.ge [sflag:s1], $0x1400  }
0x62: {  	[sflag:s1] =	ssyncset.done $0x0  }
0x63: {  	s6 =	simm.s32 $0x4F60;
	[sflag:s1] =	ssyncadd.s32 $0xFFFFEC00  }
0x64: {  	[spmem:s2] =	stream.indirect.scatter.add.f32 [tilespmem:s26], [sflag:$0xA], $0x40, s6, s17, $0xb8;
	[tilespmem:$0x1BBC0] =	vst v63  }
0x65: {  	_ =	swait.ge [sflag:s20], $0x1400  }
0x66: {  	[sflag:s20] =	ssyncset.done $0x0  }
0x67: {  	s7 =	simm.s32 $0x280;
	[sflag:s20] =	ssyncadd.s32 $0xFFFFEC00  }
0x68: {  	[tilespmem:s23], [sflag:$0x4] =	stream.indirect.gather [hbm4b:s11+s17], $0x40, s7, s17, $0xb8;
	[tilespmem:$0x1BBC0] =	vst v63  }
0x69: {  	_ =	swait.ge [sflag:s24], $0x1400  }
0x6a: {  	[sflag:s24] =	ssyncset.done $0x0  }
0x6b: {  	s6 =	simm.s32 $0x4FB0;
	[sflag:s24] =	ssyncadd.s32 $0xFFFFEC00  }
0x6c: {  	[spmem:s2] =	stream.indirect.scatter.add.f32 [tilespmem:s18], [sflag:$0x6], $0x40, s6, s17, $0xb8;
	[tilespmem:$0x1BBC0] =	vst v63  }
0x6d: {  	_ =	swait.ge [sflag:s29], $0x1400  }
0x6e: {  	[sflag:s29] =	ssyncset.done $0x0  }
0x6f: {  	s7 =	simm.s32 $0x2D0;
	[sflag:s29] =	ssyncadd.s32 $0xFFFFEC00  }
0x70: {  	[tilespmem:s26], [sflag:$0x5] =	stream.indirect.gather [hbm4b:s11+s17], $0x40, s7, s17, $0xb8;
	[tilespmem:$0x1BBC0] =	vst v63  }
0x71: {  	_ =	swait.ge [sflag:s28], $0x1400  }
0x72: {  	[sflag:s28] =	ssyncset.done $0x0  }
0x73: {  	s6 =	simm.s32 $0x5000;
	[sflag:s28] =	ssyncadd.s32 $0xFFFFEC00  }
0x74: {  	[spmem:s2] =	stream.indirect.scatter.add.f32 [tilespmem:s19], [sflag:$0x7], $0x40, s6, s17, $0xb8;
	[tilespmem:$0x1BBC0] =	vst v63  }
0x75: {  	_ =	swait.ge [sflag:s30], $0x1400  }
0x76: {  	[sflag:s30] =	ssyncset.done $0x0  }
0x77: {  	s7 =	simm.s32 $0x320;
	[sflag:s30] =	ssyncadd.s32 $0xFFFFEC00  }
0x78: {  	[tilespmem:s18], [sflag:$0x1] =	stream.indirect.gather [hbm4b:s11+s17], $0x40, s7, s17, $0xb8;
	[tilespmem:$0x1BBC0] =	vst v63  }
0x79: {  	_ =	swait.ge [sflag:s0], $0x1400  }
0x7a: {  	[sflag:s0] =	ssyncset.done $0x0  }
0x7b: {  	s6 =	simm.s32 $0x5050;
	[sflag:s0] =	ssyncadd.s32 $0xFFFFEC00  }
0x7c: {  	[spmem:s2] =	stream.indirect.scatter.add.f32 [tilespmem:s21], [sflag:$0x8], $0x40, s6, s17, $0xb8;
	[tilespmem:$0x1BBC0] =	vst v63  }
0x7d: {  	_ =	swait.ge [sflag:s22], $0x1400  }
0x7e: {  	[sflag:s22] =	ssyncset.done $0x0  }
0x7f: {  	s7 =	simm.s32 $0x370;
	[sflag:s22] =	ssyncadd.s32 $0xFFFFEC00  }
0x80: {  	[tilespmem:s19], [sflag:$0x2] =	stream.indirect.gather [hbm4b:s11+s17], $0x40, s7, s17, $0xb8;
	[tilespmem:$0x1BBC0] =	vst v63  }
0x81: {  	_ =	swait.ge [sflag:s25], $0x1400  }
0x82: {  	[sflag:s25] =	ssyncset.done $0x0  }
0x83: {  	s6 =	simm.s32 $0x50A0;
	[sflag:s25] =	ssyncadd.s32 $0xFFFFEC00  }
0x84: {  	[spmem:s2] =	stream.indirect.scatter.add.f32 [tilespmem:s23], [sflag:$0x9], $0x40, s6, s17, $0xb8;
	[tilespmem:$0x1BBC0] =	vst v63  }
0x85: {  	_ =	swait.ge [sflag:s31], $0x1400  }
0x86: {  	[sflag:s31] =	ssyncset.done $0x0  }
0x87: {  	s7 =	simm.s32 $0x3C0;
	[sflag:s31] =	ssyncadd.s32 $0xFFFFEC00  }
0x88: {  	[tilespmem:s21], [sflag:$0x3] =	stream.indirect.gather [hbm4b:s11+s17], $0x40, s7, s17, $0xb8;
	[tilespmem:$0x1BBC0] =	vst v63  }
0x89: {  	_ =	swait.ge [sflag:s1], $0x1400  }
0x8a: {  	[sflag:s1] =	ssyncset.done $0x0  }
0x8b: {  	s5 =	simm.s32 $0x640;
	s6 =	simm.s32 $0x50F0;
	[sflag:s1] =	ssyncadd.s32 $0xFFFFEC00  }
.LBB2_4:
0x8c: {  	[spmem:s2] =	stream.indirect.scatter.add.f32 [tilespmem:s26], [sflag:$0xA], $0x40, s6, s17, $0xb8;
	[tilespmem:$0x1BBC0] =	vst v63  }
0x8d: {  	s6 =	smov.u32 s5;
	s5 =	sadd.s32 $0x640, s5;
	_ =	swait.ge [sflag:s20], $0x1400  }
0x8e: {  	s6 =	sshra.s32 s6, $0x2;
	p0 =	sne.s32 s5, $0x12C00;
	[sflag:s20] =	ssyncset.done $0x0  }
0x8f: {  	s7 =	sadd.s32 $0x280, s6;
	[sflag:s20] =	ssyncadd.s32 $0xFFFFEC00  }
0x90: {  	[tilespmem:s23], [sflag:$0x4] =	stream.indirect.gather [hbm4b:s11+s17], $0x40, s7, s17, $0xb8;
	[tilespmem:$0x1BBC0] =	vst v63  }
0x91: {  	_ =	swait.ge [sflag:s24], $0x1400  }
0x92: {  	[sflag:s24] =	ssyncset.done $0x0  }
0x93: {  	s7 =	sadd.s32 $0x4FB0, s6;
	[sflag:s24] =	ssyncadd.s32 $0xFFFFEC00  }
0x94: {  	[spmem:s2] =	stream.indirect.scatter.add.f32 [tilespmem:s18], [sflag:$0x6], $0x40, s7, s17, $0xb8;
	[tilespmem:$0x1BBC0] =	vst v63  }
0x95: {  	_ =	swait.ge [sflag:s29], $0x1400  }
0x96: {  	[sflag:s29] =	ssyncset.done $0x0  }
0x97: {  	s7 =	sadd.s32 $0x2D0, s6;
	[sflag:s29] =	ssyncadd.s32 $0xFFFFEC00  }
0x98: {  	[tilespmem:s26], [sflag:$0x5] =	stream.indirect.gather [hbm4b:s11+s17], $0x40, s7, s17, $0xb8;
	[tilespmem:$0x1BBC0] =	vst v63  }
0x99: {  	_ =	swait.ge [sflag:s28], $0x1400  }
0x9a: {  	[sflag:s28] =	ssyncset.done $0x0  }
0x9b: {  	s7 =	sadd.s32 $0x5000, s6;
	[sflag:s28] =	ssyncadd.s32 $0xFFFFEC00  }
0x9c: {  	[spmem:s2] =	stream.indirect.scatter.add.f32 [tilespmem:s19], [sflag:$0x7], $0x40, s7, s17, $0xb8;
	[tilespmem:$0x1BBC0] =	vst v63  }
0x9d: {  	_ =	swait.ge [sflag:s30], $0x1400  }
0x9e: {  	[sflag:s30] =	ssyncset.done $0x0  }
0x9f: {  	s7 =	sadd.s32 $0x320, s6;
	[sflag:s30] =	ssyncadd.s32 $0xFFFFEC00  }
0xa0: {  	[tilespmem:s18], [sflag:$0x1] =	stream.indirect.gather [hbm4b:s11+s17], $0x40, s7, s17, $0xb8;
	[tilespmem:$0x1BBC0] =	vst v63  }
0xa1: {  	_ =	swait.ge [sflag:s0], $0x1400  }
0xa2: {  	[sflag:s0] =	ssyncset.done $0x0  }
0xa3: {  	s7 =	sadd.s32 $0x5050, s6;
	[sflag:s0] =	ssyncadd.s32 $0xFFFFEC00  }
0xa4: {  	[spmem:s2] =	stream.indirect.scatter.add.f32 [tilespmem:s21], [sflag:$0x8], $0x40, s7, s17, $0xb8;
	[tilespmem:$0x1BBC0] =	vst v63  }
0xa5: {  	_ =	swait.ge [sflag:s22], $0x1400  }
0xa6: {  	[sflag:s22] =	ssyncset.done $0x0  }
0xa7: {  	s7 =	sadd.s32 $0x370, s6;
	[sflag:s22] =	ssyncadd.s32 $0xFFFFEC00  }
0xa8: {  	[tilespmem:s19], [sflag:$0x2] =	stream.indirect.gather [hbm4b:s11+s17], $0x40, s7, s17, $0xb8;
	[tilespmem:$0x1BBC0] =	vst v63  }
0xa9: {  	_ =	swait.ge [sflag:s25], $0x1400  }
0xaa: {  	[sflag:s25] =	ssyncset.done $0x0  }
0xab: {  	s7 =	sadd.s32 $0x50A0, s6;
	[sflag:s25] =	ssyncadd.s32 $0xFFFFEC00  }
0xac: {  	[spmem:s2] =	stream.indirect.scatter.add.f32 [tilespmem:s23], [sflag:$0x9], $0x40, s7, s17, $0xb8;
	[tilespmem:$0x1BBC0] =	vst v63  }
0xad: {  	_ =	swait.ge [sflag:s31], $0x1400  }
0xae: {  	[sflag:s31] =	ssyncset.done $0x0  }
.Ltmp1:
0xaf: {  	s7 =	sadd.s32 $0x3C0, s6;
	[sflag:s31] =	ssyncadd.s32 $0xFFFFEC00;
	(pc) =	sbr.rel @p0 .LBB2_4-.Ltmp1, $4  }
0xb0: {  	[tilespmem:s21], [sflag:$0x3] =	stream.indirect.gather [hbm4b:s11+s17], $0x40, s7, s17, $0xb8;
	[tilespmem:$0x1BBC0] =	vst v63  }
0xb1: {  	_ =	swait.ge [sflag:s1], $0x1400  }
0xb2: {  	[sflag:s1] =	ssyncset.done $0x0  }
0xb3: {  	s6 =	sadd.s32 $0x50F0, s6;
	[sflag:s1] =	ssyncadd.s32 $0xFFFFEC00  }
0xb4: {  	[spmem:s2] =	stream.indirect.scatter.add.f32 [tilespmem:s26], [sflag:$0xA], $0x40, s6, s17, $0xb8;
	[tilespmem:$0x1BBC0] =	vst v63  }
0xb5: {  	_ =	swait.ge [sflag:s20], $0x1400  }
0xb6: {  	s5 =	sshra.s32 s5, $0x2;
	[sflag:s20] =	ssyncset.done $0x0  }
0xb7: {  	s7 =	sadd.s32 $0x280, s5;
	[sflag:s20] =	ssyncadd.s32 $0xFFFFEC00  }
0xb8: {  	[tilespmem:s23], [sflag:$0x4] =	stream.indirect.gather [hbm4b:s11+s17], $0x40, s7, s17, $0xb8;
	[tilespmem:$0x1BBC0] =	vst v63  }
0xb9: {  	_ =	swait.ge [sflag:s24], $0x1400  }
0xba: {  	[sflag:s24] =	ssyncset.done $0x0  }
0xbb: {  	s7 =	sadd.s32 $0x4FB0, s5;
	[sflag:s24] =	ssyncadd.s32 $0xFFFFEC00  }
0xbc: {  	[spmem:s2] =	stream.indirect.scatter.add.f32 [tilespmem:s18], [sflag:$0x6], $0x40, s7, s17, $0xb8;
	[tilespmem:$0x1BBC0] =	vst v63  }
0xbd: {  	_ =	swait.ge [sflag:s29], $0x1400  }
0xbe: {  	[sflag:s29] =	ssyncset.done $0x0  }
0xbf: {  	s7 =	simm.s32 $0x4DD0;
	[sflag:s29] =	ssyncadd.s32 $0xFFFFEC00  }
0xc0: {  	[tilespmem:s26], [sflag:$0x5] =	stream.indirect.gather [hbm4b:s11+s17], $0x40, s7, s17, $0xb8;
	[tilespmem:$0x1BBC0] =	vst v63  }
0xc1: {  	_ =	swait.ge [sflag:s28], $0x1400  }
0xc2: {  	[sflag:s28] =	ssyncset.done $0x0  }
0xc3: {  	s7 =	sadd.s32 $0x5000, s5;
	[sflag:s28] =	ssyncadd.s32 $0xFFFFEC00  }
0xc4: {  	[spmem:s2] =	stream.indirect.scatter.add.f32 [tilespmem:s19], [sflag:$0x7], $0x40, s7, s17, $0xb8;
	[tilespmem:$0x1BBC0] =	vst v63  }
0xc5: {  	_ =	swait.ge [sflag:s30], $0x1400  }
0xc6: {  	[sflag:s30] =	ssyncset.done $0x0  }
0xc7: {  	[sflag:s30] =	ssyncadd.s32 $0xFFFFEC00  }
0xc8: {  	_ =	swait.ge [sflag:s0], $0x1400  }
0xc9: {  	[sflag:s0] =	ssyncset.done $0x0  }
0xca: {  	s7 =	sadd.s32 $0x5050, s5;
	[sflag:s0] =	ssyncadd.s32 $0xFFFFEC00  }
0xcb: {  	[spmem:s2] =	stream.indirect.scatter.add.f32 [tilespmem:s21], [sflag:$0x8], $0x40, s7, s17, $0xb8;
	[tilespmem:$0x1BBC0] =	vst v63  }
0xcc: {  	_ =	swait.ge [sflag:s22], $0x1400  }
0xcd: {  	[sflag:s22] =	ssyncset.done $0x0  }
0xce: {  	[sflag:s22] =	ssyncadd.s32 $0xFFFFEC00  }
0xcf: {  	_ =	swait.ge [sflag:s25], $0x1400  }
0xd0: {  	[sflag:s25] =	ssyncset.done $0x0  }
0xd1: {  	s5 =	sadd.s32 $0x50A0, s5;
	[sflag:s25] =	ssyncadd.s32 $0xFFFFEC00  }
0xd2: {  	[spmem:s2] =	stream.indirect.scatter.add.f32 [tilespmem:s23], [sflag:$0x9], $0x40, s5, s17, $0xb8;
	[tilespmem:$0x1BBC0] =	vst v63  }
0xd3: {  	_ =	swait.ge [sflag:s31], $0x1400  }
0xd4: {  	[sflag:s31] =	ssyncset.done $0x0  }
0xd5: {  	[sflag:s31] =	ssyncadd.s32 $0xFFFFEC00  }
0xd6: {  	_ =	swait.ge [sflag:s1], $0x1400  }
0xd7: {  	[sflag:s1] =	ssyncset.done $0x0  }
0xd8: {  	s7 =	simm.s32 $0x9BF0;
	[sflag:s1] =	ssyncadd.s32 $0xFFFFEC00  }
0xd9: {  	[spmem:s2] =	stream.indirect.scatter.add.f32 [tilespmem:s26], [sflag:$0xA], $0x40, s7, s17, $0xb8;
	[tilespmem:$0x1BBC0] =	vst v63  }
0xda: {  	_ =	swait.ge [sflag:s20], $0x1400  }
0xdb: {  	[sflag:s20] =	ssyncset.done $0x0  }
0xdc: {  	[sflag:s20] =	ssyncadd.s32 $0xFFFFEC00  }
0xdd: {  	s6 =	stileid.u32;
	_ =	swait.ge [sflag:s29], $0x1400  }
0xde: {  	s3 =	sadd.s32 $0x1, s3;
	s5 =	sshll.u32 s6, $0x6;
	[sflag:s29] =	ssyncset.done $0x0  }
0xdf: {  	p0 =	sne.s32 s3, s13;
	s5 =	sor.u32 $0x1C0B, s5;
	[sflag:s29] =	ssyncadd.s32 $0xFFFFEC00  }
.Ltmp2:
0xe0: {  	s7 =	sshrl.u32 s4, $0x3;
	[bflag:$0x0] =	sbarrier.arrive $0xFFFF;
	(pc) =	sbr.rel @p0 .LBB2_1-.Ltmp2, $4  }
0xe1: {  	[hbm:s12], [sflag:s5] =	dma.local [spmem:s7], $0x1388  }
0xe2: {  	_ =	swait.ge [sflag:s15], $0x1388  }
0xe3: {  	[sflag:s15] =	ssyncset.done $0x0  }
0xe4: {  	[sflag:s15] =	ssyncadd.s32 $0xFFFFEC78  }
0xe5: {  	_ =	sfence.sel $0x180000  }
0xe6: {  	[bflag:$0x0] =	sbarrier.arrive $0xFFFF  }
0xe7: {  	_ =	strace $0x9000004A  }
0xe8: {  	s0 =	stileid.u32;
	[bflag:$0x2] =	sbarrier.arrive $0xFFFF  }
0xe9: {  	p0 =	sne.s32 s0, $0x0;
	s0 =	rddreg [dreg:$0x3]  }
0xea: {  	s0 =	sadd.s32 @!p0 $0x100000, s0  }
0xeb: {  	[sflag:s0] =	ssyncadd.tile.s32 @!p0 $0x1;
	_ =	shalt  }
.Lfunc_end2:
_tile_overlayer_lowered:
.L_overlay_start_2:
0xec: {  	(tag) =	ssettag $0x2  }
0xed: {  	s0 =	rddreg [dreg:$0x0];
	s2 =	stileid.u32  }
0xee: {  	s1 =	rddreg [dreg:$0x1];
	p0 =	sne.s32 s2, $0x0  }
0xef: {  	s3 =	rddreg [dreg:$0x2];
	[bflag:$0x3] =	sbarrier.arrive $0xFFFF;
	s2 =	simm.s32 @!p0 $0x1C0B  }
0xf0: {  	[timem:s3], [sflag:s2] =	dma.local @!p0 [hbm:s0], s1  }
0xf1: {  	s0 =	simm.s32 @!p0 $0xB  }
0xf2: {  	_ =	swait.ge @!p0 [sflag:s0], s1  }
0xf3: {  	s1 =	ssub.s32 @!p0 $0x0, s1;
	[sflag:s0] =	ssyncset.done @!p0 $0x0  }
0xf4: {  	[sflag:s0] =	ssyncadd.s32 @!p0 s1  }
0xf5: {  	[bflag:$0x3] =	sbarrier.arrive $0xFFFF  }
0xf6: {  	_ =	shalt  }

// kernel: kernel.14.cloned.1.call-start
scs
__scs_entry_jumppad:
0x0: {  	(pc) =	sbr.rel $0x88, $3  }
0x1: {  	(tag) =	ssettag $0x0;
	lr =	simm.s32 $0x1  }
0x2: {  	[smem:$0x3F95] =	sst lr;
	_ =	strace $0xD0000000  }
0x3: {  	_ = 	snop  }
0x4: {  	_ = 	snop  }
0x5: {  	_ = 	snop  }
0x6: {  	_ = 	snop  }
0x7: {  	_ = 	snop  }
__scs_overlays_trampoline_lowered:
0x8: {  	[smem:$0x3FA4] =	sst s0  }
0x9: {  	[smem:$0x3FA5] =	sst s1  }
0xa: {  	[smem:$0x3FA6] =	sst s2  }
0xb: {  	[smem:$0x3FA7] =	sst s3  }
0xc: {  	[smem:$0x3FA8] =	sst s4  }
0xd: {  	[smem:$0x3FA9] =	sst s5  }
0xe: {  	[smem:$0x3FAA] =	sst s6  }
0xf: {  	[smem:$0x3FAB] =	sst s7  }
0x10: {  	[smem:$0x3FAC] =	sst s8  }
0x11: {  	[smem:$0x3FAD] =	sst s9;
	s0 =	simm.s32 @!p0 $0x0  }
0x12: {  	s1 =	sld [smem:$0x3F93];
	s0 =	simm.s32 @p0 $0x1  }
0x13: {  	[smem:$0x3FAE] =	sst s0;
	s0 =	simm.s32 @!p1 $0x0  }
0x14: {  	s2 =	sld [smem:$0x3F92];
	s0 =	simm.s32 @p1 $0x1  }
0x15: {  	[smem:$0x3FAF] =	sst s0;
	s0 =	simm.s32 @!p2 $0x0  }
0x16: {  	s3 =	sld [smem:$0x3FDB];
	s0 =	simm.s32 @p2 $0x1  }
0x17: {  	s4 =	simm.s32 $0x1BF5;
	[smem:$0x3FB1] =	sst s0  }
0x18: {  	s0 =	sld [smem:$0x3F94];
	_ =	swait.ge [sflag:s4], $0x0  }
0x19: {  	s7 =	sld [smem:$0x3F95]  }
0x1a: {  	s8 =	sadd.s32 $0xFFFFE003, lr  }
0x1b: {  	s9 =	sadd.s32 $0xFFFFFEF7, lr;
	s5 =	simm.s32 $0xFFFFFFFF;
	p2 =	slt.u32 s8, $0xFFFFF086  }
0x1c: {  	p1 =	slt.u32 s9, $0xF7A;
	s5 =	simm.s32 @!p2 $0x0  }
0x1d: {  	s5 =	simm.s32 @p1 $0x1;
	p0 =	seq.s32 s7, s2  }
0x1e: {  	s7 =	smul.u32 @!p0 $0xF7A, s2;
	p2 =	seq.s32 @!p0 s5, $0x0  }
0x1f: {  	s9 =	smul.u32 $0xF7A, s1;
	s8 =	simm.s32 @!p0 $0x1BF5;
	p2 =	por !p2, p0  }
0x20: {  	[sflag:s8] =	ssyncset.s32 @!p0 $0xFFFFF086;
	s6 =	sadd.s32 @!p0 s3, s7;
	s7 =	simm.s32 @!p0 $0x108  }
0x21: {  	s3 =	sadd.s32 s3, s9;
	s6 =	sadd.s32 @!p0 $0x88, s6;
	s7 =	simm.s32 @p2 $0x1082  }
0x22: {  	[simem:s7], [sflag:s8] =	dma.local @!p0 [hbm:s6], $0xF7A  }
0x23: {  	s9 =	sor.u32 $0xD0000000, s2;
	s6 =	simm.s32 $0x108;
	_ =	swait.ge @!p0 [sflag:s8], $0x0  }
0x24: {  	s3 =	sadd.s32 $0x88, s3;
	s6 =	simm.s32 @!p1 $0x1082;
	[sflag:s4] =	ssyncset.s32 $0xFFFFF086  }
0x25: {  	[simem:s6], [sflag:s4] =	dma.local [hbm:s3], $0xF7A  }
0x26: {  	[smem:$0x3F95] =	sst s1;
	(tag) =	ssettag s2;
	_ =	strace s9  }
0x27: {  	s1 =	sld [smem:$0x3FA5]  }
0x28: {  	s2 =	sld [smem:$0x3FA6]  }
0x29: {  	s4 =	sld [smem:$0x3FA8]  }
0x2a: {  	p0 =	seq.s32 s5, $0x0;
	s5 =	sld [smem:$0x3FA9]  }
0x2b: {  	s6 =	sld [smem:$0x3FAA]  }
0x2c: {  	s7 =	sld [smem:$0x3FAB]  }
0x2d: {  	s3 =	simm.s32 $0x108;
	s8 =	sld [smem:$0x3FAC]  }
0x2e: {  	s3 =	simm.s32 @!p0 $0x1082;
	s9 =	sld [smem:$0x3FAD]  }
0x2f: {  	lr =	sadd.s32 s0, s3;
	s0 =	sld [smem:$0x3FA4]  }
0x30: {  	s3 =	sld [smem:$0x3FA7]  }
0x31: {  	[smem:$0x3FB0] =	sst s10  }
0x32: {  	s10 =	sld [smem:$0x3FAE];
	_ =	sdelay $0x3  }
0x33: {  	p0 =	seq.s32 s10, $0x1;
	s10 =	sld [smem:$0x3FB0];
	_ =	sdelay $0x3  }
0x34: {  	[smem:$0x3FB0] =	sst s10  }
0x35: {  	s10 =	sld [smem:$0x3FAF];
	_ =	sdelay $0x3  }
0x36: {  	p1 =	seq.s32 s10, $0x1;
	s10 =	sld [smem:$0x3FB0];
	_ =	sdelay $0x3  }
0x37: {  	[smem:$0x3FB0] =	sst s10  }
0x38: {  	s10 =	sld [smem:$0x3FB1]  }
0x39: {  	_ = 	snop;
	(pc) =	sbr.ind lr, $3  }
0x3a: {  	_ = 	snop  }
0x3b: {  	_ = 	snop  }
0x3c: {  	p2 =	seq.s32 s10, $0x1;
	s10 =	sld [smem:$0x3FB0]  }
0x3d: {  	_ =	shalt  }
0x3e: {  	_ =	shalt  }
0x3f: {  	_ =	shalt  }
0x40: {  	_ =	shalt  }
0x41: {  	_ =	shalt  }
0x42: {  	_ =	shalt  }
0x43: {  	_ =	shalt  }
0x44: {  	_ =	shalt  }
0x45: {  	_ =	shalt  }
0x46: {  	_ =	shalt  }
0x47: {  	_ =	shalt  }
0x48: {  	_ =	shalt  }
0x49: {  	_ =	shalt  }
0x4a: {  	_ =	shalt  }
0x4b: {  	_ =	shalt  }
0x4c: {  	_ =	shalt  }
0x4d: {  	_ =	shalt  }
0x4e: {  	_ =	shalt  }
0x4f: {  	_ =	shalt  }
0x50: {  	_ =	shalt  }
0x51: {  	_ =	shalt  }
0x52: {  	_ =	shalt  }
0x53: {  	_ =	shalt  }
0x54: {  	_ =	shalt  }
0x55: {  	_ =	shalt  }
0x56: {  	_ =	shalt  }
0x57: {  	_ =	shalt  }
0x58: {  	_ =	shalt  }
0x59: {  	_ =	shalt  }
0x5a: {  	_ =	shalt  }
0x5b: {  	_ =	shalt  }
0x5c: {  	_ =	shalt  }
0x5d: {  	_ =	shalt  }
0x5e: {  	_ =	shalt  }
0x5f: {  	_ =	shalt  }
0x60: {  	_ =	shalt  }
0x61: {  	_ =	shalt  }
0x62: {  	_ =	shalt  }
0x63: {  	_ =	shalt  }
0x64: {  	_ =	shalt  }
0x65: {  	_ =	shalt  }
0x66: {  	_ =	shalt  }
0x67: {  	_ =	shalt  }
0x68: {  	_ =	shalt  }
0x69: {  	_ =	shalt  }
0x6a: {  	_ =	shalt  }
0x6b: {  	_ =	shalt  }
0x6c: {  	_ =	shalt  }
0x6d: {  	_ =	shalt  }
0x6e: {  	_ =	shalt  }
0x6f: {  	_ =	shalt  }
0x70: {  	_ =	shalt  }
0x71: {  	_ =	shalt  }
0x72: {  	_ =	shalt  }
0x73: {  	_ =	shalt  }
0x74: {  	_ =	shalt  }
0x75: {  	_ =	shalt  }
0x76: {  	_ =	shalt  }
0x77: {  	_ =	shalt  }
0x78: {  	_ =	shalt  }
0x79: {  	_ =	shalt  }
0x7a: {  	_ =	shalt  }
0x7b: {  	_ =	shalt  }
0x7c: {  	_ =	shalt  }
0x7d: {  	_ =	shalt  }
0x7e: {  	_ =	shalt  }
0x7f: {  	_ =	shalt  }
0x80: {  	_ =	shalt  }
0x81: {  	_ =	shalt  }
0x82: {  	_ =	shalt  }
0x83: {  	_ =	shalt  }
0x84: {  	_ =	shalt  }
0x85: {  	_ =	shalt  }
0x86: {  	_ =	shalt  }
0x87: {  	_ =	shalt  }
.Lfunc_end0:
.L_simem_size_0:
called_computation.2_lowered:
.L_overlay_start_0:
0x88: {  	s2 =	sld [smem:$0x3FD9]  }
0x89: {  	s3 =	sld [smem:$0x3FFE];
	_ =	sdelay $0x1  }
0x8a: {  	s1 =	srdreg.scid  }
0x8b: {  	s0 =	sand.u32 $0x1, s1  }
0x8c: {  	s17 =	sshll.u32 s0, $0xA;
	s2 =	sadd.s32 s3, s2  }
0x8d: {  	s2 =	sadd.s32 s2, s17  }
0x8e: {  	[smem:$0x3FBC] =	sst s2  }
0x8f: {  	_ = 	snop  }
0x90: {  	s2 =	sld [smem:$0x3FD0];
	(tm) =	ssettm $0x1  }
0x91: {  	s18 =	sld [smem:$0x3FFB];
	_ =	sdelay $0x3  }
0x92: {  	_ =	strace s18  }
0x93: {  	s3 =	sld [smem:$0x3FFC];
	_ =	sdelay $0x3  }
0x94: {  	_ =	strace s3  }
0x95: {  	s3 =	sld [smem:$0x3FFD];
	_ =	sdelay $0x3  }
0x96: {  	_ =	strace s3  }
0x97: {  	_ =	strace $0x8FFFFFFF  }
0x98: {  	s19 =	sld [smem:$0x3FDB];
	_ =	sdelay $0x1  }
0x99: {  	s4 =	simm.s32 $_scs_section_size  }
0x9a: {  	s5 =	simm.s32 $_size__tile_overlayer_lowered;
	s6 =	simm.s32 $_tile_overlayer_lowered  }
0x9b: {  	s22 =	simm.s32 $0x1BFF;
	s21 =	sshll.u32 s6, $0x1;
	s3 =	sadd.s32 s4, s19  }
0x9c: {  	s7 =	simm.s32 $0x0;
	s20 =	sshll.u32 s5, $0x1;
	s5 =	sadd.s32 s21, s3  }
0x9d: {  	[timem:s7], [sflag:s22] =	dma.local [hbm:s5], s20  }
0x9e: {  	_ =	swait.ge [sflag:s22], s20  }
0x9f: {  	s4 =	ssub.s32 $0x0, s20;
	[sflag:s22] =	ssyncset.done $0x0  }
0xa0: {  	[sflag:s22] =	ssyncadd.s32 s4;
	_ =	sdelay $0x1  }
0xa1: {  	s23 =	simm.s32 $0x1B8B  }
0xa2: {  	_ =	swait.ge [sflag:s23], $0x1  }
0xa3: {  	[sflag:s23] =	ssyncset.done $0x0  }
0xa4: {  	s25 =	simm.s32 $0x1B8E;
	s24 =	sld [smem:$0x3FFE];
	[sflag:s23] =	ssyncadd.s32 $0xFFFFFFFF  }
0xa5: {  	s26 =	simm.s32 $execute0_lowered;
	[smem:$0x3FD2] =	sst s25  }
0xa6: {  	s5 =	sshll.u32 s26, $0x1;
	_ =	strace $0x8000004C;
	[dreg:$0x1] =	wrdreg $0xFFFFFFFF  }
0xa7: {  	s28 =	simm.s32 $_size_execute0_lowered;
	s3 =	sadd.s32 s3, s5;
	[dreg:$0x0] =	wrdreg $0x0  }
0xa8: {  	s5 =	sshll.u32 s28, $0x1;
	[dreg:$0x2] =	wrdreg s3  }
0xa9: {  	[dreg:$0x3] =	wrdreg s5  }
0xaa: {  	[dreg:$0x4] =	wrdreg $0xC0  }
0xab: {  	_ =	task [dreg:s7], $0x5FFFF  }
0xac: {  	[dreg:$0x1] =	wrdreg $0xFFFFFFFF  }
0xad: {  	[dreg:$0x0] =	wrdreg $0x60  }
0xae: {  	[dreg:$0x2] =	wrdreg s2  }
0xaf: {  	[dreg:$0x3] =	wrdreg s24  }
0xb0: {  	[dreg:$0x4] =	wrdreg $0xDDE00  }
0xb1: {  	[dreg:$0x5] =	wrdreg $0x9  }
0xb2: {  	_ =	task.clear_ibuf [dreg:s7], $0x6FFFF;
	_ =	strace $0x9000004C  }
0xb3: {  	s29 =	simm.s32 $0x9;
	_ =	strace $0x8000004E  }
0xb4: {  	_ =	swait.ge [sflag:s29], $0x1  }
0xb5: {  	[sflag:s29] =	ssyncadd.s32 $0xFFFFFFFF  }
0xb6: {  	_ =	strace $0x9000004E  }
0xb7: {  	_ =	sfence  }
0xb8: {  	s30 =	sld [smem:$0x0];
	_ =	sdelay $0x2  }
0xb9: {  	s31 =	sshll.u32 s1, $0xD;
	s1 =	sshrl.u32 s1, $0x2  }
0xba: {  	s3 =	sand.u32 $0x4000, s31;
	s1 =	sadd.s32 s1, s30  }
0xbb: {  	s0 =	sor.u32 s3, s0;
	s1 =	sshll.u32 s1, $0x11  }
0xbc: {  	s0 =	sor.u32 s1, s0  }
0xbd: {  	s0 =	sadd.s32 $0x8F2B, s0  }
0xbe: {  	[sflag:s0] =	ssyncadd.remote.s32 $0x1  }
0xbf: {  	_ =	sfence.sel $0xFFFF  }
0xc0: {  	[dreg:$0x0] =	wrdreg $0xFFFFFFFF;
	(pc) =	sbr.abs _section_cstart, $3  }
0xc1: {  	[dreg:$0x1] =	wrdreg $0xFFFFFFFF  }
0xc2: {  	_ =	task.clear_ibuf [dreg:s7], $0x2FFFF;
	_ =	strace $0x9FFFFFFF  }
0xc3: {  	(tm) =	ssettm $0x7FFFFFFF  }
tec
execute0_lowered:
.L_overlay_start_1:
0x0: {  	(tag) =	ssettag $0x1  }
0x1: {  	s0 =	rddreg [dreg:$0x0]  }
0x2: {  	s1 =	rddreg [dreg:$0x1];
	s9 =	stileid.u32  }
0x3: {  	s3 =	srdreg.scid;
	s2 =	rddreg [dreg:$0x2]  }
0x4: {  	s14 =	simm.s32 $0x9C40;
	s15 =	simm.s32 $0xB;
	s16 =	simm.s32 $0x4E20  }
0x5: {  	s17 =	simm.s32 $0x50;
	s28 =	simm.s32 $0x2;
	s5 =	smul.u32 $0x9C40, s9  }
0x6: {  	s30 =	simm.s32 $0x6;
	s31 =	simm.s32 $0x8;
	s7 =	smul.u32 $0x9C4, s9  }
0x7: {  	s4 =	sand.u32 $0x1, s3;
	s3 =	simm.s32 $0x0;
	s9 =	smul.u32 $0x13880, s9  }
0x8: {  	s29 =	simm.s32 $0xA;
	s6 =	smul.u32 $0x9C400, s4;
	[smem:$0x7FF] =	sst s3  }
0x9: {  	s4 =	ssub.s32 $0x2, s4;
	_ =	strace $0x8000004D;
	s10 =	sadd.s32 s7, s1  }
0xa: {  	s19 =	sshrl.u32 s4, $0x1;
	s20 =	sshrl.u32 s9, $0x2;
	s21 =	sshrl.u32 s5, $0x1  }
0xb: {  	s8 =	sadd.s32 s5, s6;
	s13 =	ssub.s32 s4, s19;
	s22 =	sadd.s32 s20, s2  }
0xc: {  	s4 =	sadd.s32 s21, s2;
	s26 =	sshrl.u32 s6, $0x4;
	s9 =	sadd.s32 $0x2400, s10  }
0xd: {  	s10 =	sadd.s32 $0xC200, s10;
	s19 =	simm.s32 $0xB5E0;
	s21 =	simm.s32 $0xBFE0  }
0xe: {  	s20 =	simm.s32 $0x7;
	s18 =	sshrl.u32 s8, $0x4;
	s23 =	sadd.s32 $0xFA0, s22  }
0xf: {  	s24 =	sadd.s32 $0x1F40, s22;
	s25 =	sadd.s32 $0x2EE0, s22;
	s8 =	sadd.s32 $0x3E80, s22  }
0x10: {  	s11 =	sadd.s32 s0, s26;
	s13 =	smax.u32 s13, $0x1;
	[dreg:$0x4] =	wrdreg s23  }
0x11: {  	s26 =	simm.s32 $0xD3E0;
	s22 =	simm.s32 $0x5;
	[dreg:$0x5] =	wrdreg s24  }
0x12: {  	s0 =	simm.s32 $0x9;
	s1 =	sadd.s32 s18, s1;
	[dreg:$0x6] =	wrdreg s25  }
0x13: {  	s18 =	simm.s32 $0xABE0;
	s23 =	simm.s32 $0xC9E0;
	s24 =	simm.s32 $0x1  }
0x14: {  	v0 =	vimm.bf16 $0.0e+00;
	s25 =	simm.s32 $0x4;
	s12 =	sadd.s32 $0x16000, s1;
	s1 =	simm.s32 $0x3  }
.LBB2_1:
0x15: {  	s5 =	simm.s32 $0x80;
	s6 =	simm.s32 $0x0  }
.LBB2_2:
0x16: {  	p0 =	sne.s32 s5, $0x3E00;
	[tilespmem:s6+$0x9C40] =	vst v0;
	s7 =	smov.u32 s5;
	s5 =	sadd.s32 $0x80, s5  }
.Ltmp0:
0x17: {  	[tilespmem:s6+$0x9C50] =	vst v0;
	(pc) =	sbr.rel @p0 .LBB2_2-.Ltmp0, $2  }
0x18: {  	_ =	sdelay $0x2  }
0x19: {  	s6 =	sshra.s32 s7, $0x2  }
0x1a: {  	[tilespmem:s6+$0x9C40] =	vst v0  }
0x1b: {  	[tilespmem:s6+$0x9C50] =	vst v0  }
0x1c: {  	[spmem:s4] =	stream.linear.scatter [tilespmem:s14], [sflag:$0xB], $0xFA0, $0x38;
	[tilespmem:$0x12C00] =	vst v63  }
0x1d: {  	_ =	swait.ge [sflag:s15], $0xFA0  }
0x1e: {  	[sflag:s15] =	ssyncset.done $0x0  }
0x1f: {  	s5 =	rddreg [dreg:$0x4];
	[sflag:s15] =	ssyncadd.s32 $0xFFFFF060  }
0x20: {  	[spmem:s5] =	stream.linear.scatter [tilespmem:s14], [sflag:$0xB], $0xFA0, $0x38;
	[tilespmem:$0x12C00] =	vst v63  }
0x21: {  	_ =	swait.ge [sflag:s15], $0xFA0  }
0x22: {  	[sflag:s15] =	ssyncset.done $0x0  }
0x23: {  	s6 =	rddreg [dreg:$0x5];
	[sflag:s15] =	ssyncadd.s32 $0xFFFFF060  }
0x24: {  	[spmem:s6] =	stream.linear.scatter [tilespmem:s14], [sflag:$0xB], $0xFA0, $0x38;
	[tilespmem:$0x12C00] =	vst v63  }
0x25: {  	_ =	swait.ge [sflag:s15], $0xFA0  }
0x26: {  	[sflag:s15] =	ssyncset.done $0x0  }
0x27: {  	s7 =	rddreg [dreg:$0x6];
	[sflag:s15] =	ssyncadd.s32 $0xFFFFF060  }
0x28: {  	[spmem:s7] =	stream.linear.scatter [tilespmem:s14], [sflag:$0xB], $0xFA0, $0x38;
	[tilespmem:$0x12C00] =	vst v63  }
0x29: {  	_ =	swait.ge [sflag:s15], $0xFA0  }
0x2a: {  	[sflag:s15] =	ssyncset.done $0x0  }
0x2b: {  	[sflag:s15] =	ssyncadd.s32 $0xFFFFF060  }
0x2c: {  	[spmem:s8] =	stream.linear.scatter [tilespmem:s14], [sflag:$0xB], $0xFA0, $0x38;
	[tilespmem:$0x12C00] =	vst v63  }
0x2d: {  	_ =	swait.ge [sflag:s15], $0xFA0  }
0x2e: {  	[sflag:s15] =	ssyncset.done $0x0  }
0x2f: {  	s6 =	simm.s32 $0x0;
	[sflag:s15] =	ssyncadd.s32 $0xFFFFF060  }
0x30: {  	[tilespmem:s6], [sflag:$0xB] =	stream.linear.gather [hbm4b:s9+s6], $0x4E20, $0x38;
	[tilespmem:$0x12C00] =	vst v63  }
0x31: {  	_ =	swait.ge [sflag:s15], $0x4E20  }
0x32: {  	[sflag:s15] =	ssyncset.done $0x0  }
0x33: {  	[sflag:s15] =	ssyncadd.s32 $0xFFFFB1E0  }
0x34: {  	[tilespmem:s16], [sflag:$0xB] =	stream.linear.gather [hbm4b:s10+s6], $0x4E20, $0x38;
	[tilespmem:$0x12C00] =	vst v63  }
0x35: {  	_ =	swait.ge [sflag:s15], $0x4E20  }
0x36: {  	[sflag:s15] =	ssyncset.done $0x0  }
0x37: {  	[sflag:s15] =	ssyncadd.s32 $0xFFFFB1E0  }
0x38: {  	[bflag:$0x0] =	sbarrier.arrive $0xFFFF  }
0x39: {  	[tilespmem:s18], [sflag:$0x1] =	stream.indirect.gather [hbm4b:s11+s17], $0x20, s6, s17, $0xb8;
	[tilespmem:$0x12C00] =	vst v63  }
0x3a: {  	_ = 	snop  }
0x3b: {  	[tilespmem:s19], [sflag:$0x2] =	stream.indirect.gather [hbm4b:s11+s17], $0x20, s17, s17, $0xb8;
	[tilespmem:$0x12C00] =	vst v63  }
0x3c: {  	s7 =	simm.s32 $0xA0  }
0x3d: {  	[tilespmem:s21], [sflag:$0x3] =	stream.indirect.gather [hbm4b:s11+s17], $0x20, s7, s17, $0xb8;
	[tilespmem:$0x12C00] =	vst v63  }
0x3e: {  	s6 =	simm.s32 $0xF0  }
0x3f: {  	[tilespmem:s23], [sflag:$0x4] =	stream.indirect.gather [hbm4b:s11+s17], $0x20, s6, s17, $0xb8;
	[tilespmem:$0x12C00] =	vst v63  }
0x40: {  	_ =	swait.ge [sflag:s24], $0xA00  }
0x41: {  	[sflag:s24] =	ssyncset.done $0x0  }
0x42: {  	[sflag:s24] =	ssyncadd.s32 $0xFFFFF600  }
0x43: {  	[spmem:s2] =	stream.indirect.scatter.add.bf16 [tilespmem:s18], [sflag:$0x6], $0x20, s16, s17, $0xb8;
	[tilespmem:$0x12C00] =	vst v63  }
0x44: {  	s7 =	simm.s32 $0x140  }
0x45: {  	[tilespmem:s26], [sflag:$0x5] =	stream.indirect.gather [hbm4b:s11+s17], $0x20, s7, s17, $0xb8;
	[tilespmem:$0x12C00] =	vst v63  }
0x46: {  	_ =	swait.ge [sflag:s28], $0xA00  }
0x47: {  	[sflag:s28] =	ssyncset.done $0x0  }
0x48: {  	s6 =	simm.s32 $0x4E70;
	[sflag:s28] =	ssyncadd.s32 $0xFFFFF600  }
0x49: {  	[spmem:s2] =	stream.indirect.scatter.add.bf16 [tilespmem:s19], [sflag:$0x7], $0x20, s6, s17, $0xb8;
	[tilespmem:$0x12C00] =	vst v63  }
0x4a: {  	_ =	swait.ge [sflag:s30], $0xA00  }
0x4b: {  	[sflag:s30] =	ssyncset.done $0x0  }
0x4c: {  	s7 =	simm.s32 $0x190;
	[sflag:s30] =	ssyncadd.s32 $0xFFFFF600  }
0x4d: {  	[tilespmem:s18], [sflag:$0x1] =	stream.indirect.gather [hbm4b:s11+s17], $0x20, s7, s17, $0xb8;
	[tilespmem:$0x12C00] =	vst v63  }
0x4e: {  	_ =	swait.ge [sflag:s1], $0xA00  }
0x4f: {  	[sflag:s1] =	ssyncset.done $0x0  }
0x50: {  	s6 =	simm.s32 $0x4EC0;
	[sflag:s1] =	ssyncadd.s32 $0xFFFFF600  }
0x51: {  	[spmem:s2] =	stream.indirect.scatter.add.bf16 [tilespmem:s21], [sflag:$0x8], $0x20, s6, s17, $0xb8;
	[tilespmem:$0x12C00] =	vst v63  }
0x52: {  	_ =	swait.ge [sflag:s20], $0xA00  }
0x53: {  	[sflag:s20] =	ssyncset.done $0x0  }
0x54: {  	s7 =	simm.s32 $0x1E0;
	[sflag:s20] =	ssyncadd.s32 $0xFFFFF600  }
0x55: {  	[tilespmem:s19], [sflag:$0x2] =	stream.indirect.gather [hbm4b:s11+s17], $0x20, s7, s17, $0xb8;
	[tilespmem:$0x12C00] =	vst v63  }
0x56: {  	_ =	swait.ge [sflag:s25], $0xA00  }
0x57: {  	[sflag:s25] =	ssyncset.done $0x0  }
0x58: {  	s6 =	simm.s32 $0x4F10;
	[sflag:s25] =	ssyncadd.s32 $0xFFFFF600  }
0x59: {  	[spmem:s2] =	stream.indirect.scatter.add.bf16 [tilespmem:s23], [sflag:$0x9], $0x20, s6, s17, $0xb8;
	[tilespmem:$0x12C00] =	vst v63  }
0x5a: {  	_ =	swait.ge [sflag:s31], $0xA00  }
0x5b: {  	[sflag:s31] =	ssyncset.done $0x0  }
0x5c: {  	s7 =	simm.s32 $0x230;
	[sflag:s31] =	ssyncadd.s32 $0xFFFFF600  }
0x5d: {  	[tilespmem:s21], [sflag:$0x3] =	stream.indirect.gather [hbm4b:s11+s17], $0x20, s7, s17, $0xb8;
	[tilespmem:$0x12C00] =	vst v63  }
0x5e: {  	_ =	swait.ge [sflag:s22], $0xA00  }
0x5f: {  	[sflag:s22] =	ssyncset.done $0x0  }
0x60: {  	s6 =	simm.s32 $0x4F60;
	[sflag:s22] =	ssyncadd.s32 $0xFFFFF600  }
0x61: {  	[spmem:s2] =	stream.indirect.scatter.add.bf16 [tilespmem:s26], [sflag:$0xA], $0x20, s6, s17, $0xb8;
	[tilespmem:$0x12C00] =	vst v63  }
0x62: {  	_ =	swait.ge [sflag:s0], $0xA00  }
0x63: {  	[sflag:s0] =	ssyncset.done $0x0  }
0x64: {  	s7 =	simm.s32 $0x280;
	[sflag:s0] =	ssyncadd.s32 $0xFFFFF600  }
0x65: {  	[tilespmem:s23], [sflag:$0x4] =	stream.indirect.gather [hbm4b:s11+s17], $0x20, s7, s17, $0xb8;
	[tilespmem:$0x12C00] =	vst v63  }
0x66: {  	_ =	swait.ge [sflag:s24], $0xA00  }
0x67: {  	[sflag:s24] =	ssyncset.done $0x0  }
0x68: {  	s6 =	simm.s32 $0x4FB0;
	[sflag:s24] =	ssyncadd.s32 $0xFFFFF600  }
0x69: {  	[spmem:s2] =	stream.indirect.scatter.add.bf16 [tilespmem:s18], [sflag:$0x6], $0x20, s6, s17, $0xb8;
	[tilespmem:$0x12C00] =	vst v63  }
0x6a: {  	_ =	swait.ge [sflag:s29], $0xA00  }
0x6b: {  	[sflag:s29] =	ssyncset.done $0x0  }
0x6c: {  	s7 =	simm.s32 $0x2D0;
	[sflag:s29] =	ssyncadd.s32 $0xFFFFF600  }
0x6d: {  	[tilespmem:s26], [sflag:$0x5] =	stream.indirect.gather [hbm4b:s11+s17], $0x20, s7, s17, $0xb8;
	[tilespmem:$0x12C00] =	vst v63  }
0x6e: {  	_ =	swait.ge [sflag:s28], $0xA00  }
0x6f: {  	[sflag:s28] =	ssyncset.done $0x0  }
0x70: {  	s6 =	simm.s32 $0x5000;
	[sflag:s28] =	ssyncadd.s32 $0xFFFFF600  }
0x71: {  	[spmem:s2] =	stream.indirect.scatter.add.bf16 [tilespmem:s19], [sflag:$0x7], $0x20, s6, s17, $0xb8;
	[tilespmem:$0x12C00] =	vst v63  }
0x72: {  	_ =	swait.ge [sflag:s30], $0xA00  }
0x73: {  	[sflag:s30] =	ssyncset.done $0x0  }
0x74: {  	s7 =	simm.s32 $0x320;
	[sflag:s30] =	ssyncadd.s32 $0xFFFFF600  }
0x75: {  	[tilespmem:s18], [sflag:$0x1] =	stream.indirect.gather [hbm4b:s11+s17], $0x20, s7, s17, $0xb8;
	[tilespmem:$0x12C00] =	vst v63  }
0x76: {  	_ =	swait.ge [sflag:s1], $0xA00  }
0x77: {  	[sflag:s1] =	ssyncset.done $0x0  }
0x78: {  	s6 =	simm.s32 $0x5050;
	[sflag:s1] =	ssyncadd.s32 $0xFFFFF600  }
0x79: {  	[spmem:s2] =	stream.indirect.scatter.add.bf16 [tilespmem:s21], [sflag:$0x8], $0x20, s6, s17, $0xb8;
	[tilespmem:$0x12C00] =	vst v63  }
0x7a: {  	_ =	swait.ge [sflag:s20], $0xA00  }
0x7b: {  	[sflag:s20] =	ssyncset.done $0x0  }
0x7c: {  	s7 =	simm.s32 $0x370;
	[sflag:s20] =	ssyncadd.s32 $0xFFFFF600  }
0x7d: {  	[tilespmem:s19], [sflag:$0x2] =	stream.indirect.gather [hbm4b:s11+s17], $0x20, s7, s17, $0xb8;
	[tilespmem:$0x12C00] =	vst v63  }
0x7e: {  	_ =	swait.ge [sflag:s25], $0xA00  }
0x7f: {  	[sflag:s25] =	ssyncset.done $0x0  }
0x80: {  	s6 =	simm.s32 $0x50A0;
	[sflag:s25] =	ssyncadd.s32 $0xFFFFF600  }
0x81: {  	[spmem:s2] =	stream.indirect.scatter.add.bf16 [tilespmem:s23], [sflag:$0x9], $0x20, s6, s17, $0xb8;
	[tilespmem:$0x12C00] =	vst v63  }
0x82: {  	_ =	swait.ge [sflag:s31], $0xA00  }
0x83: {  	[sflag:s31] =	ssyncset.done $0x0  }
0x84: {  	s7 =	simm.s32 $0x3C0;
	[sflag:s31] =	ssyncadd.s32 $0xFFFFF600  }
0x85: {  	[tilespmem:s21], [sflag:$0x3] =	stream.indirect.gather [hbm4b:s11+s17], $0x20, s7, s17, $0xb8;
	[tilespmem:$0x12C00] =	vst v63  }
0x86: {  	_ =	swait.ge [sflag:s22], $0xA00  }
0x87: {  	[sflag:s22] =	ssyncset.done $0x0  }
0x88: {  	s5 =	simm.s32 $0x640;
	s6 =	simm.s32 $0x50F0;
	[sflag:s22] =	ssyncadd.s32 $0xFFFFF600  }
.LBB2_4:
0x89: {  	[spmem:s2] =	stream.indirect.scatter.add.bf16 [tilespmem:s26], [sflag:$0xA], $0x20, s6, s17, $0xb8;
	[tilespmem:$0x12C00] =	vst v63  }
0x8a: {  	s6 =	smov.u32 s5;
	s5 =	sadd.s32 $0x640, s5;
	_ =	swait.ge [sflag:s0], $0xA00  }
0x8b: {  	s6 =	sshra.s32 s6, $0x2;
	p0 =	sne.s32 s5, $0x12C00;
	[sflag:s0] =	ssyncset.done $0x0  }
0x8c: {  	s7 =	sadd.s32 $0x280, s6;
	[sflag:s0] =	ssyncadd.s32 $0xFFFFF600  }
0x8d: {  	[tilespmem:s23], [sflag:$0x4] =	stream.indirect.gather [hbm4b:s11+s17], $0x20, s7, s17, $0xb8;
	[tilespmem:$0x12C00] =	vst v63  }
0x8e: {  	_ =	swait.ge [sflag:s24], $0xA00  }
0x8f: {  	[sflag:s24] =	ssyncset.done $0x0  }
0x90: {  	s7 =	sadd.s32 $0x4FB0, s6;
	[sflag:s24] =	ssyncadd.s32 $0xFFFFF600  }
0x91: {  	[spmem:s2] =	stream.indirect.scatter.add.bf16 [tilespmem:s18], [sflag:$0x6], $0x20, s7, s17, $0xb8;
	[tilespmem:$0x12C00] =	vst v63  }
0x92: {  	_ =	swait.ge [sflag:s29], $0xA00  }
0x93: {  	[sflag:s29] =	ssyncset.done $0x0  }
0x94: {  	s7 =	sadd.s32 $0x2D0, s6;
	[sflag:s29] =	ssyncadd.s32 $0xFFFFF600  }
0x95: {  	[tilespmem:s26], [sflag:$0x5] =	stream.indirect.gather [hbm4b:s11+s17], $0x20, s7, s17, $0xb8;
	[tilespmem:$0x12C00] =	vst v63  }
0x96: {  	_ =	swait.ge [sflag:s28], $0xA00  }
0x97: {  	[sflag:s28] =	ssyncset.done $0x0  }
0x98: {  	s7 =	sadd.s32 $0x5000, s6;
	[sflag:s28] =	ssyncadd.s32 $0xFFFFF600  }
0x99: {  	[spmem:s2] =	stream.indirect.scatter.add.bf16 [tilespmem:s19], [sflag:$0x7], $0x20, s7, s17, $0xb8;
	[tilespmem:$0x12C00] =	vst v63  }
0x9a: {  	_ =	swait.ge [sflag:s30], $0xA00  }
0x9b: {  	[sflag:s30] =	ssyncset.done $0x0  }
0x9c: {  	s7 =	sadd.s32 $0x320, s6;
	[sflag:s30] =	ssyncadd.s32 $0xFFFFF600  }
0x9d: {  	[tilespmem:s18], [sflag:$0x1] =	stream.indirect.gather [hbm4b:s11+s17], $0x20, s7, s17, $0xb8;
	[tilespmem:$0x12C00] =	vst v63  }
0x9e: {  	_ =	swait.ge [sflag:s1], $0xA00  }
0x9f: {  	[sflag:s1] =	ssyncset.done $0x0  }
0xa0: {  	s7 =	sadd.s32 $0x5050, s6;
	[sflag:s1] =	ssyncadd.s32 $0xFFFFF600  }
0xa1: {  	[spmem:s2] =	stream.indirect.scatter.add.bf16 [tilespmem:s21], [sflag:$0x8], $0x20, s7, s17, $0xb8;
	[tilespmem:$0x12C00] =	vst v63  }
0xa2: {  	_ =	swait.ge [sflag:s20], $0xA00  }
0xa3: {  	[sflag:s20] =	ssyncset.done $0x0  }
0xa4: {  	s7 =	sadd.s32 $0x370, s6;
	[sflag:s20] =	ssyncadd.s32 $0xFFFFF600  }
0xa5: {  	[tilespmem:s19], [sflag:$0x2] =	stream.indirect.gather [hbm4b:s11+s17], $0x20, s7, s17, $0xb8;
	[tilespmem:$0x12C00] =	vst v63  }
0xa6: {  	_ =	swait.ge [sflag:s25], $0xA00  }
0xa7: {  	[sflag:s25] =	ssyncset.done $0x0  }
0xa8: {  	s7 =	sadd.s32 $0x50A0, s6;
	[sflag:s25] =	ssyncadd.s32 $0xFFFFF600  }
0xa9: {  	[spmem:s2] =	stream.indirect.scatter.add.bf16 [tilespmem:s23], [sflag:$0x9], $0x20, s7, s17, $0xb8;
	[tilespmem:$0x12C00] =	vst v63  }
0xaa: {  	_ =	swait.ge [sflag:s31], $0xA00  }
0xab: {  	[sflag:s31] =	ssyncset.done $0x0  }
.Ltmp1:
0xac: {  	s7 =	sadd.s32 $0x3C0, s6;
	[sflag:s31] =	ssyncadd.s32 $0xFFFFF600;
	(pc) =	sbr.rel @p0 .LBB2_4-.Ltmp1, $4  }
0xad: {  	[tilespmem:s21], [sflag:$0x3] =	stream.indirect.gather [hbm4b:s11+s17], $0x20, s7, s17, $0xb8;
	[tilespmem:$0x12C00] =	vst v63  }
0xae: {  	_ =	swait.ge [sflag:s22], $0xA00  }
0xaf: {  	[sflag:s22] =	ssyncset.done $0x0  }
0xb0: {  	s6 =	sadd.s32 $0x50F0, s6;
	[sflag:s22] =	ssyncadd.s32 $0xFFFFF600  }
0xb1: {  	[spmem:s2] =	stream.indirect.scatter.add.bf16 [tilespmem:s26], [sflag:$0xA], $0x20, s6, s17, $0xb8;
	[tilespmem:$0x12C00] =	vst v63  }
0xb2: {  	_ =	swait.ge [sflag:s0], $0xA00  }
0xb3: {  	s5 =	sshra.s32 s5, $0x2;
	[sflag:s0] =	ssyncset.done $0x0  }
0xb4: {  	s7 =	sadd.s32 $0x280, s5;
	[sflag:s0] =	ssyncadd.s32 $0xFFFFF600  }
0xb5: {  	[tilespmem:s23], [sflag:$0x4] =	stream.indirect.gather [hbm4b:s11+s17], $0x20, s7, s17, $0xb8;
	[tilespmem:$0x12C00] =	vst v63  }
0xb6: {  	_ =	swait.ge [sflag:s24], $0xA00  }
0xb7: {  	[sflag:s24] =	ssyncset.done $0x0  }
0xb8: {  	s7 =	sadd.s32 $0x4FB0, s5;
	[sflag:s24] =	ssyncadd.s32 $0xFFFFF600  }
0xb9: {  	[spmem:s2] =	stream.indirect.scatter.add.bf16 [tilespmem:s18], [sflag:$0x6], $0x20, s7, s17, $0xb8;
	[tilespmem:$0x12C00] =	vst v63  }
0xba: {  	_ =	swait.ge [sflag:s29], $0xA00  }
0xbb: {  	[sflag:s29] =	ssyncset.done $0x0  }
0xbc: {  	s7 =	simm.s32 $0x4DD0;
	[sflag:s29] =	ssyncadd.s32 $0xFFFFF600  }
0xbd: {  	[tilespmem:s26], [sflag:$0x5] =	stream.indirect.gather [hbm4b:s11+s17], $0x20, s7, s17, $0xb8;
	[tilespmem:$0x12C00] =	vst v63  }
0xbe: {  	_ =	swait.ge [sflag:s28], $0xA00  }
0xbf: {  	[sflag:s28] =	ssyncset.done $0x0  }
0xc0: {  	s7 =	sadd.s32 $0x5000, s5;
	[sflag:s28] =	ssyncadd.s32 $0xFFFFF600  }
0xc1: {  	[spmem:s2] =	stream.indirect.scatter.add.bf16 [tilespmem:s19], [sflag:$0x7], $0x20, s7, s17, $0xb8;
	[tilespmem:$0x12C00] =	vst v63  }
0xc2: {  	_ =	swait.ge [sflag:s30], $0xA00  }
0xc3: {  	[sflag:s30] =	ssyncset.done $0x0  }
0xc4: {  	[sflag:s30] =	ssyncadd.s32 $0xFFFFF600  }
0xc5: {  	_ =	swait.ge [sflag:s1], $0xA00  }
0xc6: {  	[sflag:s1] =	ssyncset.done $0x0  }
0xc7: {  	s7 =	sadd.s32 $0x5050, s5;
	[sflag:s1] =	ssyncadd.s32 $0xFFFFF600  }
0xc8: {  	[spmem:s2] =	stream.indirect.scatter.add.bf16 [tilespmem:s21], [sflag:$0x8], $0x20, s7, s17, $0xb8;
	[tilespmem:$0x12C00] =	vst v63  }
0xc9: {  	_ =	swait.ge [sflag:s20], $0xA00  }
0xca: {  	[sflag:s20] =	ssyncset.done $0x0  }
0xcb: {  	[sflag:s20] =	ssyncadd.s32 $0xFFFFF600  }
0xcc: {  	_ =	swait.ge [sflag:s25], $0xA00  }
0xcd: {  	[sflag:s25] =	ssyncset.done $0x0  }
0xce: {  	s5 =	sadd.s32 $0x50A0, s5;
	[sflag:s25] =	ssyncadd.s32 $0xFFFFF600  }
0xcf: {  	[spmem:s2] =	stream.indirect.scatter.add.bf16 [tilespmem:s23], [sflag:$0x9], $0x20, s5, s17, $0xb8;
	[tilespmem:$0x12C00] =	vst v63  }
0xd0: {  	_ =	swait.ge [sflag:s31], $0xA00  }
0xd1: {  	[sflag:s31] =	ssyncset.done $0x0  }
0xd2: {  	[sflag:s31] =	ssyncadd.s32 $0xFFFFF600  }
0xd3: {  	_ =	swait.ge [sflag:s22], $0xA00  }
0xd4: {  	[sflag:s22] =	ssyncset.done $0x0  }
0xd5: {  	s7 =	simm.s32 $0x9BF0;
	[sflag:s22] =	ssyncadd.s32 $0xFFFFF600  }
0xd6: {  	[spmem:s2] =	stream.indirect.scatter.add.bf16 [tilespmem:s26], [sflag:$0xA], $0x20, s7, s17, $0xb8;
	[tilespmem:$0x12C00] =	vst v63  }
0xd7: {  	_ =	swait.ge [sflag:s0], $0xA00  }
0xd8: {  	[sflag:s0] =	ssyncset.done $0x0  }
0xd9: {  	[sflag:s0] =	ssyncadd.s32 $0xFFFFF600  }
0xda: {  	s6 =	stileid.u32;
	_ =	swait.ge [sflag:s29], $0xA00  }
0xdb: {  	s3 =	sadd.s32 $0x1, s3;
	s5 =	sshll.u32 s6, $0x6;
	[sflag:s29] =	ssyncset.done $0x0  }
0xdc: {  	p0 =	sne.s32 s3, s13;
	s5 =	sor.u32 $0x1C0B, s5;
	[sflag:s29] =	ssyncadd.s32 $0xFFFFF600  }
.Ltmp2:
0xdd: {  	s7 =	sshrl.u32 s4, $0x3;
	[bflag:$0x0] =	sbarrier.arrive $0xFFFF;
	(pc) =	sbr.rel @p0 .LBB2_1-.Ltmp2, $4  }
0xde: {  	[hbm:s12], [sflag:s5] =	dma.local [spmem:s7], $0x9C4  }
0xdf: {  	_ =	swait.ge [sflag:s15], $0x9C4  }
0xe0: {  	[sflag:s15] =	ssyncset.done $0x0  }
0xe1: {  	[sflag:s15] =	ssyncadd.s32 $0xFFFFF63C  }
0xe2: {  	_ =	sfence.sel $0x180000  }
0xe3: {  	[bflag:$0x0] =	sbarrier.arrive $0xFFFF  }
0xe4: {  	_ =	strace $0x9000004D  }
0xe5: {  	s0 =	stileid.u32;
	[bflag:$0x2] =	sbarrier.arrive $0xFFFF  }
0xe6: {  	p0 =	sne.s32 s0, $0x0;
	s0 =	rddreg [dreg:$0x3]  }
0xe7: {  	s0 =	sadd.s32 @!p0 $0x100000, s0  }
0xe8: {  	[sflag:s0] =	ssyncadd.tile.s32 @!p0 $0x1;
	_ =	shalt  }
.Lfunc_end2:
_tile_overlayer_lowered:
.L_overlay_start_2:
0xe9: {  	(tag) =	ssettag $0x2  }
0xea: {  	s0 =	rddreg [dreg:$0x0];
	s2 =	stileid.u32  }
0xeb: {  	s1 =	rddreg [dreg:$0x1];
	p0 =	sne.s32 s2, $0x0  }
0xec: {  	s3 =	rddreg [dreg:$0x2];
	[bflag:$0x3] =	sbarrier.arrive $0xFFFF;
	s2 =	simm.s32 @!p0 $0x1C0B  }
0xed: {  	[timem:s3], [sflag:s2] =	dma.local @!p0 [hbm:s0], s1  }
0xee: {  	s0 =	simm.s32 @!p0 $0xB  }
0xef: {  	_ =	swait.ge @!p0 [sflag:s0], s1  }
0xf0: {  	s1 =	ssub.s32 @!p0 $0x0, s1;
	[sflag:s0] =	ssyncset.done @!p0 $0x0  }
0xf1: {  	[sflag:s0] =	ssyncadd.s32 @!p0 s1  }
0xf2: {  	[bflag:$0x3] =	sbarrier.arrive $0xFFFF  }
0xf3: {  	_ =	shalt  }

// kernel: kernel.8.cloned.1.call-start
scs
__scs_entry_jumppad:
0x0: {  	(pc) =	sbr.rel $0x88, $3  }
0x1: {  	(tag) =	ssettag $0x0;
	lr =	simm.s32 $0x1  }
0x2: {  	[smem:$0x3F95] =	sst lr;
	_ =	strace $0xD0000000  }
0x3: {  	_ = 	snop  }
0x4: {  	_ = 	snop  }
0x5: {  	_ = 	snop  }
0x6: {  	_ = 	snop  }
0x7: {  	_ = 	snop  }
__scs_overlays_trampoline_lowered:
0x8: {  	[smem:$0x3FA4] =	sst s0  }
0x9: {  	[smem:$0x3FA5] =	sst s1  }
0xa: {  	[smem:$0x3FA6] =	sst s2  }
0xb: {  	[smem:$0x3FA7] =	sst s3  }
0xc: {  	[smem:$0x3FA8] =	sst s4  }
0xd: {  	[smem:$0x3FA9] =	sst s5  }
0xe: {  	[smem:$0x3FAA] =	sst s6  }
0xf: {  	[smem:$0x3FAB] =	sst s7  }
0x10: {  	[smem:$0x3FAC] =	sst s8  }
0x11: {  	[smem:$0x3FAD] =	sst s9;
	s0 =	simm.s32 @!p0 $0x0  }
0x12: {  	s1 =	sld [smem:$0x3F93];
	s0 =	simm.s32 @p0 $0x1  }
0x13: {  	[smem:$0x3FAE] =	sst s0;
	s0 =	simm.s32 @!p1 $0x0  }
0x14: {  	s2 =	sld [smem:$0x3F92];
	s0 =	simm.s32 @p1 $0x1  }
0x15: {  	[smem:$0x3FAF] =	sst s0;
	s0 =	simm.s32 @!p2 $0x0  }
0x16: {  	s3 =	sld [smem:$0x3FDB];
	s0 =	simm.s32 @p2 $0x1  }
0x17: {  	s4 =	simm.s32 $0x1BF5;
	[smem:$0x3FB1] =	sst s0  }
0x18: {  	s0 =	sld [smem:$0x3F94];
	_ =	swait.ge [sflag:s4], $0x0  }
0x19: {  	s7 =	sld [smem:$0x3F95]  }
0x1a: {  	s8 =	sadd.s32 $0xFFFFE003, lr  }
0x1b: {  	s9 =	sadd.s32 $0xFFFFFEF7, lr;
	s5 =	simm.s32 $0xFFFFFFFF;
	p2 =	slt.u32 s8, $0xFFFFF086  }
0x1c: {  	p1 =	slt.u32 s9, $0xF7A;
	s5 =	simm.s32 @!p2 $0x0  }
0x1d: {  	s5 =	simm.s32 @p1 $0x1;
	p0 =	seq.s32 s7, s2  }
0x1e: {  	s7 =	smul.u32 @!p0 $0xF7A, s2;
	p2 =	seq.s32 @!p0 s5, $0x0  }
0x1f: {  	s9 =	smul.u32 $0xF7A, s1;
	s8 =	simm.s32 @!p0 $0x1BF5;
	p2 =	por !p2, p0  }
0x20: {  	[sflag:s8] =	ssyncset.s32 @!p0 $0xFFFFF086;
	s6 =	sadd.s32 @!p0 s3, s7;
	s7 =	simm.s32 @!p0 $0x108  }
0x21: {  	s3 =	sadd.s32 s3, s9;
	s6 =	sadd.s32 @!p0 $0x88, s6;
	s7 =	simm.s32 @p2 $0x1082  }
0x22: {  	[simem:s7], [sflag:s8] =	dma.local @!p0 [hbm:s6], $0xF7A  }
0x23: {  	s9 =	sor.u32 $0xD0000000, s2;
	s6 =	simm.s32 $0x108;
	_ =	swait.ge @!p0 [sflag:s8], $0x0  }
0x24: {  	s3 =	sadd.s32 $0x88, s3;
	s6 =	simm.s32 @!p1 $0x1082;
	[sflag:s4] =	ssyncset.s32 $0xFFFFF086  }
0x25: {  	[simem:s6], [sflag:s4] =	dma.local [hbm:s3], $0xF7A  }
0x26: {  	[smem:$0x3F95] =	sst s1;
	(tag) =	ssettag s2;
	_ =	strace s9  }
0x27: {  	s1 =	sld [smem:$0x3FA5]  }
0x28: {  	s2 =	sld [smem:$0x3FA6]  }
0x29: {  	s4 =	sld [smem:$0x3FA8]  }
0x2a: {  	p0 =	seq.s32 s5, $0x0;
	s5 =	sld [smem:$0x3FA9]  }
0x2b: {  	s6 =	sld [smem:$0x3FAA]  }
0x2c: {  	s7 =	sld [smem:$0x3FAB]  }
0x2d: {  	s3 =	simm.s32 $0x108;
	s8 =	sld [smem:$0x3FAC]  }
0x2e: {  	s3 =	simm.s32 @!p0 $0x1082;
	s9 =	sld [smem:$0x3FAD]  }
0x2f: {  	lr =	sadd.s32 s0, s3;
	s0 =	sld [smem:$0x3FA4]  }
0x30: {  	s3 =	sld [smem:$0x3FA7]  }
0x31: {  	[smem:$0x3FB0] =	sst s10  }
0x32: {  	s10 =	sld [smem:$0x3FAE];
	_ =	sdelay $0x3  }
0x33: {  	p0 =	seq.s32 s10, $0x1;
	s10 =	sld [smem:$0x3FB0];
	_ =	sdelay $0x3  }
0x34: {  	[smem:$0x3FB0] =	sst s10  }
0x35: {  	s10 =	sld [smem:$0x3FAF];
	_ =	sdelay $0x3  }
0x36: {  	p1 =	seq.s32 s10, $0x1;
	s10 =	sld [smem:$0x3FB0];
	_ =	sdelay $0x3  }
0x37: {  	[smem:$0x3FB0] =	sst s10  }
0x38: {  	s10 =	sld [smem:$0x3FB1]  }
0x39: {  	_ = 	snop;
	(pc) =	sbr.ind lr, $3  }
0x3a: {  	_ = 	snop  }
0x3b: {  	_ = 	snop  }
0x3c: {  	p2 =	seq.s32 s10, $0x1;
	s10 =	sld [smem:$0x3FB0]  }
0x3d: {  	_ =	shalt  }
0x3e: {  	_ =	shalt  }
0x3f: {  	_ =	shalt  }
0x40: {  	_ =	shalt  }
0x41: {  	_ =	shalt  }
0x42: {  	_ =	shalt  }
0x43: {  	_ =	shalt  }
0x44: {  	_ =	shalt  }
0x45: {  	_ =	shalt  }
0x46: {  	_ =	shalt  }
0x47: {  	_ =	shalt  }
0x48: {  	_ =	shalt  }
0x49: {  	_ =	shalt  }
0x4a: {  	_ =	shalt  }
0x4b: {  	_ =	shalt  }
0x4c: {  	_ =	shalt  }
0x4d: {  	_ =	shalt  }
0x4e: {  	_ =	shalt  }
0x4f: {  	_ =	shalt  }
0x50: {  	_ =	shalt  }
0x51: {  	_ =	shalt  }
0x52: {  	_ =	shalt  }
0x53: {  	_ =	shalt  }
0x54: {  	_ =	shalt  }
0x55: {  	_ =	shalt  }
0x56: {  	_ =	shalt  }
0x57: {  	_ =	shalt  }
0x58: {  	_ =	shalt  }
0x59: {  	_ =	shalt  }
0x5a: {  	_ =	shalt  }
0x5b: {  	_ =	shalt  }
0x5c: {  	_ =	shalt  }
0x5d: {  	_ =	shalt  }
0x5e: {  	_ =	shalt  }
0x5f: {  	_ =	shalt  }
0x60: {  	_ =	shalt  }
0x61: {  	_ =	shalt  }
0x62: {  	_ =	shalt  }
0x63: {  	_ =	shalt  }
0x64: {  	_ =	shalt  }
0x65: {  	_ =	shalt  }
0x66: {  	_ =	shalt  }
0x67: {  	_ =	shalt  }
0x68: {  	_ =	shalt  }
0x69: {  	_ =	shalt  }
0x6a: {  	_ =	shalt  }
0x6b: {  	_ =	shalt  }
0x6c: {  	_ =	shalt  }
0x6d: {  	_ =	shalt  }
0x6e: {  	_ =	shalt  }
0x6f: {  	_ =	shalt  }
0x70: {  	_ =	shalt  }
0x71: {  	_ =	shalt  }
0x72: {  	_ =	shalt  }
0x73: {  	_ =	shalt  }
0x74: {  	_ =	shalt  }
0x75: {  	_ =	shalt  }
0x76: {  	_ =	shalt  }
0x77: {  	_ =	shalt  }
0x78: {  	_ =	shalt  }
0x79: {  	_ =	shalt  }
0x7a: {  	_ =	shalt  }
0x7b: {  	_ =	shalt  }
0x7c: {  	_ =	shalt  }
0x7d: {  	_ =	shalt  }
0x7e: {  	_ =	shalt  }
0x7f: {  	_ =	shalt  }
0x80: {  	_ =	shalt  }
0x81: {  	_ =	shalt  }
0x82: {  	_ =	shalt  }
0x83: {  	_ =	shalt  }
0x84: {  	_ =	shalt  }
0x85: {  	_ =	shalt  }
0x86: {  	_ =	shalt  }
0x87: {  	_ =	shalt  }
.Lfunc_end0:
.L_simem_size_0:
called_computation_lowered:
.L_overlay_start_0:
0x88: {  	s2 =	sld [smem:$0x3FD9]  }
0x89: {  	s3 =	sld [smem:$0x3FFE];
	_ =	sdelay $0x1  }
0x8a: {  	s1 =	srdreg.scid  }
0x8b: {  	s0 =	sand.u32 $0x1, s1  }
0x8c: {  	s17 =	sshll.u32 s0, $0xA;
	s2 =	sadd.s32 s3, s2  }
0x8d: {  	s2 =	sadd.s32 s2, s17  }
0x8e: {  	[smem:$0x3FBC] =	sst s2  }
0x8f: {  	_ = 	snop  }
0x90: {  	s2 =	sld [smem:$0x3FD0];
	(tm) =	ssettm $0x1  }
0x91: {  	s18 =	sld [smem:$0x3FFB];
	_ =	sdelay $0x3  }
0x92: {  	_ =	strace s18  }
0x93: {  	s3 =	sld [smem:$0x3FFC];
	_ =	sdelay $0x3  }
0x94: {  	_ =	strace s3  }
0x95: {  	s3 =	sld [smem:$0x3FFD];
	_ =	sdelay $0x3  }
0x96: {  	_ =	strace s3  }
0x97: {  	_ =	strace $0x8FFFFFFF  }
0x98: {  	s19 =	sld [smem:$0x3FDB];
	_ =	sdelay $0x1  }
0x99: {  	s4 =	simm.s32 $_scs_section_size  }
0x9a: {  	s5 =	simm.s32 $_size__tile_overlayer_lowered;
	s6 =	simm.s32 $_tile_overlayer_lowered  }
0x9b: {  	s22 =	simm.s32 $0x1BFF;
	s21 =	sshll.u32 s6, $0x1;
	s3 =	sadd.s32 s4, s19  }
0x9c: {  	s7 =	simm.s32 $0x0;
	s20 =	sshll.u32 s5, $0x1;
	s5 =	sadd.s32 s21, s3  }
0x9d: {  	[timem:s7], [sflag:s22] =	dma.local [hbm:s5], s20  }
0x9e: {  	_ =	swait.ge [sflag:s22], s20  }
0x9f: {  	s4 =	ssub.s32 $0x0, s20;
	[sflag:s22] =	ssyncset.done $0x0  }
0xa0: {  	[sflag:s22] =	ssyncadd.s32 s4;
	_ =	sdelay $0x1  }
0xa1: {  	s23 =	simm.s32 $0x1B8B  }
0xa2: {  	_ =	swait.ge [sflag:s23], $0x1  }
0xa3: {  	[sflag:s23] =	ssyncset.done $0x0  }
0xa4: {  	s25 =	simm.s32 $0x1B8E;
	s24 =	sld [smem:$0x3FFE];
	[sflag:s23] =	ssyncadd.s32 $0xFFFFFFFF  }
0xa5: {  	s26 =	simm.s32 $execute0_lowered;
	[smem:$0x3FD2] =	sst s25  }
0xa6: {  	s5 =	sshll.u32 s26, $0x1;
	_ =	strace $0x80000046;
	[dreg:$0x1] =	wrdreg $0xFFFFFFFF  }
0xa7: {  	s28 =	simm.s32 $_size_execute0_lowered;
	s3 =	sadd.s32 s3, s5;
	[dreg:$0x0] =	wrdreg $0x0  }
0xa8: {  	s5 =	sshll.u32 s28, $0x1;
	[dreg:$0x2] =	wrdreg s3  }
0xa9: {  	[dreg:$0x3] =	wrdreg s5  }
0xaa: {  	[dreg:$0x4] =	wrdreg $0xC0  }
0xab: {  	_ =	task [dreg:s7], $0x5FFFF  }
0xac: {  	[dreg:$0x1] =	wrdreg $0xFFFFFFFF  }
0xad: {  	[dreg:$0x0] =	wrdreg $0x60  }
0xae: {  	[dreg:$0x2] =	wrdreg s24  }
0xaf: {  	[dreg:$0x3] =	wrdreg s2  }
0xb0: {  	[dreg:$0x4] =	wrdreg $0x29E00  }
0xb1: {  	[dreg:$0x5] =	wrdreg $0x9  }
0xb2: {  	_ =	task.clear_ibuf [dreg:s7], $0x6FFFF;
	_ =	strace $0x90000046  }
0xb3: {  	s29 =	simm.s32 $0x9;
	_ =	strace $0x80000048  }
0xb4: {  	_ =	swait.ge [sflag:s29], $0x1  }
0xb5: {  	[sflag:s29] =	ssyncadd.s32 $0xFFFFFFFF  }
0xb6: {  	_ =	strace $0x90000048  }
0xb7: {  	_ =	sfence  }
0xb8: {  	s30 =	sld [smem:$0x0];
	_ =	sdelay $0x2  }
0xb9: {  	s31 =	sshll.u32 s1, $0xD;
	s1 =	sshrl.u32 s1, $0x2  }
0xba: {  	s3 =	sand.u32 $0x4000, s31;
	s1 =	sadd.s32 s1, s30  }
0xbb: {  	s0 =	sor.u32 s3, s0;
	s1 =	sshll.u32 s1, $0x11  }
0xbc: {  	s0 =	sor.u32 s1, s0  }
0xbd: {  	s0 =	sadd.s32 $0x8F2B, s0  }
0xbe: {  	[sflag:s0] =	ssyncadd.remote.s32 $0x1  }
0xbf: {  	_ =	sfence.sel $0xFFFF  }
0xc0: {  	[dreg:$0x0] =	wrdreg $0xFFFFFFFF;
	(pc) =	sbr.abs _section_cstart, $3  }
0xc1: {  	[dreg:$0x1] =	wrdreg $0xFFFFFFFF  }
0xc2: {  	_ =	task.clear_ibuf [dreg:s7], $0x2FFFF;
	_ =	strace $0x9FFFFFFF  }
0xc3: {  	(tm) =	ssettm $0x7FFFFFFF  }
tec
execute0_lowered:
.L_overlay_start_1:
0x0: {  	(tag) =	ssettag $0x1  }
0x1: {  	s1 =	srdreg.scid;
	s4 =	rddreg [dreg:$0x0]  }
0x2: {  	s0 =	stileid.u32;
	s6 =	rddreg [dreg:$0x1]  }
0x3: {  	s2 =	rddreg [dreg:$0x2];
	s3 =	simm.s32 $0x0;
	s11 =	simm.s32 $0x2710  }
0x4: {  	s12 =	simm.s32 $0x1;
	s15 =	simm.s32 $0x0;
	s5 =	sand.u32 $0x1, s1  }
0x5: {  	s29 =	sshll.u32 s0, $0x1;
	s8 =	smul.u32 $0x280, s0;
	[smem:$0x7FF] =	sst s3  }
0x6: {  	s13 =	sshll.u32 s0, $0x6;
	s1 =	sor.u32 s5, s29;
	s9 =	smul.u32 $0x2800, s5  }
0x7: {  	s5 =	ssub.s32 $0x2, s5;
	s13 =	sor.u32 $0x1C02, s13;
	s7 =	smul.u32 $0x4E2, s1  }
0x8: {  	s1 =	rddreg [dreg:$0x3];
	_ =	strace $0x80000047;
	s30 =	sshrl.u32 s5, $0x1  }
0x9: {  	s9 =	sadd.s32 s8, s9;
	s10 =	ssub.s32 s5, s30;
	s7 =	sadd.s32 s7, s4  }
0xa: {  	s4 =	sadd.s32 s8, s2;
	s31 =	sshrl.u32 s9, $0x3;
	s8 =	simm.s32 $0x2760  }
0xb: {  	s9 =	simm.s32 $0x2;
	s5 =	sadd.s32 $0xC200, s7;
	s6 =	sadd.s32 s6, s31  }
0xc: {  	v0 =	vimm.f32 $0.0e+00;
	v1 =	vimm.f32 $1.000000000e+00;
	s7 =	smax.u32 s10, $0x1;
	s10 =	simm.s32 $0x50;
	s14 =	sshrl.u32 s4, $0x3  }
.LBB2_1:
0xd: {  	[tilespmem:$0x2760] =	vst v0  }
0xe: {  	[tilespmem:$0x2770] =	vst v0  }
0xf: {  	[tilespmem:$0x2780] =	vst v0  }
0x10: {  	[tilespmem:$0x2790] =	vst v0  }
0x11: {  	[tilespmem:$0x27A0] =	vst v0  }
0x12: {  	[tilespmem:$0x27B0] =	vst v0  }
0x13: {  	[tilespmem:$0x27C0] =	vst v0  }
0x14: {  	[tilespmem:$0x27D0] =	vst v0  }
0x15: {  	[tilespmem:$0x27E0] =	vst v0  }
0x16: {  	[tilespmem:$0x27F0] =	vst v0  }
0x17: {  	[tilespmem:$0x2800] =	vst v0  }
0x18: {  	[tilespmem:$0x2810] =	vst v0  }
0x19: {  	[tilespmem:$0x2820] =	vst v0  }
0x1a: {  	[tilespmem:$0x2830] =	vst v0  }
0x1b: {  	[tilespmem:$0x2840] =	vst v0  }
0x1c: {  	[tilespmem:$0x2850] =	vst v0  }
0x1d: {  	[tilespmem:$0x2860] =	vst v0  }
0x1e: {  	[tilespmem:$0x2870] =	vst v0  }
0x1f: {  	[tilespmem:$0x2880] =	vst v0  }
0x20: {  	[tilespmem:$0x2890] =	vst v0  }
0x21: {  	[tilespmem:$0x28A0] =	vst v0  }
0x22: {  	[tilespmem:$0x28B0] =	vst v0  }
0x23: {  	[tilespmem:$0x28C0] =	vst v0  }
0x24: {  	[tilespmem:$0x28D0] =	vst v0  }
0x25: {  	[tilespmem:$0x28E0] =	vst v0  }
0x26: {  	[tilespmem:$0x28F0] =	vst v0  }
0x27: {  	[tilespmem:$0x2900] =	vst v0  }
0x28: {  	[tilespmem:$0x2910] =	vst v0  }
0x29: {  	[tilespmem:$0x2920] =	vst v0  }
0x2a: {  	[tilespmem:$0x2930] =	vst v0  }
0x2b: {  	[tilespmem:$0x2940] =	vst v0  }
0x2c: {  	[tilespmem:$0x2950] =	vst v0  }
0x2d: {  	[tilespmem:$0x2960] =	vst v0  }
0x2e: {  	[tilespmem:$0x2970] =	vst v0  }
0x2f: {  	[tilespmem:$0x2980] =	vst v0  }
0x30: {  	[tilespmem:$0x2990] =	vst v0  }
0x31: {  	[tilespmem:$0x29A0] =	vst v0  }
0x32: {  	[tilespmem:$0x29B0] =	vst v0  }
0x33: {  	[tilespmem:$0x29C0] =	vst v0  }
0x34: {  	[tilespmem:$0x29D0] =	vst v0  }
0x35: {  	[tilespmem:$0x2710] =	vst v1  }
0x36: {  	[tilespmem:$0x2720] =	vst v1  }
0x37: {  	[tilespmem:$0x2730] =	vst v1  }
0x38: {  	[tilespmem:$0x2740] =	vst v1  }
0x39: {  	[tilespmem:$0x2750] =	vst v1  }
0x3a: {  	[spmem:s4] =	stream.linear.scatter [tilespmem:s8], [sflag:$0x2], $0x280, $0x38;
	[tilespmem:$0x2C60] =	vst v63  }
0x3b: {  	_ =	swait.ge [sflag:s9], $0x280  }
0x3c: {  	[sflag:s9] =	ssyncset.done $0x0  }
0x3d: {  	[sflag:s9] =	ssyncadd.s32 $0xFFFFFD80  }
0x3e: {  	[tilespmem:s3], [sflag:$0x2] =	stream.linear.gather [hbm4b:s5+s3], $0x2710, $0x38;
	[tilespmem:$0x2C60] =	vst v63  }
0x3f: {  	_ =	swait.ge [sflag:s9], $0x2710  }
0x40: {  	[sflag:s9] =	ssyncset.done $0x0  }
0x41: {  	[sflag:s9] =	ssyncadd.s32 $0xFFFFD8F0  }
0x42: {  	s16 =	simm.s32 $0x0;
	[bflag:$0x0] =	sbarrier.arrive $0xFFFF  }
.LBB2_2:
0x43: {  	p0 =	sne.s32 s16, $0x9B00  }
.Ltmp0:
0x44: {  	_ = 	snop;
	(pc) =	sbr.rel @p0 .LBB2_2-.Ltmp0, $3  }
0x45: {  	_ =	sdelay $0x1  }
0x46: {  	s17 =	sshra.s32 s16, $0x2;
	s16 =	sadd.s32 $0x140, s16  }
0x47: {  	[spmem:s2] =	stream.indirect.scatter.add.f32 [tilespmem:s11], [sflag:$0x1], $0x1, s17, s10, $0xb8;
	[tilespmem:$0x2C60] =	vst v63  }
0x48: {  	_ =	swait.ge [sflag:s12], $0x50  }
0x49: {  	s16 =	simm.s32 $0x7C;
	[sflag:s12] =	ssyncset.done $0x0  }
.LBB2_4:
0x4a: {  	p0 =	sne.s32 s16, $0x1;
	s16 =	sadd.s32 $0xFFFFFFFF, s16;
	[sflag:s12] =	ssyncadd.s32 $0xFFFFFFB0  }
.Ltmp1:
0x4b: {  	(pc) =	sbr.rel @p0 .LBB2_4-.Ltmp1, $3  }
0x4c: {  	_ =	sdelay $0x1  }
0x4d: {  	_ =	swait.ge [sflag:s12], $0x50  }
0x4e: {  	[sflag:s12] =	ssyncset.done $0x0  }
0x4f: {  	s15 =	sadd.s32 $0x1, s15  }
0x50: {  	[sflag:s12] =	ssyncadd.s32 $0xFFFFFFB0;
	p0 =	sne.s32 s15, s7  }
.Ltmp2:
0x51: {  	[bflag:$0x0] =	sbarrier.arrive $0xFFFF;
	(pc) =	sbr.rel @p0 .LBB2_1-.Ltmp2, $4  }
0x52: {  	[hbm:s6], [sflag:s13] =	dma.local [spmem:s14], $0x50  }
0x53: {  	_ =	swait.ge [sflag:s9], $0x50  }
0x54: {  	[sflag:s9] =	ssyncset.done $0x0  }
0x55: {  	[sflag:s9] =	ssyncadd.s32 $0xFFFFFFB0  }
0x56: {  	_ =	sfence.sel $0x180000  }
0x57: {  	[bflag:$0x0] =	sbarrier.arrive $0xFFFF  }
0x58: {  	p0 =	sne.s32 s0, $0x0;
	_ =	strace $0x90000047  }
0x59: {  	s0 =	sadd.s32 @!p0 $0x100000, s1;
	[bflag:$0x2] =	sbarrier.arrive $0xFFFF  }
0x5a: {  	[sflag:s0] =	ssyncadd.tile.s32 @!p0 $0x1;
	_ =	shalt  }
.Lfunc_end2:
_tile_overlayer_lowered:
.L_overlay_start_2:
0x5b: {  	(tag) =	ssettag $0x2  }
0x5c: {  	s0 =	rddreg [dreg:$0x0];
	s2 =	stileid.u32  }
0x5d: {  	s1 =	rddreg [dreg:$0x1];
	p0 =	sne.s32 s2, $0x0  }
0x5e: {  	s3 =	rddreg [dreg:$0x2];
	[bflag:$0x3] =	sbarrier.arrive $0xFFFF;
	s2 =	simm.s32 @!p0 $0x1C02  }
0x5f: {  	[timem:s3], [sflag:s2] =	dma.local @!p0 [hbm:s0], s1  }
0x60: {  	s0 =	simm.s32 @!p0 $0x2  }
0x61: {  	_ =	swait.ge @!p0 [sflag:s0], s1  }
0x62: {  	s1 =	ssub.s32 @!p0 $0x0, s1;
	[sflag:s0] =	ssyncset.done @!p0 $0x0  }
0x63: {  	[sflag:s0] =	ssyncadd.s32 @!p0 s1  }
0x64: {  	[bflag:$0x3] =	sbarrier.arrive $0xFFFF  }
0x65: {  	_ =	shalt  }

</sc_bundles>
